<compile_context>
chip_gen: v7x
topology: tpu7x:2x2x1
jax: 0.10.2.dev20260603
libtpu: 0.0.44.dev20260713+nightly
codegen_flags: <defaults>
</compile_context>

<pallas_src>
import functools

import jax
import jax.numpy as jnp
from jax import lax
from jax.experimental import pallas as pl
from jax.experimental.pallas import tpu as pltpu
from jax.experimental.pallas import tpu_sc as plsc

_SC_CORES = 2
_SC_SUBCORES = 16
_SC_WORKERS = _SC_CORES * _SC_SUBCORES
_LANES = 16
_RB = 16
_NBUF = 4


def _sc_partial_sums(pred2, gt2, start_row, n_rows):
    rows, C = pred2.shape
    groups = C // _LANES
    rpw = n_rows // _SC_WORKERS
    nsteps = rpw // _RB
    mesh = plsc.VectorSubcoreMesh(core_axis_name="c", subcore_axis_name="s")

    @functools.partial(
        pl.kernel,
        mesh=mesh,
        out_type=jax.ShapeDtypeStruct((_SC_WORKERS, _LANES), jnp.float32),
        scratch_types=[
            pltpu.VMEM((_NBUF, _RB, C), jnp.float32),
            pltpu.VMEM((_NBUF, _RB, C), jnp.float32),
            pltpu.VMEM((_LANES,), jnp.float32),
            pltpu.SemaphoreType.DMA((_NBUF,)),
        ],
    )
    def k(pred_hbm, gt_hbm, out_hbm, pbuf, gbuf, acc_ref, sems):
        wid = lax.axis_index("c") * _SC_SUBCORES + lax.axis_index("s")
        base = start_row + wid * rpw
        acc_ref[...] = jnp.zeros((_LANES,), jnp.float32)

        def start_step(step, b):
            r0 = base + step * _RB
            pltpu.async_copy(pred_hbm.at[pl.ds(r0, _RB)], pbuf.at[b], sems.at[b])
            pltpu.async_copy(gt_hbm.at[pl.ds(r0, _RB)], gbuf.at[b], sems.at[b])

        for b in range(_NBUF - 1):
            start_step(b, b)

        @pl.loop(0, nsteps, step=_NBUF)
        def _(step0):
            for b in range(_NBUF):
                step = step0 + b
                pltpu.make_async_copy(
                    pred_hbm.at[pl.ds(0, _RB)], pbuf.at[b], sems.at[b]
                ).wait()
                pltpu.make_async_copy(
                    gt_hbm.at[pl.ds(0, _RB)], gbuf.at[b], sems.at[b]
                ).wait()
                nxt = step + _NBUF - 1

                @pl.when(nxt < nsteps)
                def _():
                    start_step(nxt, (b + _NBUF - 1) % _NBUF)

                @pl.loop(0, _RB)
                def _(r):
                    s = jnp.zeros((_LANES,), jnp.float32)
                    g0 = None
                    for c in range(groups):
                        sl = pl.ds(c * _LANES, _LANES)
                        g = gbuf[b, r, sl]
                        if c == 0:
                            g0 = g[0]
                        d = pbuf[b, r, sl] - g
                        s = s + d * d
                    m = jnp.where(g0 != -1.0, 1.0, 0.0)
                    acc_ref[...] = acc_ref[...] + s * m

        pltpu.sync_copy(acc_ref, out_hbm.at[wid])

    return k(pred2, gt2)


def kernel(pred, gt):
    B, N, C = pred.shape
    rows = B * N
    pred2 = pred.reshape(rows, C)
    gt2 = gt.reshape(rows, C)
    sc_part = _sc_partial_sums(pred2, gt2, 0, rows)
    return jnp.sum(sc_part)

# --- scband reference (transcript-rebuilt; emitter-appended) ---
"""Pipeline reference for scband-get-loss-82008105550183 (READ-ONLY COPY).

The authoritative reference and input builder live on the scoring server;
editing this copy changes nothing except your own understanding.
"""

import jax, jax.numpy as jnp
import numpy as np


def setup_inputs(seed: int = 0) -> dict:
    key = jax.random.key(seed)
    k1, k2 = jax.random.split(key)
    pred = jax.random.normal(k1, (16, 2048, 512), dtype=jnp.float32)
    gt = jax.random.normal(k2, (16, 2048, 512), dtype=jnp.float32)
    return {"pred": pred, "gt": gt}


def reference(pred, gt):
    # Faithful translation of get_loss.forward:
    #   mask = rows where gt[:, :, 0] != -1
    #   loss = MSE(reduction='sum') over masked rows
    # Implemented with a static-shape multiplicative mask (equivalent math:
    # unmasked rows contribute 0 to the sum).
    B, N, C = pred.shape
    gt2 = gt.reshape(B * N, C)
    pred2 = pred.reshape(B * N, C)
    mask = (gt2[:, 0] != -1.0).astype(pred2.dtype)
    sq = (pred2 - gt2) ** 2
    loss = jnp.sum(sq * mask[:, None])
    return loss

if __name__ == "__main__":
    import jax
    _d = setup_inputs()
    print(jax.jit(kernel)(*tuple(_d.values())))

</pallas_src>

<mosaic_0001>
#map = affine_map<(d0, d1) -> (0, 0)>
module attributes {stable_mosaic.version = 14 : i64} {
  func.func @k(%arg0: i32, %arg1: i32, %arg2: memref<32768x512xf32, #tpu.memory_space<hbm>>, %arg3: memref<32768x512xf32, #tpu.memory_space<hbm>>, %arg4: memref<32x16xf32, #tpu.memory_space<hbm>>, %arg5: memref<4x16x512xf32, #tpu.memory_space<vmem>>, %arg6: memref<4x16x512xf32, #tpu.memory_space<vmem>>, %arg7: memref<16xf32, #tpu.memory_space<vmem>>, %arg8: memref<4x!tpu.dma_semaphore, #tpu.memory_space<semaphore_mem>>) attributes {dimension_semantics = [#tpu.dimension_semantics<core_parallel>, #tpu.dimension_semantics<subcore_parallel>], iteration_bounds = array<i64: 2, 16>, scalar_prefetch = 0 : i64, scratch_operands = 4 : i64, tpu.core_type = #tpu.core_type<sc_vector_subcore>, window_params = [{transform_indices = #map}, {transform_indices = #map}, {transform_indices = #map}]} {
    %mul3A = arith.constant 16 : i32
    %mul3A_0 = arith.muli %arg0, %mul3A : i32
    %add3A = arith.addi %mul3A_0, %arg1 : i32
    %mul3A_1 = arith.constant 1024 : i32
    %mul3A_2 = arith.muli %add3A, %mul3A_1 : i32
    %add3A_3 = arith.constant 0 : i32
    %add3A_4 = arith.addi %add3A_3, %mul3A_2 : i32
    %broadcast_in_dim3A = arith.constant 0.000000e+00 : f32
    %broadcast_in_dim3A_5 = vector.broadcast %broadcast_in_dim3A : f32 to vector<16xf32>
    %swap3A = arith.constant 0 : index
    %swap3A_6 = tpu.vector_load %arg7[%swap3A] {strides = array<i32>} : memref<16xf32, #tpu.memory_space<vmem>>, vector<16xf32>,
    %swap3A_7 = vector.shape_cast %swap3A_6 : vector<16xf32> to vector<16xf32>
    %swap3A_8 = vector.shape_cast %broadcast_in_dim3A_5 : vector<16xf32> to vector<16xf32>
    tpu.vector_store %arg7[%swap3A], %swap3A_8 {strides = array<i32>} : memref<16xf32, #tpu.memory_space<vmem>>, vector<16xf32>,
    %add3A_9 = arith.constant 0 : i32
    %add3A_10 = arith.addi %add3A_4, %add3A_9 : i32
    %dma_start3A = arith.constant 0 : i32
    %dma_start3A_11 = arith.constant 0 : i32
    %dma_start3A_12 = arith.constant 0 : i32
    %dma_start3A_13 = arith.constant 0 : i32
    %dma_start3A_14 = tpu.memref_slice %arg5[%dma_start3A, %dma_start3A_12, %dma_start3A_13] : memref<4x16x512xf32, #tpu.memory_space<vmem>> -> memref<1x16x512xf32, #tpu.memory_space<vmem>>
    %dma_start3A_15 = tpu.memref_squeeze %dma_start3A_14 : memref<1x16x512xf32, #tpu.memory_space<vmem>> -> memref<16x512xf32, #tpu.memory_space<vmem>>
    %dma_start3A_16 = arith.constant 0 : i32
    %dma_start3A_17 = tpu.memref_slice %arg2[%add3A_10, %dma_start3A_16] : memref<32768x512xf32, #tpu.memory_space<hbm>> -> memref<16x512xf32, #tpu.memory_space<hbm>>
    %dma_start3A_18 = tpu.memref_slice %arg8[%dma_start3A_11] : memref<4x!tpu.dma_semaphore, #tpu.memory_space<semaphore_mem>> -> memref<1x!tpu.dma_semaphore, #tpu.memory_space<semaphore_mem>>
    %dma_start3A_19 = tpu.memref_squeeze %dma_start3A_18 : memref<1x!tpu.dma_semaphore, #tpu.memory_space<semaphore_mem>> -> memref<!tpu.dma_semaphore, #tpu.memory_space<semaphore_mem>>
    %dma_start3A_20 = arith.constant 0 : i32
    %dma_start3A_21 = arith.constant 0 : i32
    %dma_start3A_22 = tpu.memref_slice %arg5[%dma_start3A, %dma_start3A_20, %dma_start3A_21] : memref<4x16x512xf32, #tpu.memory_space<vmem>> -> memref<1x16x512xf32, #tpu.memory_space<vmem>>
    %dma_start3A_23 = tpu.memref_squeeze %dma_start3A_22 : memref<1x16x512xf32, #tpu.memory_space<vmem>> -> memref<16x512xf32, #tpu.memory_space<vmem>>
    %dma_start3A_24 = arith.constant 0 : i32
    %dma_start3A_25 = tpu.memref_slice %arg2[%add3A_10, %dma_start3A_24] : memref<32768x512xf32, #tpu.memory_space<hbm>> -> memref<16x512xf32, #tpu.memory_space<hbm>>
    tpu.enqueue_dma source(%dma_start3A_25 : memref<16x512xf32, #tpu.memory_space<hbm>>) target(%dma_start3A_23 : memref<16x512xf32, #tpu.memory_space<vmem>>) target_semaphore(%dma_start3A_19 : memref<!tpu.dma_semaphore, #tpu.memory_space<semaphore_mem>>)
    %dma_start3A_26 = arith.constant 0 : i32
    %dma_start3A_27 = arith.constant 0 : i32
    %dma_start3A_28 = arith.constant 0 : i32
    %dma_start3A_29 = arith.constant 0 : i32
    %dma_start3A_30 = tpu.memref_slice %arg6[%dma_start3A_26, %dma_start3A_28, %dma_start3A_29] : memref<4x16x512xf32, #tpu.memory_space<vmem>> -> memref<1x16x512xf32, #tpu.memory_space<vmem>>
    %dma_start3A_31 = tpu.memref_squeeze %dma_start3A_30 : memref<1x16x512xf32, #tpu.memory_space<vmem>> -> memref<16x512xf32, #tpu.memory_space<vmem>>
    %dma_start3A_32 = arith.constant 0 : i32
    %dma_start3A_33 = tpu.memref_slice %arg3[%add3A_10, %dma_start3A_32] : memref<32768x512xf32, #tpu.memory_space<hbm>> -> memref<16x512xf32, #tpu.memory_space<hbm>>
    %dma_start3A_34 = tpu.memref_slice %arg8[%dma_start3A_27] : memref<4x!tpu.dma_semaphore, #tpu.memory_space<semaphore_mem>> -> memref<1x!tpu.dma_semaphore, #tpu.memory_space<semaphore_mem>>
    %dma_start3A_35 = tpu.memref_squeeze %dma_start3A_34 : memref<1x!tpu.dma_semaphore, #tpu.memory_space<semaphore_mem>> -> memref<!tpu.dma_semaphore, #tpu.memory_space<semaphore_mem>>
    %dma_start3A_36 = arith.constant 0 : i32
    %dma_start3A_37 = arith.constant 0 : i32
    %dma_start3A_38 = tpu.memref_slice %arg6[%dma_start3A_26, %dma_start3A_36, %dma_start3A_37] : memref<4x16x512xf32, #tpu.memory_space<vmem>> -> memref<1x16x512xf32, #tpu.memory_space<vmem>>
    %dma_start3A_39 = tpu.memref_squeeze %dma_start3A_38 : memref<1x16x512xf32, #tpu.memory_space<vmem>> -> memref<16x512xf32, #tpu.memory_space<vmem>>
    %dma_start3A_40 = arith.constant 0 : i32
    %dma_start3A_41 = tpu.memref_slice %arg3[%add3A_10, %dma_start3A_40] : memref<32768x512xf32, #tpu.memory_space<hbm>> -> memref<16x512xf32, #tpu.memory_space<hbm>>
    tpu.enqueue_dma source(%dma_start3A_41 : memref<16x512xf32, #tpu.memory_space<hbm>>) target(%dma_start3A_39 : memref<16x512xf32, #tpu.memory_space<vmem>>) target_semaphore(%dma_start3A_35 : memref<!tpu.dma_semaphore, #tpu.memory_space<semaphore_mem>>)
    %add3A_42 = arith.constant 16 : i32
    %add3A_43 = arith.addi %add3A_4, %add3A_42 : i32
    %dma_start3A_44 = arith.constant 1 : i32
    %dma_start3A_45 = arith.constant 1 : i32
    %dma_start3A_46 = arith.constant 0 : i32
    %dma_start3A_47 = arith.constant 0 : i32
    %dma_start3A_48 = tpu.memref_slice %arg5[%dma_start3A_44, %dma_start3A_46, %dma_start3A_47] : memref<4x16x512xf32, #tpu.memory_space<vmem>> -> memref<1x16x512xf32, #tpu.memory_space<vmem>>
    %dma_start3A_49 = tpu.memref_squeeze %dma_start3A_48 : memref<1x16x512xf32, #tpu.memory_space<vmem>> -> memref<16x512xf32, #tpu.memory_space<vmem>>
    %dma_start3A_50 = arith.constant 0 : i32
    %dma_start3A_51 = tpu.memref_slice %arg2[%add3A_43, %dma_start3A_50] : memref<32768x512xf32, #tpu.memory_space<hbm>> -> memref<16x512xf32, #tpu.memory_space<hbm>>
    %dma_start3A_52 = tpu.memref_slice %arg8[%dma_start3A_45] : memref<4x!tpu.dma_semaphore, #tpu.memory_space<semaphore_mem>> -> memref<1x!tpu.dma_semaphore, #tpu.memory_space<semaphore_mem>>
    %dma_start3A_53 = tpu.memref_squeeze %dma_start3A_52 : memref<1x!tpu.dma_semaphore, #tpu.memory_space<semaphore_mem>> -> memref<!tpu.dma_semaphore, #tpu.memory_space<semaphore_mem>>
    %dma_start3A_54 = arith.constant 0 : i32
    %dma_start3A_55 = arith.constant 0 : i32
    %dma_start3A_56 = tpu.memref_slice %arg5[%dma_start3A_44, %dma_start3A_54, %dma_start3A_55] : memref<4x16x512xf32, #tpu.memory_space<vmem>> -> memref<1x16x512xf32, #tpu.memory_space<vmem>>
    %dma_start3A_57 = tpu.memref_squeeze %dma_start3A_56 : memref<1x16x512xf32, #tpu.memory_space<vmem>> -> memref<16x512xf32, #tpu.memory_space<vmem>>
    %dma_start3A_58 = arith.constant 0 : i32
    %dma_start3A_59 = tpu.memref_slice %arg2[%add3A_43, %dma_start3A_58] : memref<32768x512xf32, #tpu.memory_space<hbm>> -> memref<16x512xf32, #tpu.memory_space<hbm>>
    tpu.enqueue_dma source(%dma_start3A_59 : memref<16x512xf32, #tpu.memory_space<hbm>>) target(%dma_start3A_57 : memref<16x512xf32, #tpu.memory_space<vmem>>) target_semaphore(%dma_start3A_53 : memref<!tpu.dma_semaphore, #tpu.memory_space<semaphore_mem>>)
    %dma_start3A_60 = arith.constant 1 : i32
    %dma_start3A_61 = arith.constant 1 : i32
    %dma_start3A_62 = arith.constant 0 : i32
    %dma_start3A_63 = arith.constant 0 : i32
    %dma_start3A_64 = tpu.memref_slice %arg6[%dma_start3A_60, %dma_start3A_62, %dma_start3A_63] : memref<4x16x512xf32, #tpu.memory_space<vmem>> -> memref<1x16x512xf32, #tpu.memory_space<vmem>>
    %dma_start3A_65 = tpu.memref_squeeze %dma_start3A_64 : memref<1x16x512xf32, #tpu.memory_space<vmem>> -> memref<16x512xf32, #tpu.memory_space<vmem>>
    %dma_start3A_66 = arith.constant 0 : i32
    %dma_start3A_67 = tpu.memref_slice %arg3[%add3A_43, %dma_start3A_66] : memref<32768x512xf32, #tpu.memory_space<hbm>> -> memref<16x512xf32, #tpu.memory_space<hbm>>
    %dma_start3A_68 = tpu.memref_slice %arg8[%dma_start3A_61] : memref<4x!tpu.dma_semaphore, #tpu.memory_space<semaphore_mem>> -> memref<1x!tpu.dma_semaphore, #tpu.memory_space<semaphore_mem>>
    %dma_start3A_69 = tpu.memref_squeeze %dma_start3A_68 : memref<1x!tpu.dma_semaphore, #tpu.memory_space<semaphore_mem>> -> memref<!tpu.dma_semaphore, #tpu.memory_space<semaphore_mem>>
    %dma_start3A_70 = arith.constant 0 : i32
    %dma_start3A_71 = arith.constant 0 : i32
    %dma_start3A_72 = tpu.memref_slice %arg6[%dma_start3A_60, %dma_start3A_70, %dma_start3A_71] : memref<4x16x512xf32, #tpu.memory_space<vmem>> -> memref<1x16x512xf32, #tpu.memory_space<vmem>>
    %dma_start3A_73 = tpu.memref_squeeze %dma_start3A_72 : memref<1x16x512xf32, #tpu.memory_space<vmem>> -> memref<16x512xf32, #tpu.memory_space<vmem>>
    %dma_start3A_74 = arith.constant 0 : i32
    %dma_start3A_75 = tpu.memref_slice %arg3[%add3A_43, %dma_start3A_74] : memref<32768x512xf32, #tpu.memory_space<hbm>> -> memref<16x512xf32, #tpu.memory_space<hbm>>
    tpu.enqueue_dma source(%dma_start3A_75 : memref<16x512xf32, #tpu.memory_space<hbm>>) target(%dma_start3A_73 : memref<16x512xf32, #tpu.memory_space<vmem>>) target_semaphore(%dma_start3A_69 : memref<!tpu.dma_semaphore, #tpu.memory_space<semaphore_mem>>)
    %add3A_76 = arith.constant 32 : i32
    %add3A_77 = arith.addi %add3A_4, %add3A_76 : i32
    %dma_start3A_78 = arith.constant 2 : i32
    %dma_start3A_79 = arith.constant 2 : i32
    %dma_start3A_80 = arith.constant 0 : i32
    %dma_start3A_81 = arith.constant 0 : i32
    %dma_start3A_82 = tpu.memref_slice %arg5[%dma_start3A_78, %dma_start3A_80, %dma_start3A_81] : memref<4x16x512xf32, #tpu.memory_space<vmem>> -> memref<1x16x512xf32, #tpu.memory_space<vmem>>
    %dma_start3A_83 = tpu.memref_squeeze %dma_start3A_82 : memref<1x16x512xf32, #tpu.memory_space<vmem>> -> memref<16x512xf32, #tpu.memory_space<vmem>>
    %dma_start3A_84 = arith.constant 0 : i32
    %dma_start3A_85 = tpu.memref_slice %arg2[%add3A_77, %dma_start3A_84] : memref<32768x512xf32, #tpu.memory_space<hbm>> -> memref<16x512xf32, #tpu.memory_space<hbm>>
    %dma_start3A_86 = tpu.memref_slice %arg8[%dma_start3A_79] : memref<4x!tpu.dma_semaphore, #tpu.memory_space<semaphore_mem>> -> memref<1x!tpu.dma_semaphore, #tpu.memory_space<semaphore_mem>>
    %dma_start3A_87 = tpu.memref_squeeze %dma_start3A_86 : memref<1x!tpu.dma_semaphore, #tpu.memory_space<semaphore_mem>> -> memref<!tpu.dma_semaphore, #tpu.memory_space<semaphore_mem>>
    %dma_start3A_88 = arith.constant 0 : i32
    %dma_start3A_89 = arith.constant 0 : i32
    %dma_start3A_90 = tpu.memref_slice %arg5[%dma_start3A_78, %dma_start3A_88, %dma_start3A_89] : memref<4x16x512xf32, #tpu.memory_space<vmem>> -> memref<1x16x512xf32, #tpu.memory_space<vmem>>
    %dma_start3A_91 = tpu.memref_squeeze %dma_start3A_90 : memref<1x16x512xf32, #tpu.memory_space<vmem>> -> memref<16x512xf32, #tpu.memory_space<vmem>>
    %dma_start3A_92 = arith.constant 0 : i32
    %dma_start3A_93 = tpu.memref_slice %arg2[%add3A_77, %dma_start3A_92] : memref<32768x512xf32, #tpu.memory_space<hbm>> -> memref<16x512xf32, #tpu.memory_space<hbm>>
    tpu.enqueue_dma source(%dma_start3A_93 : memref<16x512xf32, #tpu.memory_space<hbm>>) target(%dma_start3A_91 : memref<16x512xf32, #tpu.memory_space<vmem>>) target_semaphore(%dma_start3A_87 : memref<!tpu.dma_semaphore, #tpu.memory_space<semaphore_mem>>)
    %dma_start3A_94 = arith.constant 2 : i32
    %dma_start3A_95 = arith.constant 2 : i32
    %dma_start3A_96 = arith.constant 0 : i32
    %dma_start3A_97 = arith.constant 0 : i32
    %dma_start3A_98 = tpu.memref_slice %arg6[%dma_start3A_94, %dma_start3A_96, %dma_start3A_97] : memref<4x16x512xf32, #tpu.memory_space<vmem>> -> memref<1x16x512xf32, #tpu.memory_space<vmem>>
    %dma_start3A_99 = tpu.memref_squeeze %dma_start3A_98 : memref<1x16x512xf32, #tpu.memory_space<vmem>> -> memref<16x512xf32, #tpu.memory_space<vmem>>
    %dma_start3A_100 = arith.constant 0 : i32
    %dma_start3A_101 = tpu.memref_slice %arg3[%add3A_77, %dma_start3A_100] : memref<32768x512xf32, #tpu.memory_space<hbm>> -> memref<16x512xf32, #tpu.memory_space<hbm>>
    %dma_start3A_102 = tpu.memref_slice %arg8[%dma_start3A_95] : memref<4x!tpu.dma_semaphore, #tpu.memory_space<semaphore_mem>> -> memref<1x!tpu.dma_semaphore, #tpu.memory_space<semaphore_mem>>
    %dma_start3A_103 = tpu.memref_squeeze %dma_start3A_102 : memref<1x!tpu.dma_semaphore, #tpu.memory_space<semaphore_mem>> -> memref<!tpu.dma_semaphore, #tpu.memory_space<semaphore_mem>>
    %dma_start3A_104 = arith.constant 0 : i32
    %dma_start3A_105 = arith.constant 0 : i32
    %dma_start3A_106 = tpu.memref_slice %arg6[%dma_start3A_94, %dma_start3A_104, %dma_start3A_105] : memref<4x16x512xf32, #tpu.memory_space<vmem>> -> memref<1x16x512xf32, #tpu.memory_space<vmem>>
    %dma_start3A_107 = tpu.memref_squeeze %dma_start3A_106 : memref<1x16x512xf32, #tpu.memory_space<vmem>> -> memref<16x512xf32, #tpu.memory_space<vmem>>
    %dma_start3A_108 = arith.constant 0 : i32
    %dma_start3A_109 = tpu.memref_slice %arg3[%add3A_77, %dma_start3A_108] : memref<32768x512xf32, #tpu.memory_space<hbm>> -> memref<16x512xf32, #tpu.memory_space<hbm>>
    tpu.enqueue_dma source(%dma_start3A_109 : memref<16x512xf32, #tpu.memory_space<hbm>>) target(%dma_start3A_107 : memref<16x512xf32, #tpu.memory_space<vmem>>) target_semaphore(%dma_start3A_103 : memref<!tpu.dma_semaphore, #tpu.memory_space<semaphore_mem>>)
    %scan3A = arith.constant 0 : i32
    %scan3A_110 = arith.constant 16 : i32
    %scan3A_111 = arith.addi %scan3A, %scan3A_110 : i32
    %scan3A_112 = arith.constant 1 : i32
    scf.for %scan3A_114 = %scan3A to %scan3A_111 step %scan3A_112  : i32 {
      %mul3A_115 = arith.constant 4 : i32
      %mul3A_116 = arith.muli %scan3A_114, %mul3A_115 : i32
      %add3A_117 = arith.constant 0 : i32
      %add3A_118 = arith.addi %add3A_117, %mul3A_116 : i32
      %add3A_119 = arith.constant 0 : i32
      %add3A_120 = arith.addi %add3A_118, %add3A_119 : i32
      %dma_wait3A = arith.constant 0 : i32
      %dma_wait3A_121 = arith.constant 0 : i32
      %dma_wait3A_122 = arith.constant 0 : i32
      %dma_wait3A_123 = arith.constant 0 : i32
      %dma_wait3A_124 = tpu.memref_slice %arg5[%dma_wait3A, %dma_wait3A_122, %dma_wait3A_123] : memref<4x16x512xf32, #tpu.memory_space<vmem>> -> memref<1x16x512xf32, #tpu.memory_space<vmem>>
      %dma_wait3A_125 = tpu.memref_squeeze %dma_wait3A_124 : memref<1x16x512xf32, #tpu.memory_space<vmem>> -> memref<16x512xf32, #tpu.memory_space<vmem>>
      %dma_wait3A_126 = arith.constant 0 : i32
      %dma_wait3A_127 = arith.constant 0 : i32
      %dma_wait3A_128 = tpu.memref_slice %arg2[%dma_wait3A_126, %dma_wait3A_127] : memref<32768x512xf32, #tpu.memory_space<hbm>> -> memref<16x512xf32, #tpu.memory_space<hbm>>
      %dma_wait3A_129 = tpu.memref_slice %arg8[%dma_wait3A_121] : memref<4x!tpu.dma_semaphore, #tpu.memory_space<semaphore_mem>> -> memref<1x!tpu.dma_semaphore, #tpu.memory_space<semaphore_mem>>
      %dma_wait3A_130 = tpu.memref_squeeze %dma_wait3A_129 : memref<1x!tpu.dma_semaphore, #tpu.memory_space<semaphore_mem>> -> memref<!tpu.dma_semaphore, #tpu.memory_space<semaphore_mem>>
      %dma_wait3A_131 = arith.constant 0 : i32
      %dma_wait3A_132 = arith.constant 0 : i32
      %dma_wait3A_133 = tpu.memref_slice %arg5[%dma_wait3A, %dma_wait3A_131, %dma_wait3A_132] : memref<4x16x512xf32, #tpu.memory_space<vmem>> -> memref<1x16x512xf32, #tpu.memory_space<vmem>>
      %dma_wait3A_134 = tpu.memref_squeeze %dma_wait3A_133 : memref<1x16x512xf32, #tpu.memory_space<vmem>> -> memref<16x512xf32, #tpu.memory_space<vmem>>
      %dma_wait3A_135 = arith.constant 0 : i32
      %dma_wait3A_136 = arith.constant 0 : i32
      %dma_wait3A_137 = tpu.memref_slice %arg2[%dma_wait3A_135, %dma_wait3A_136] : memref<32768x512xf32, #tpu.memory_space<hbm>> -> memref<16x512xf32, #tpu.memory_space<hbm>>
      tpu.wait_dma2 semaphore(%dma_wait3A_130 : memref<!tpu.dma_semaphore, #tpu.memory_space<semaphore_mem>>) src(%dma_wait3A_137 : memref<16x512xf32, #tpu.memory_space<hbm>>) dst(%dma_wait3A_134 : memref<16x512xf32, #tpu.memory_space<vmem>>)
      %dma_wait3A_138 = arith.constant 0 : i32
      %dma_wait3A_139 = arith.constant 0 : i32
      %dma_wait3A_140 = arith.constant 0 : i32
      %dma_wait3A_141 = arith.constant 0 : i32
      %dma_wait3A_142 = tpu.memref_slice %arg6[%dma_wait3A_138, %dma_wait3A_140, %dma_wait3A_141] : memref<4x16x512xf32, #tpu.memory_space<vmem>> -> memref<1x16x512xf32, #tpu.memory_space<vmem>>
      %dma_wait3A_143 = tpu.memref_squeeze %dma_wait3A_142 : memref<1x16x512xf32, #tpu.memory_space<vmem>> -> memref<16x512xf32, #tpu.memory_space<vmem>>
      %dma_wait3A_144 = arith.constant 0 : i32
      %dma_wait3A_145 = arith.constant 0 : i32
      %dma_wait3A_146 = tpu.memref_slice %arg3[%dma_wait3A_144, %dma_wait3A_145] : memref<32768x512xf32, #tpu.memory_space<hbm>> -> memref<16x512xf32, #tpu.memory_space<hbm>>
      %dma_wait3A_147 = tpu.memref_slice %arg8[%dma_wait3A_139] : memref<4x!tpu.dma_semaphore, #tpu.memory_space<semaphore_mem>> -> memref<1x!tpu.dma_semaphore, #tpu.memory_space<semaphore_mem>>
      %dma_wait3A_148 = tpu.memref_squeeze %dma_wait3A_147 : memref<1x!tpu.dma_semaphore, #tpu.memory_space<semaphore_mem>> -> memref<!tpu.dma_semaphore, #tpu.memory_space<semaphore_mem>>
      %dma_wait3A_149 = arith.constant 0 : i32
      %dma_wait3A_150 = arith.constant 0 : i32
      %dma_wait3A_151 = tpu.memref_slice %arg6[%dma_wait3A_138, %dma_wait3A_149, %dma_wait3A_150] : memref<4x16x512xf32, #tpu.memory_space<vmem>> -> memref<1x16x512xf32, #tpu.memory_space<vmem>>
      %dma_wait3A_152 = tpu.memref_squeeze %dma_wait3A_151 : memref<1x16x512xf32, #tpu.memory_space<vmem>> -> memref<16x512xf32, #tpu.memory_space<vmem>>
      %dma_wait3A_153 = arith.constant 0 : i32
      %dma_wait3A_154 = arith.constant 0 : i32
      %dma_wait3A_155 = tpu.memref_slice %arg3[%dma_wait3A_153, %dma_wait3A_154] : memref<32768x512xf32, #tpu.memory_space<hbm>> -> memref<16x512xf32, #tpu.memory_space<hbm>>
      tpu.wait_dma2 semaphore(%dma_wait3A_148 : memref<!tpu.dma_semaphore, #tpu.memory_space<semaphore_mem>>) src(%dma_wait3A_155 : memref<16x512xf32, #tpu.memory_space<hbm>>) dst(%dma_wait3A_152 : memref<16x512xf32, #tpu.memory_space<vmem>>)
      %add3A_156 = arith.constant 4 : i32
      %add3A_157 = arith.addi %add3A_120, %add3A_156 : i32
      %sub3A = arith.constant 1 : i32
      %sub3A_158 = arith.subi %add3A_157, %sub3A : i32
      %lt3A = arith.constant 64 : i32
      %lt3A_159 = arith.cmpi slt, %sub3A_158, %lt3A : i32
      %convert_element_type3A = arith.extui %lt3A_159 : i1 to i32
      %cond3A = arith.constant 0 : i32
      %cond3A_160 = arith.cmpi ne, %convert_element_type3A, %cond3A : i32
      scf.if %cond3A_160 {
        %mul3A_322 = arith.constant 16 : i32
        %mul3A_323 = arith.muli %sub3A_158, %mul3A_322 : i32
        %add3A_324 = arith.addi %add3A_4, %mul3A_323 : i32
        %dma_start3A_325 = arith.constant 3 : i32
        %dma_start3A_326 = arith.constant 3 : i32
        %dma_start3A_327 = arith.constant 0 : i32
        %dma_start3A_328 = arith.constant 0 : i32
        %dma_start3A_329 = tpu.memref_slice %arg5[%dma_start3A_325, %dma_start3A_327, %dma_start3A_328] : memref<4x16x512xf32, #tpu.memory_space<vmem>> -> memref<1x16x512xf32, #tpu.memory_space<vmem>>
        %dma_start3A_330 = tpu.memref_squeeze %dma_start3A_329 : memref<1x16x512xf32, #tpu.memory_space<vmem>> -> memref<16x512xf32, #tpu.memory_space<vmem>>
        %dma_start3A_331 = arith.constant 0 : i32
        %dma_start3A_332 = tpu.memref_slice %arg2[%add3A_324, %dma_start3A_331] : memref<32768x512xf32, #tpu.memory_space<hbm>> -> memref<16x512xf32, #tpu.memory_space<hbm>>
        %dma_start3A_333 = tpu.memref_slice %arg8[%dma_start3A_326] : memref<4x!tpu.dma_semaphore, #tpu.memory_space<semaphore_mem>> -> memref<1x!tpu.dma_semaphore, #tpu.memory_space<semaphore_mem>>
        %dma_start3A_334 = tpu.memref_squeeze %dma_start3A_333 : memref<1x!tpu.dma_semaphore, #tpu.memory_space<semaphore_mem>> -> memref<!tpu.dma_semaphore, #tpu.memory_space<semaphore_mem>>
        %dma_start3A_335 = arith.constant 0 : i32
        %dma_start3A_336 = arith.constant 0 : i32
        %dma_start3A_337 = tpu.memref_slice %arg5[%dma_start3A_325, %dma_start3A_335, %dma_start3A_336] : memref<4x16x512xf32, #tpu.memory_space<vmem>> -> memref<1x16x512xf32, #tpu.memory_space<vmem>>
        %dma_start3A_338 = tpu.memref_squeeze %dma_start3A_337 : memref<1x16x512xf32, #tpu.memory_space<vmem>> -> memref<16x512xf32, #tpu.memory_space<vmem>>
        %dma_start3A_339 = arith.constant 0 : i32
        %dma_start3A_340 = tpu.memref_slice %arg2[%add3A_324, %dma_start3A_339] : memref<32768x512xf32, #tpu.memory_space<hbm>> -> memref<16x512xf32, #tpu.memory_space<hbm>>
        tpu.enqueue_dma source(%dma_start3A_340 : memref<16x512xf32, #tpu.memory_space<hbm>>) target(%dma_start3A_338 : memref<16x512xf32, #tpu.memory_space<vmem>>) target_semaphore(%dma_start3A_334 : memref<!tpu.dma_semaphore, #tpu.memory_space<semaphore_mem>>)
        %dma_start3A_341 = arith.constant 3 : i32
        %dma_start3A_342 = arith.constant 3 : i32
        %dma_start3A_343 = arith.constant 0 : i32
        %dma_start3A_344 = arith.constant 0 : i32
        %dma_start3A_345 = tpu.memref_slice %arg6[%dma_start3A_341, %dma_start3A_343, %dma_start3A_344] : memref<4x16x512xf32, #tpu.memory_space<vmem>> -> memref<1x16x512xf32, #tpu.memory_space<vmem>>
        %dma_start3A_346 = tpu.memref_squeeze %dma_start3A_345 : memref<1x16x512xf32, #tpu.memory_space<vmem>> -> memref<16x512xf32, #tpu.memory_space<vmem>>
        %dma_start3A_347 = arith.constant 0 : i32
        %dma_start3A_348 = tpu.memref_slice %arg3[%add3A_324, %dma_start3A_347] : memref<32768x512xf32, #tpu.memory_space<hbm>> -> memref<16x512xf32, #tpu.memory_space<hbm>>
        %dma_start3A_349 = tpu.memref_slice %arg8[%dma_start3A_342] : memref<4x!tpu.dma_semaphore, #tpu.memory_space<semaphore_mem>> -> memref<1x!tpu.dma_semaphore, #tpu.memory_space<semaphore_mem>>
        %dma_start3A_350 = tpu.memref_squeeze %dma_start3A_349 : memref<1x!tpu.dma_semaphore, #tpu.memory_space<semaphore_mem>> -> memref<!tpu.dma_semaphore, #tpu.memory_space<semaphore_mem>>
        %dma_start3A_351 = arith.constant 0 : i32
        %dma_start3A_352 = arith.constant 0 : i32
        %dma_start3A_353 = tpu.memref_slice %arg6[%dma_start3A_341, %dma_start3A_351, %dma_start3A_352] : memref<4x16x512xf32, #tpu.memory_space<vmem>> -> memref<1x16x512xf32, #tpu.memory_space<vmem>>
        %dma_start3A_354 = tpu.memref_squeeze %dma_start3A_353 : memref<1x16x512xf32, #tpu.memory_space<vmem>> -> memref<16x512xf32, #tpu.memory_space<vmem>>
        %dma_start3A_355 = arith.constant 0 : i32
        %dma_start3A_356 = tpu.memref_slice %arg3[%add3A_324, %dma_start3A_355] : memref<32768x512xf32, #tpu.memory_space<hbm>> -> memref<16x512xf32, #tpu.memory_space<hbm>>
        tpu.enqueue_dma source(%dma_start3A_356 : memref<16x512xf32, #tpu.memory_space<hbm>>) target(%dma_start3A_354 : memref<16x512xf32, #tpu.memory_space<vmem>>) target_semaphore(%dma_start3A_350 : memref<!tpu.dma_semaphore, #tpu.memory_space<semaphore_mem>>)
      } else {
      }
      %scan3A_161 = arith.constant 0 : i32
      %scan3A_162 = arith.constant 16 : i32
      %scan3A_163 = arith.addi %scan3A_161, %scan3A_162 : i32
      %scan3A_164 = arith.constant 1 : i32
      scf.for %scan3A_322 = %scan3A_161 to %scan3A_163 step %scan3A_164  : i32 {
        %mul3A_323 = arith.constant 1 : i32
        %mul3A_324 = arith.muli %scan3A_322, %mul3A_323 : i32
        %add3A_325 = arith.constant 0 : i32
        %add3A_326 = arith.addi %add3A_325, %mul3A_324 : i32
        %broadcast_in_dim3A_327 = arith.constant 0.000000e+00 : f32
        %broadcast_in_dim3A_328 = vector.broadcast %broadcast_in_dim3A_327 : f32 to vector<16xf32>
        %get3A = arith.constant 0 : i32
        %get3A_329 = arith.index_cast %get3A : i32 to index
        %get3A_330 = arith.index_cast %add3A_326 : i32 to index
        %get3A_331 = arith.constant 0 : index
        %get3A_332 = tpu.vector_load %arg6[%get3A_329, %get3A_330, %get3A_331] {strides = array<i32>} : memref<4x16x512xf32, #tpu.memory_space<vmem>>, vector<1x1x16xf32>,
        %get3A_333 = vector.shape_cast %get3A_332 : vector<1x1x16xf32> to vector<16xf32>
        %slice3A = vector.extract_strided_slice %get3A_333 {offsets = [0], sizes = [1], strides = [1]} : vector<16xf32> to vector<1xf32>
        %squeeze3A = vector.extract %slice3A[0] : f32 from vector<1xf32>
        %get3A_334 = arith.constant 0 : i32
        %get3A_335 = arith.index_cast %get3A_334 : i32 to index
        %get3A_336 = arith.index_cast %add3A_326 : i32 to index
        %get3A_337 = arith.constant 0 : index
        %get3A_338 = tpu.vector_load %arg5[%get3A_335, %get3A_336, %get3A_337] {strides = array<i32>} : memref<4x16x512xf32, #tpu.memory_space<vmem>>, vector<1x1x16xf32>,
        %get3A_339 = vector.shape_cast %get3A_338 : vector<1x1x16xf32> to vector<16xf32>
        %sub3A_340 = arith.subf %get3A_339, %get3A_333 : vector<16xf32>
        %mul3A_341 = arith.mulf %sub3A_340, %sub3A_340 : vector<16xf32>
        %add3A_342 = arith.addf %broadcast_in_dim3A_328, %mul3A_341 : vector<16xf32>
        %get3A_343 = arith.constant 0 : i32
        %get3A_344 = arith.index_cast %get3A_343 : i32 to index
        %get3A_345 = arith.index_cast %add3A_326 : i32 to index
        %get3A_346 = arith.constant 16 : index
        %get3A_347 = tpu.vector_load %arg6[%get3A_344, %get3A_345, %get3A_346] {strides = array<i32>} : memref<4x16x512xf32, #tpu.memory_space<vmem>>, vector<1x1x16xf32>,
        %get3A_348 = vector.shape_cast %get3A_347 : vector<1x1x16xf32> to vector<16xf32>
        %get3A_349 = arith.constant 0 : i32
        %get3A_350 = arith.index_cast %get3A_349 : i32 to index
        %get3A_351 = arith.index_cast %add3A_326 : i32 to index
        %get3A_352 = arith.constant 16 : index
        %get3A_353 = tpu.vector_load %arg5[%get3A_350, %get3A_351, %get3A_352] {strides = array<i32>} : memref<4x16x512xf32, #tpu.memory_space<vmem>>, vector<1x1x16xf32>,
        %get3A_354 = vector.shape_cast %get3A_353 : vector<1x1x16xf32> to vector<16xf32>
        %sub3A_355 = arith.subf %get3A_354, %get3A_348 : vector<16xf32>
        %mul3A_356 = arith.mulf %sub3A_355, %sub3A_355 : vector<16xf32>
        %add3A_357 = arith.addf %add3A_342, %mul3A_356 : vector<16xf32>
        %get3A_358 = arith.constant 0 : i32
        %get3A_359 = arith.index_cast %get3A_358 : i32 to index
        %get3A_360 = arith.index_cast %add3A_326 : i32 to index
        %get3A_361 = arith.constant 32 : index
        %get3A_362 = tpu.vector_load %arg6[%get3A_359, %get3A_360, %get3A_361] {strides = array<i32>} : memref<4x16x512xf32, #tpu.memory_space<vmem>>, vector<1x1x16xf32>,
        %get3A_363 = vector.shape_cast %get3A_362 : vector<1x1x16xf32> to vector<16xf32>
        %get3A_364 = arith.constant 0 : i32
        %get3A_365 = arith.index_cast %get3A_364 : i32 to index
        %get3A_366 = arith.index_cast %add3A_326 : i32 to index
        %get3A_367 = arith.constant 32 : index
        %get3A_368 = tpu.vector_load %arg5[%get3A_365, %get3A_366, %get3A_367] {strides = array<i32>} : memref<4x16x512xf32, #tpu.memory_space<vmem>>, vector<1x1x16xf32>,
        %get3A_369 = vector.shape_cast %get3A_368 : vector<1x1x16xf32> to vector<16xf32>
        %sub3A_370 = arith.subf %get3A_369, %get3A_363 : vector<16xf32>
        %mul3A_371 = arith.mulf %sub3A_370, %sub3A_370 : vector<16xf32>
        %add3A_372 = arith.addf %add3A_357, %mul3A_371 : vector<16xf32>
        %get3A_373 = arith.constant 0 : i32
        %get3A_374 = arith.index_cast %get3A_373 : i32 to index
        %get3A_375 = arith.index_cast %add3A_326 : i32 to index
        %get3A_376 = arith.constant 48 : index
        %get3A_377 = tpu.vector_load %arg6[%get3A_374, %get3A_375, %get3A_376] {strides = array<i32>} : memref<4x16x512xf32, #tpu.memory_space<vmem>>, vector<1x1x16xf32>,
        %get3A_378 = vector.shape_cast %get3A_377 : vector<1x1x16xf32> to vector<16xf32>
        %get3A_379 = arith.constant 0 : i32
        %get3A_380 = arith.index_cast %get3A_379 : i32 to index
        %get3A_381 = arith.index_cast %add3A_326 : i32 to index
        %get3A_382 = arith.constant 48 : index
        %get3A_383 = tpu.vector_load %arg5[%get3A_380, %get3A_381, %get3A_382] {strides = array<i32>} : memref<4x16x512xf32, #tpu.memory_space<vmem>>, vector<1x1x16xf32>,
        %get3A_384 = vector.shape_cast %get3A_383 : vector<1x1x16xf32> to vector<16xf32>
        %sub3A_385 = arith.subf %get3A_384, %get3A_378 : vector<16xf32>
        %mul3A_386 = arith.mulf %sub3A_385, %sub3A_385 : vector<16xf32>
        %add3A_387 = arith.addf %add3A_372, %mul3A_386 : vector<16xf32>
        %get3A_388 = arith.constant 0 : i32
        %get3A_389 = arith.index_cast %get3A_388 : i32 to index
        %get3A_390 = arith.index_cast %add3A_326 : i32 to index
        %get3A_391 = arith.constant 64 : index
        %get3A_392 = tpu.vector_load %arg6[%get3A_389, %get3A_390, %get3A_391] {strides = array<i32>} : memref<4x16x512xf32, #tpu.memory_space<vmem>>, vector<1x1x16xf32>,
        %get3A_393 = vector.shape_cast %get3A_392 : vector<1x1x16xf32> to vector<16xf32>
        %get3A_394 = arith.constant 0 : i32
        %get3A_395 = arith.index_cast %get3A_394 : i32 to index
        %get3A_396 = arith.index_cast %add3A_326 : i32 to index
        %get3A_397 = arith.constant 64 : index
        %get3A_398 = tpu.vector_load %arg5[%get3A_395, %get3A_396, %get3A_397] {strides = array<i32>} : memref<4x16x512xf32, #tpu.memory_space<vmem>>, vector<1x1x16xf32>,
        %get3A_399 = vector.shape_cast %get3A_398 : vector<1x1x16xf32> to vector<16xf32>
        %sub3A_400 = arith.subf %get3A_399, %get3A_393 : vector<16xf32>
        %mul3A_401 = arith.mulf %sub3A_400, %sub3A_400 : vector<16xf32>
        %add3A_402 = arith.addf %add3A_387, %mul3A_401 : vector<16xf32>
        %get3A_403 = arith.constant 0 : i32
        %get3A_404 = arith.index_cast %get3A_403 : i32 to index
        %get3A_405 = arith.index_cast %add3A_326 : i32 to index
        %get3A_406 = arith.constant 80 : index
        %get3A_407 = tpu.vector_load %arg6[%get3A_404, %get3A_405, %get3A_406] {strides = array<i32>} : memref<4x16x512xf32, #tpu.memory_space<vmem>>, vector<1x1x16xf32>,
        %get3A_408 = vector.shape_cast %get3A_407 : vector<1x1x16xf32> to vector<16xf32>
        %get3A_409 = arith.constant 0 : i32
        %get3A_410 = arith.index_cast %get3A_409 : i32 to index
        %get3A_411 = arith.index_cast %add3A_326 : i32 to index
        %get3A_412 = arith.constant 80 : index
        %get3A_413 = tpu.vector_load %arg5[%get3A_410, %get3A_411, %get3A_412] {strides = array<i32>} : memref<4x16x512xf32, #tpu.memory_space<vmem>>, vector<1x1x16xf32>,
        %get3A_414 = vector.shape_cast %get3A_413 : vector<1x1x16xf32> to vector<16xf32>
        %sub3A_415 = arith.subf %get3A_414, %get3A_408 : vector<16xf32>
        %mul3A_416 = arith.mulf %sub3A_415, %sub3A_415 : vector<16xf32>
        %add3A_417 = arith.addf %add3A_402, %mul3A_416 : vector<16xf32>
        %get3A_418 = arith.constant 0 : i32
        %get3A_419 = arith.index_cast %get3A_418 : i32 to index
        %get3A_420 = arith.index_cast %add3A_326 : i32 to index
        %get3A_421 = arith.constant 96 : index
        %get3A_422 = tpu.vector_load %arg6[%get3A_419, %get3A_420, %get3A_421] {strides = array<i32>} : memref<4x16x512xf32, #tpu.memory_space<vmem>>, vector<1x1x16xf32>,
        %get3A_423 = vector.shape_cast %get3A_422 : vector<1x1x16xf32> to vector<16xf32>
        %get3A_424 = arith.constant 0 : i32
        %get3A_425 = arith.index_cast %get3A_424 : i32 to index
        %get3A_426 = arith.index_cast %add3A_326 : i32 to index
        %get3A_427 = arith.constant 96 : index
        %get3A_428 = tpu.vector_load %arg5[%get3A_425, %get3A_426, %get3A_427] {strides = array<i32>} : memref<4x16x512xf32, #tpu.memory_space<vmem>>, vector<1x1x16xf32>,
        %get3A_429 = vector.shape_cast %get3A_428 : vector<1x1x16xf32> to vector<16xf32>
        %sub3A_430 = arith.subf %get3A_429, %get3A_423 : vector<16xf32>
        %mul3A_431 = arith.mulf %sub3A_430, %sub3A_430 : vector<16xf32>
        %add3A_432 = arith.addf %add3A_417, %mul3A_431 : vector<16xf32>
        %get3A_433 = arith.constant 0 : i32
        %get3A_434 = arith.index_cast %get3A_433 : i32 to index
        %get3A_435 = arith.index_cast %add3A_326 : i32 to index
        %get3A_436 = arith.constant 112 : index
        %get3A_437 = tpu.vector_load %arg6[%get3A_434, %get3A_435, %get3A_436] {strides = array<i32>} : memref<4x16x512xf32, #tpu.memory_space<vmem>>, vector<1x1x16xf32>,
        %get3A_438 = vector.shape_cast %get3A_437 : vector<1x1x16xf32> to vector<16xf32>
        %get3A_439 = arith.constant 0 : i32
        %get3A_440 = arith.index_cast %get3A_439 : i32 to index
        %get3A_441 = arith.index_cast %add3A_326 : i32 to index
        %get3A_442 = arith.constant 112 : index
        %get3A_443 = tpu.vector_load %arg5[%get3A_440, %get3A_441, %get3A_442] {strides = array<i32>} : memref<4x16x512xf32, #tpu.memory_space<vmem>>, vector<1x1x16xf32>,
        %get3A_444 = vector.shape_cast %get3A_443 : vector<1x1x16xf32> to vector<16xf32>
        %sub3A_445 = arith.subf %get3A_444, %get3A_438 : vector<16xf32>
        %mul3A_446 = arith.mulf %sub3A_445, %sub3A_445 : vector<16xf32>
        %add3A_447 = arith.addf %add3A_432, %mul3A_446 : vector<16xf32>
        %get3A_448 = arith.constant 0 : i32
        %get3A_449 = arith.index_cast %get3A_448 : i32 to index
        %get3A_450 = arith.index_cast %add3A_326 : i32 to index
        %get3A_451 = arith.constant 128 : index
        %get3A_452 = tpu.vector_load %arg6[%get3A_449, %get3A_450, %get3A_451] {strides = array<i32>} : memref<4x16x512xf32, #tpu.memory_space<vmem>>, vector<1x1x16xf32>,
        %get3A_453 = vector.shape_cast %get3A_452 : vector<1x1x16xf32> to vector<16xf32>
        %get3A_454 = arith.constant 0 : i32
        %get3A_455 = arith.index_cast %get3A_454 : i32 to index
        %get3A_456 = arith.index_cast %add3A_326 : i32 to index
        %get3A_457 = arith.constant 128 : index
        %get3A_458 = tpu.vector_load %arg5[%get3A_455, %get3A_456, %get3A_457] {strides = array<i32>} : memref<4x16x512xf32, #tpu.memory_space<vmem>>, vector<1x1x16xf32>,
        %get3A_459 = vector.shape_cast %get3A_458 : vector<1x1x16xf32> to vector<16xf32>
        %sub3A_460 = arith.subf %get3A_459, %get3A_453 : vector<16xf32>
        %mul3A_461 = arith.mulf %sub3A_460, %sub3A_460 : vector<16xf32>
        %add3A_462 = arith.addf %add3A_447, %mul3A_461 : vector<16xf32>
        %get3A_463 = arith.constant 0 : i32
        %get3A_464 = arith.index_cast %get3A_463 : i32 to index
        %get3A_465 = arith.index_cast %add3A_326 : i32 to index
        %get3A_466 = arith.constant 144 : index
        %get3A_467 = tpu.vector_load %arg6[%get3A_464, %get3A_465, %get3A_466] {strides = array<i32>} : memref<4x16x512xf32, #tpu.memory_space<vmem>>, vector<1x1x16xf32>,
        %get3A_468 = vector.shape_cast %get3A_467 : vector<1x1x16xf32> to vector<16xf32>
        %get3A_469 = arith.constant 0 : i32
        %get3A_470 = arith.index_cast %get3A_469 : i32 to index
        %get3A_471 = arith.index_cast %add3A_326 : i32 to index
        %get3A_472 = arith.constant 144 : index
        %get3A_473 = tpu.vector_load %arg5[%get3A_470, %get3A_471, %get3A_472] {strides = array<i32>} : memref<4x16x512xf32, #tpu.memory_space<vmem>>, vector<1x1x16xf32>,
        %get3A_474 = vector.shape_cast %get3A_473 : vector<1x1x16xf32> to vector<16xf32>
        %sub3A_475 = arith.subf %get3A_474, %get3A_468 : vector<16xf32>
        %mul3A_476 = arith.mulf %sub3A_475, %sub3A_475 : vector<16xf32>
        %add3A_477 = arith.addf %add3A_462, %mul3A_476 : vector<16xf32>
        %get3A_478 = arith.constant 0 : i32
        %get3A_479 = arith.index_cast %get3A_478 : i32 to index
        %get3A_480 = arith.index_cast %add3A_326 : i32 to index
        %get3A_481 = arith.constant 160 : index
        %get3A_482 = tpu.vector_load %arg6[%get3A_479, %get3A_480, %get3A_481] {strides = array<i32>} : memref<4x16x512xf32, #tpu.memory_space<vmem>>, vector<1x1x16xf32>,
        %get3A_483 = vector.shape_cast %get3A_482 : vector<1x1x16xf32> to vector<16xf32>
        %get3A_484 = arith.constant 0 : i32
        %get3A_485 = arith.index_cast %get3A_484 : i32 to index
        %get3A_486 = arith.index_cast %add3A_326 : i32 to index
        %get3A_487 = arith.constant 160 : index
        %get3A_488 = tpu.vector_load %arg5[%get3A_485, %get3A_486, %get3A_487] {strides = array<i32>} : memref<4x16x512xf32, #tpu.memory_space<vmem>>, vector<1x1x16xf32>,
        %get3A_489 = vector.shape_cast %get3A_488 : vector<1x1x16xf32> to vector<16xf32>
        %sub3A_490 = arith.subf %get3A_489, %get3A_483 : vector<16xf32>
        %mul3A_491 = arith.mulf %sub3A_490, %sub3A_490 : vector<16xf32>
        %add3A_492 = arith.addf %add3A_477, %mul3A_491 : vector<16xf32>
        %get3A_493 = arith.constant 0 : i32
        %get3A_494 = arith.index_cast %get3A_493 : i32 to index
        %get3A_495 = arith.index_cast %add3A_326 : i32 to index
        %get3A_496 = arith.constant 176 : index
        %get3A_497 = tpu.vector_load %arg6[%get3A_494, %get3A_495, %get3A_496] {strides = array<i32>} : memref<4x16x512xf32, #tpu.memory_space<vmem>>, vector<1x1x16xf32>,
        %get3A_498 = vector.shape_cast %get3A_497 : vector<1x1x16xf32> to vector<16xf32>
        %get3A_499 = arith.constant 0 : i32
        %get3A_500 = arith.index_cast %get3A_499 : i32 to index
        %get3A_501 = arith.index_cast %add3A_326 : i32 to index
        %get3A_502 = arith.constant 176 : index
        %get3A_503 = tpu.vector_load %arg5[%get3A_500, %get3A_501, %get3A_502] {strides = array<i32>} : memref<4x16x512xf32, #tpu.memory_space<vmem>>, vector<1x1x16xf32>,
        %get3A_504 = vector.shape_cast %get3A_503 : vector<1x1x16xf32> to vector<16xf32>
        %sub3A_505 = arith.subf %get3A_504, %get3A_498 : vector<16xf32>
        %mul3A_506 = arith.mulf %sub3A_505, %sub3A_505 : vector<16xf32>
        %add3A_507 = arith.addf %add3A_492, %mul3A_506 : vector<16xf32>
        %get3A_508 = arith.constant 0 : i32
        %get3A_509 = arith.index_cast %get3A_508 : i32 to index
        %get3A_510 = arith.index_cast %add3A_326 : i32 to index
        %get3A_511 = arith.constant 192 : index
        %get3A_512 = tpu.vector_load %arg6[%get3A_509, %get3A_510, %get3A_511] {strides = array<i32>} : memref<4x16x512xf32, #tpu.memory_space<vmem>>, vector<1x1x16xf32>,
        %get3A_513 = vector.shape_cast %get3A_512 : vector<1x1x16xf32> to vector<16xf32>
        %get3A_514 = arith.constant 0 : i32
        %get3A_515 = arith.index_cast %get3A_514 : i32 to index
        %get3A_516 = arith.index_cast %add3A_326 : i32 to index
        %get3A_517 = arith.constant 192 : index
        %get3A_518 = tpu.vector_load %arg5[%get3A_515, %get3A_516, %get3A_517] {strides = array<i32>} : memref<4x16x512xf32, #tpu.memory_space<vmem>>, vector<1x1x16xf32>,
        %get3A_519 = vector.shape_cast %get3A_518 : vector<1x1x16xf32> to vector<16xf32>
        %sub3A_520 = arith.subf %get3A_519, %get3A_513 : vector<16xf32>
        %mul3A_521 = arith.mulf %sub3A_520, %sub3A_520 : vector<16xf32>
        %add3A_522 = arith.addf %add3A_507, %mul3A_521 : vector<16xf32>
        %get3A_523 = arith.constant 0 : i32
        %get3A_524 = arith.index_cast %get3A_523 : i32 to index
        %get3A_525 = arith.index_cast %add3A_326 : i32 to index
        %get3A_526 = arith.constant 208 : index
        %get3A_527 = tpu.vector_load %arg6[%get3A_524, %get3A_525, %get3A_526] {strides = array<i32>} : memref<4x16x512xf32, #tpu.memory_space<vmem>>, vector<1x1x16xf32>,
        %get3A_528 = vector.shape_cast %get3A_527 : vector<1x1x16xf32> to vector<16xf32>
        %get3A_529 = arith.constant 0 : i32
        %get3A_530 = arith.index_cast %get3A_529 : i32 to index
        %get3A_531 = arith.index_cast %add3A_326 : i32 to index
        %get3A_532 = arith.constant 208 : index
        %get3A_533 = tpu.vector_load %arg5[%get3A_530, %get3A_531, %get3A_532] {strides = array<i32>} : memref<4x16x512xf32, #tpu.memory_space<vmem>>, vector<1x1x16xf32>,
        %get3A_534 = vector.shape_cast %get3A_533 : vector<1x1x16xf32> to vector<16xf32>
        %sub3A_535 = arith.subf %get3A_534, %get3A_528 : vector<16xf32>
        %mul3A_536 = arith.mulf %sub3A_535, %sub3A_535 : vector<16xf32>
        %add3A_537 = arith.addf %add3A_522, %mul3A_536 : vector<16xf32>
        %get3A_538 = arith.constant 0 : i32
        %get3A_539 = arith.index_cast %get3A_538 : i32 to index
        %get3A_540 = arith.index_cast %add3A_326 : i32 to index
        %get3A_541 = arith.constant 224 : index
        %get3A_542 = tpu.vector_load %arg6[%get3A_539, %get3A_540, %get3A_541] {strides = array<i32>} : memref<4x16x512xf32, #tpu.memory_space<vmem>>, vector<1x1x16xf32>,
        %get3A_543 = vector.shape_cast %get3A_542 : vector<1x1x16xf32> to vector<16xf32>
        %get3A_544 = arith.constant 0 : i32
        %get3A_545 = arith.index_cast %get3A_544 : i32 to index
        %get3A_546 = arith.index_cast %add3A_326 : i32 to index
        %get3A_547 = arith.constant 224 : index
        %get3A_548 = tpu.vector_load %arg5[%get3A_545, %get3A_546, %get3A_547] {strides = array<i32>} : memref<4x16x512xf32, #tpu.memory_space<vmem>>, vector<1x1x16xf32>,
        %get3A_549 = vector.shape_cast %get3A_548 : vector<1x1x16xf32> to vector<16xf32>
        %sub3A_550 = arith.subf %get3A_549, %get3A_543 : vector<16xf32>
        %mul3A_551 = arith.mulf %sub3A_550, %sub3A_550 : vector<16xf32>
        %add3A_552 = arith.addf %add3A_537, %mul3A_551 : vector<16xf32>
        %get3A_553 = arith.constant 0 : i32
        %get3A_554 = arith.index_cast %get3A_553 : i32 to index
        %get3A_555 = arith.index_cast %add3A_326 : i32 to index
        %get3A_556 = arith.constant 240 : index
        %get3A_557 = tpu.vector_load %arg6[%get3A_554, %get3A_555, %get3A_556] {strides = array<i32>} : memref<4x16x512xf32, #tpu.memory_space<vmem>>, vector<1x1x16xf32>,
        %get3A_558 = vector.shape_cast %get3A_557 : vector<1x1x16xf32> to vector<16xf32>
        %get3A_559 = arith.constant 0 : i32
        %get3A_560 = arith.index_cast %get3A_559 : i32 to index
        %get3A_561 = arith.index_cast %add3A_326 : i32 to index
        %get3A_562 = arith.constant 240 : index
        %get3A_563 = tpu.vector_load %arg5[%get3A_560, %get3A_561, %get3A_562] {strides = array<i32>} : memref<4x16x512xf32, #tpu.memory_space<vmem>>, vector<1x1x16xf32>,
        %get3A_564 = vector.shape_cast %get3A_563 : vector<1x1x16xf32> to vector<16xf32>
        %sub3A_565 = arith.subf %get3A_564, %get3A_558 : vector<16xf32>
        %mul3A_566 = arith.mulf %sub3A_565, %sub3A_565 : vector<16xf32>
        %add3A_567 = arith.addf %add3A_552, %mul3A_566 : vector<16xf32>
        %get3A_568 = arith.constant 0 : i32
        %get3A_569 = arith.index_cast %get3A_568 : i32 to index
        %get3A_570 = arith.index_cast %add3A_326 : i32 to index
        %get3A_571 = arith.constant 256 : index
        %get3A_572 = tpu.vector_load %arg6[%get3A_569, %get3A_570, %get3A_571] {strides = array<i32>} : memref<4x16x512xf32, #tpu.memory_space<vmem>>, vector<1x1x16xf32>,
        %get3A_573 = vector.shape_cast %get3A_572 : vector<1x1x16xf32> to vector<16xf32>
        %get3A_574 = arith.constant 0 : i32
        %get3A_575 = arith.index_cast %get3A_574 : i32 to index
        %get3A_576 = arith.index_cast %add3A_326 : i32 to index
        %get3A_577 = arith.constant 256 : index
        %get3A_578 = tpu.vector_load %arg5[%get3A_575, %get3A_576, %get3A_577] {strides = array<i32>} : memref<4x16x512xf32, #tpu.memory_space<vmem>>, vector<1x1x16xf32>,
        %get3A_579 = vector.shape_cast %get3A_578 : vector<1x1x16xf32> to vector<16xf32>
        %sub3A_580 = arith.subf %get3A_579, %get3A_573 : vector<16xf32>
        %mul3A_581 = arith.mulf %sub3A_580, %sub3A_580 : vector<16xf32>
        %add3A_582 = arith.addf %add3A_567, %mul3A_581 : vector<16xf32>
        %get3A_583 = arith.constant 0 : i32
        %get3A_584 = arith.index_cast %get3A_583 : i32 to index
        %get3A_585 = arith.index_cast %add3A_326 : i32 to index
        %get3A_586 = arith.constant 272 : index
        %get3A_587 = tpu.vector_load %arg6[%get3A_584, %get3A_585, %get3A_586] {strides = array<i32>} : memref<4x16x512xf32, #tpu.memory_space<vmem>>, vector<1x1x16xf32>,
        %get3A_588 = vector.shape_cast %get3A_587 : vector<1x1x16xf32> to vector<16xf32>
        %get3A_589 = arith.constant 0 : i32
        %get3A_590 = arith.index_cast %get3A_589 : i32 to index
        %get3A_591 = arith.index_cast %add3A_326 : i32 to index
        %get3A_592 = arith.constant 272 : index
        %get3A_593 = tpu.vector_load %arg5[%get3A_590, %get3A_591, %get3A_592] {strides = array<i32>} : memref<4x16x512xf32, #tpu.memory_space<vmem>>, vector<1x1x16xf32>,
        %get3A_594 = vector.shape_cast %get3A_593 : vector<1x1x16xf32> to vector<16xf32>
        %sub3A_595 = arith.subf %get3A_594, %get3A_588 : vector<16xf32>
        %mul3A_596 = arith.mulf %sub3A_595, %sub3A_595 : vector<16xf32>
        %add3A_597 = arith.addf %add3A_582, %mul3A_596 : vector<16xf32>
        %get3A_598 = arith.constant 0 : i32
        %get3A_599 = arith.index_cast %get3A_598 : i32 to index
        %get3A_600 = arith.index_cast %add3A_326 : i32 to index
        %get3A_601 = arith.constant 288 : index
        %get3A_602 = tpu.vector_load %arg6[%get3A_599, %get3A_600, %get3A_601] {strides = array<i32>} : memref<4x16x512xf32, #tpu.memory_space<vmem>>, vector<1x1x16xf32>,
        %get3A_603 = vector.shape_cast %get3A_602 : vector<1x1x16xf32> to vector<16xf32>
        %get3A_604 = arith.constant 0 : i32
        %get3A_605 = arith.index_cast %get3A_604 : i32 to index
        %get3A_606 = arith.index_cast %add3A_326 : i32 to index
        %get3A_607 = arith.constant 288 : index
        %get3A_608 = tpu.vector_load %arg5[%get3A_605, %get3A_606, %get3A_607] {strides = array<i32>} : memref<4x16x512xf32, #tpu.memory_space<vmem>>, vector<1x1x16xf32>,
        %get3A_609 = vector.shape_cast %get3A_608 : vector<1x1x16xf32> to vector<16xf32>
        %sub3A_610 = arith.subf %get3A_609, %get3A_603 : vector<16xf32>
        %mul3A_611 = arith.mulf %sub3A_610, %sub3A_610 : vector<16xf32>
        %add3A_612 = arith.addf %add3A_597, %mul3A_611 : vector<16xf32>
        %get3A_613 = arith.constant 0 : i32
        %get3A_614 = arith.index_cast %get3A_613 : i32 to index
        %get3A_615 = arith.index_cast %add3A_326 : i32 to index
        %get3A_616 = arith.constant 304 : index
        %get3A_617 = tpu.vector_load %arg6[%get3A_614, %get3A_615, %get3A_616] {strides = array<i32>} : memref<4x16x512xf32, #tpu.memory_space<vmem>>, vector<1x1x16xf32>,
        %get3A_618 = vector.shape_cast %get3A_617 : vector<1x1x16xf32> to vector<16xf32>
        %get3A_619 = arith.constant 0 : i32
        %get3A_620 = arith.index_cast %get3A_619 : i32 to index
        %get3A_621 = arith.index_cast %add3A_326 : i32 to index
        %get3A_622 = arith.constant 304 : index
        %get3A_623 = tpu.vector_load %arg5[%get3A_620, %get3A_621, %get3A_622] {strides = array<i32>} : memref<4x16x512xf32, #tpu.memory_space<vmem>>, vector<1x1x16xf32>,
        %get3A_624 = vector.shape_cast %get3A_623 : vector<1x1x16xf32> to vector<16xf32>
        %sub3A_625 = arith.subf %get3A_624, %get3A_618 : vector<16xf32>
        %mul3A_626 = arith.mulf %sub3A_625, %sub3A_625 : vector<16xf32>
        %add3A_627 = arith.addf %add3A_612, %mul3A_626 : vector<16xf32>
        %get3A_628 = arith.constant 0 : i32
        %get3A_629 = arith.index_cast %get3A_628 : i32 to index
        %get3A_630 = arith.index_cast %add3A_326 : i32 to index
        %get3A_631 = arith.constant 320 : index
        %get3A_632 = tpu.vector_load %arg6[%get3A_629, %get3A_630, %get3A_631] {strides = array<i32>} : memref<4x16x512xf32, #tpu.memory_space<vmem>>, vector<1x1x16xf32>,
        %get3A_633 = vector.shape_cast %get3A_632 : vector<1x1x16xf32> to vector<16xf32>
        %get3A_634 = arith.constant 0 : i32
        %get3A_635 = arith.index_cast %get3A_634 : i32 to index
        %get3A_636 = arith.index_cast %add3A_326 : i32 to index
        %get3A_637 = arith.constant 320 : index
        %get3A_638 = tpu.vector_load %arg5[%get3A_635, %get3A_636, %get3A_637] {strides = array<i32>} : memref<4x16x512xf32, #tpu.memory_space<vmem>>, vector<1x1x16xf32>,
        %get3A_639 = vector.shape_cast %get3A_638 : vector<1x1x16xf32> to vector<16xf32>
        %sub3A_640 = arith.subf %get3A_639, %get3A_633 : vector<16xf32>
        %mul3A_641 = arith.mulf %sub3A_640, %sub3A_640 : vector<16xf32>
        %add3A_642 = arith.addf %add3A_627, %mul3A_641 : vector<16xf32>
        %get3A_643 = arith.constant 0 : i32
        %get3A_644 = arith.index_cast %get3A_643 : i32 to index
        %get3A_645 = arith.index_cast %add3A_326 : i32 to index
        %get3A_646 = arith.constant 336 : index
        %get3A_647 = tpu.vector_load %arg6[%get3A_644, %get3A_645, %get3A_646] {strides = array<i32>} : memref<4x16x512xf32, #tpu.memory_space<vmem>>, vector<1x1x16xf32>,
        %get3A_648 = vector.shape_cast %get3A_647 : vector<1x1x16xf32> to vector<16xf32>
        %get3A_649 = arith.constant 0 : i32
        %get3A_650 = arith.index_cast %get3A_649 : i32 to index
        %get3A_651 = arith.index_cast %add3A_326 : i32 to index
        %get3A_652 = arith.constant 336 : index
        %get3A_653 = tpu.vector_load %arg5[%get3A_650, %get3A_651, %get3A_652] {strides = array<i32>} : memref<4x16x512xf32, #tpu.memory_space<vmem>>, vector<1x1x16xf32>,
        %get3A_654 = vector.shape_cast %get3A_653 : vector<1x1x16xf32> to vector<16xf32>
        %sub3A_655 = arith.subf %get3A_654, %get3A_648 : vector<16xf32>
        %mul3A_656 = arith.mulf %sub3A_655, %sub3A_655 : vector<16xf32>
        %add3A_657 = arith.addf %add3A_642, %mul3A_656 : vector<16xf32>
        %get3A_658 = arith.constant 0 : i32
        %get3A_659 = arith.index_cast %get3A_658 : i32 to index
        %get3A_660 = arith.index_cast %add3A_326 : i32 to index
        %get3A_661 = arith.constant 352 : index
        %get3A_662 = tpu.vector_load %arg6[%get3A_659, %get3A_660, %get3A_661] {strides = array<i32>} : memref<4x16x512xf32, #tpu.memory_space<vmem>>, vector<1x1x16xf32>,
        %get3A_663 = vector.shape_cast %get3A_662 : vector<1x1x16xf32> to vector<16xf32>
        %get3A_664 = arith.constant 0 : i32
        %get3A_665 = arith.index_cast %get3A_664 : i32 to index
        %get3A_666 = arith.index_cast %add3A_326 : i32 to index
        %get3A_667 = arith.constant 352 : index
        %get3A_668 = tpu.vector_load %arg5[%get3A_665, %get3A_666, %get3A_667] {strides = array<i32>} : memref<4x16x512xf32, #tpu.memory_space<vmem>>, vector<1x1x16xf32>,
        %get3A_669 = vector.shape_cast %get3A_668 : vector<1x1x16xf32> to vector<16xf32>
        %sub3A_670 = arith.subf %get3A_669, %get3A_663 : vector<16xf32>
        %mul3A_671 = arith.mulf %sub3A_670, %sub3A_670 : vector<16xf32>
        %add3A_672 = arith.addf %add3A_657, %mul3A_671 : vector<16xf32>
        %get3A_673 = arith.constant 0 : i32
        %get3A_674 = arith.index_cast %get3A_673 : i32 to index
        %get3A_675 = arith.index_cast %add3A_326 : i32 to index
        %get3A_676 = arith.constant 368 : index
        %get3A_677 = tpu.vector_load %arg6[%get3A_674, %get3A_675, %get3A_676] {strides = array<i32>} : memref<4x16x512xf32, #tpu.memory_space<vmem>>, vector<1x1x16xf32>,
        %get3A_678 = vector.shape_cast %get3A_677 : vector<1x1x16xf32> to vector<16xf32>
        %get3A_679 = arith.constant 0 : i32
        %get3A_680 = arith.index_cast %get3A_679 : i32 to index
        %get3A_681 = arith.index_cast %add3A_326 : i32 to index
        %get3A_682 = arith.constant 368 : index
        %get3A_683 = tpu.vector_load %arg5[%get3A_680, %get3A_681, %get3A_682] {strides = array<i32>} : memref<4x16x512xf32, #tpu.memory_space<vmem>>, vector<1x1x16xf32>,
        %get3A_684 = vector.shape_cast %get3A_683 : vector<1x1x16xf32> to vector<16xf32>
        %sub3A_685 = arith.subf %get3A_684, %get3A_678 : vector<16xf32>
        %mul3A_686 = arith.mulf %sub3A_685, %sub3A_685 : vector<16xf32>
        %add3A_687 = arith.addf %add3A_672, %mul3A_686 : vector<16xf32>
        %get3A_688 = arith.constant 0 : i32
        %get3A_689 = arith.index_cast %get3A_688 : i32 to index
        %get3A_690 = arith.index_cast %add3A_326 : i32 to index
        %get3A_691 = arith.constant 384 : index
        %get3A_692 = tpu.vector_load %arg6[%get3A_689, %get3A_690, %get3A_691] {strides = array<i32>} : memref<4x16x512xf32, #tpu.memory_space<vmem>>, vector<1x1x16xf32>,
        %get3A_693 = vector.shape_cast %get3A_692 : vector<1x1x16xf32> to vector<16xf32>
        %get3A_694 = arith.constant 0 : i32
        %get3A_695 = arith.index_cast %get3A_694 : i32 to index
        %get3A_696 = arith.index_cast %add3A_326 : i32 to index
        %get3A_697 = arith.constant 384 : index
        %get3A_698 = tpu.vector_load %arg5[%get3A_695, %get3A_696, %get3A_697] {strides = array<i32>} : memref<4x16x512xf32, #tpu.memory_space<vmem>>, vector<1x1x16xf32>,
        %get3A_699 = vector.shape_cast %get3A_698 : vector<1x1x16xf32> to vector<16xf32>
        %sub3A_700 = arith.subf %get3A_699, %get3A_693 : vector<16xf32>
        %mul3A_701 = arith.mulf %sub3A_700, %sub3A_700 : vector<16xf32>
        %add3A_702 = arith.addf %add3A_687, %mul3A_701 : vector<16xf32>
        %get3A_703 = arith.constant 0 : i32
        %get3A_704 = arith.index_cast %get3A_703 : i32 to index
        %get3A_705 = arith.index_cast %add3A_326 : i32 to index
        %get3A_706 = arith.constant 400 : index
        %get3A_707 = tpu.vector_load %arg6[%get3A_704, %get3A_705, %get3A_706] {strides = array<i32>} : memref<4x16x512xf32, #tpu.memory_space<vmem>>, vector<1x1x16xf32>,
        %get3A_708 = vector.shape_cast %get3A_707 : vector<1x1x16xf32> to vector<16xf32>
        %get3A_709 = arith.constant 0 : i32
        %get3A_710 = arith.index_cast %get3A_709 : i32 to index
        %get3A_711 = arith.index_cast %add3A_326 : i32 to index
        %get3A_712 = arith.constant 400 : index
        %get3A_713 = tpu.vector_load %arg5[%get3A_710, %get3A_711, %get3A_712] {strides = array<i32>} : memref<4x16x512xf32, #tpu.memory_space<vmem>>, vector<1x1x16xf32>,
        %get3A_714 = vector.shape_cast %get3A_713 : vector<1x1x16xf32> to vector<16xf32>
        %sub3A_715 = arith.subf %get3A_714, %get3A_708 : vector<16xf32>
        %mul3A_716 = arith.mulf %sub3A_715, %sub3A_715 : vector<16xf32>
        %add3A_717 = arith.addf %add3A_702, %mul3A_716 : vector<16xf32>
        %get3A_718 = arith.constant 0 : i32
        %get3A_719 = arith.index_cast %get3A_718 : i32 to index
        %get3A_720 = arith.index_cast %add3A_326 : i32 to index
        %get3A_721 = arith.constant 416 : index
        %get3A_722 = tpu.vector_load %arg6[%get3A_719, %get3A_720, %get3A_721] {strides = array<i32>} : memref<4x16x512xf32, #tpu.memory_space<vmem>>, vector<1x1x16xf32>,
        %get3A_723 = vector.shape_cast %get3A_722 : vector<1x1x16xf32> to vector<16xf32>
        %get3A_724 = arith.constant 0 : i32
        %get3A_725 = arith.index_cast %get3A_724 : i32 to index
        %get3A_726 = arith.index_cast %add3A_326 : i32 to index
        %get3A_727 = arith.constant 416 : index
        %get3A_728 = tpu.vector_load %arg5[%get3A_725, %get3A_726, %get3A_727] {strides = array<i32>} : memref<4x16x512xf32, #tpu.memory_space<vmem>>, vector<1x1x16xf32>,
        %get3A_729 = vector.shape_cast %get3A_728 : vector<1x1x16xf32> to vector<16xf32>
        %sub3A_730 = arith.subf %get3A_729, %get3A_723 : vector<16xf32>
        %mul3A_731 = arith.mulf %sub3A_730, %sub3A_730 : vector<16xf32>
        %add3A_732 = arith.addf %add3A_717, %mul3A_731 : vector<16xf32>
        %get3A_733 = arith.constant 0 : i32
        %get3A_734 = arith.index_cast %get3A_733 : i32 to index
        %get3A_735 = arith.index_cast %add3A_326 : i32 to index
        %get3A_736 = arith.constant 432 : index
        %get3A_737 = tpu.vector_load %arg6[%get3A_734, %get3A_735, %get3A_736] {strides = array<i32>} : memref<4x16x512xf32, #tpu.memory_space<vmem>>, vector<1x1x16xf32>,
        %get3A_738 = vector.shape_cast %get3A_737 : vector<1x1x16xf32> to vector<16xf32>
        %get3A_739 = arith.constant 0 : i32
        %get3A_740 = arith.index_cast %get3A_739 : i32 to index
        %get3A_741 = arith.index_cast %add3A_326 : i32 to index
        %get3A_742 = arith.constant 432 : index
        %get3A_743 = tpu.vector_load %arg5[%get3A_740, %get3A_741, %get3A_742] {strides = array<i32>} : memref<4x16x512xf32, #tpu.memory_space<vmem>>, vector<1x1x16xf32>,
        %get3A_744 = vector.shape_cast %get3A_743 : vector<1x1x16xf32> to vector<16xf32>
        %sub3A_745 = arith.subf %get3A_744, %get3A_738 : vector<16xf32>
        %mul3A_746 = arith.mulf %sub3A_745, %sub3A_745 : vector<16xf32>
        %add3A_747 = arith.addf %add3A_732, %mul3A_746 : vector<16xf32>
        %get3A_748 = arith.constant 0 : i32
        %get3A_749 = arith.index_cast %get3A_748 : i32 to index
        %get3A_750 = arith.index_cast %add3A_326 : i32 to index
        %get3A_751 = arith.constant 448 : index
        %get3A_752 = tpu.vector_load %arg6[%get3A_749, %get3A_750, %get3A_751] {strides = array<i32>} : memref<4x16x512xf32, #tpu.memory_space<vmem>>, vector<1x1x16xf32>,
        %get3A_753 = vector.shape_cast %get3A_752 : vector<1x1x16xf32> to vector<16xf32>
        %get3A_754 = arith.constant 0 : i32
        %get3A_755 = arith.index_cast %get3A_754 : i32 to index
        %get3A_756 = arith.index_cast %add3A_326 : i32 to index
        %get3A_757 = arith.constant 448 : index
        %get3A_758 = tpu.vector_load %arg5[%get3A_755, %get3A_756, %get3A_757] {strides = array<i32>} : memref<4x16x512xf32, #tpu.memory_space<vmem>>, vector<1x1x16xf32>,
        %get3A_759 = vector.shape_cast %get3A_758 : vector<1x1x16xf32> to vector<16xf32>
        %sub3A_760 = arith.subf %get3A_759, %get3A_753 : vector<16xf32>
        %mul3A_761 = arith.mulf %sub3A_760, %sub3A_760 : vector<16xf32>
        %add3A_762 = arith.addf %add3A_747, %mul3A_761 : vector<16xf32>
        %get3A_763 = arith.constant 0 : i32
        %get3A_764 = arith.index_cast %get3A_763 : i32 to index
        %get3A_765 = arith.index_cast %add3A_326 : i32 to index
        %get3A_766 = arith.constant 464 : index
        %get3A_767 = tpu.vector_load %arg6[%get3A_764, %get3A_765, %get3A_766] {strides = array<i32>} : memref<4x16x512xf32, #tpu.memory_space<vmem>>, vector<1x1x16xf32>,
        %get3A_768 = vector.shape_cast %get3A_767 : vector<1x1x16xf32> to vector<16xf32>
        %get3A_769 = arith.constant 0 : i32
        %get3A_770 = arith.index_cast %get3A_769 : i32 to index
        %get3A_771 = arith.index_cast %add3A_326 : i32 to index
        %get3A_772 = arith.constant 464 : index
        %get3A_773 = tpu.vector_load %arg5[%get3A_770, %get3A_771, %get3A_772] {strides = array<i32>} : memref<4x16x512xf32, #tpu.memory_space<vmem>>, vector<1x1x16xf32>,
        %get3A_774 = vector.shape_cast %get3A_773 : vector<1x1x16xf32> to vector<16xf32>
        %sub3A_775 = arith.subf %get3A_774, %get3A_768 : vector<16xf32>
        %mul3A_776 = arith.mulf %sub3A_775, %sub3A_775 : vector<16xf32>
        %add3A_777 = arith.addf %add3A_762, %mul3A_776 : vector<16xf32>
        %get3A_778 = arith.constant 0 : i32
        %get3A_779 = arith.index_cast %get3A_778 : i32 to index
        %get3A_780 = arith.index_cast %add3A_326 : i32 to index
        %get3A_781 = arith.constant 480 : index
        %get3A_782 = tpu.vector_load %arg6[%get3A_779, %get3A_780, %get3A_781] {strides = array<i32>} : memref<4x16x512xf32, #tpu.memory_space<vmem>>, vector<1x1x16xf32>,
        %get3A_783 = vector.shape_cast %get3A_782 : vector<1x1x16xf32> to vector<16xf32>
        %get3A_784 = arith.constant 0 : i32
        %get3A_785 = arith.index_cast %get3A_784 : i32 to index
        %get3A_786 = arith.index_cast %add3A_326 : i32 to index
        %get3A_787 = arith.constant 480 : index
        %get3A_788 = tpu.vector_load %arg5[%get3A_785, %get3A_786, %get3A_787] {strides = array<i32>} : memref<4x16x512xf32, #tpu.memory_space<vmem>>, vector<1x1x16xf32>,
        %get3A_789 = vector.shape_cast %get3A_788 : vector<1x1x16xf32> to vector<16xf32>
        %sub3A_790 = arith.subf %get3A_789, %get3A_783 : vector<16xf32>
        %mul3A_791 = arith.mulf %sub3A_790, %sub3A_790 : vector<16xf32>
        %add3A_792 = arith.addf %add3A_777, %mul3A_791 : vector<16xf32>
        %get3A_793 = arith.constant 0 : i32
        %get3A_794 = arith.index_cast %get3A_793 : i32 to index
        %get3A_795 = arith.index_cast %add3A_326 : i32 to index
        %get3A_796 = arith.constant 496 : index
        %get3A_797 = tpu.vector_load %arg6[%get3A_794, %get3A_795, %get3A_796] {strides = array<i32>} : memref<4x16x512xf32, #tpu.memory_space<vmem>>, vector<1x1x16xf32>,
        %get3A_798 = vector.shape_cast %get3A_797 : vector<1x1x16xf32> to vector<16xf32>
        %get3A_799 = arith.constant 0 : i32
        %get3A_800 = arith.index_cast %get3A_799 : i32 to index
        %get3A_801 = arith.index_cast %add3A_326 : i32 to index
        %get3A_802 = arith.constant 496 : index
        %get3A_803 = tpu.vector_load %arg5[%get3A_800, %get3A_801, %get3A_802] {strides = array<i32>} : memref<4x16x512xf32, #tpu.memory_space<vmem>>, vector<1x1x16xf32>,
        %get3A_804 = vector.shape_cast %get3A_803 : vector<1x1x16xf32> to vector<16xf32>
        %sub3A_805 = arith.subf %get3A_804, %get3A_798 : vector<16xf32>
        %mul3A_806 = arith.mulf %sub3A_805, %sub3A_805 : vector<16xf32>
        %add3A_807 = arith.addf %add3A_792, %mul3A_806 : vector<16xf32>
        %ne3A = arith.constant -1.000000e+00 : f32
        %ne3A_808 = arith.cmpf one, %squeeze3A, %ne3A : f32
        %jit3A = arith.constant 1.000000e+00 : f32
        %jit3A_809 = arith.constant 0.000000e+00 : f32
        %select_n3A = arith.select %ne3A_808, %jit3A, %jit3A_809 : f32
        %get3A_810 = arith.constant 0 : index
        %get3A_811 = tpu.vector_load %arg7[%get3A_810] {strides = array<i32>} : memref<16xf32, #tpu.memory_space<vmem>>, vector<16xf32>,
        %get3A_812 = vector.shape_cast %get3A_811 : vector<16xf32> to vector<16xf32>
        %mul3A_813 = vector.broadcast %select_n3A : f32 to vector<16xf32>
        %mul3A_814 = arith.mulf %add3A_807, %mul3A_813 : vector<16xf32>
        %add3A_815 = arith.addf %get3A_812, %mul3A_814 : vector<16xf32>
        %swap3A_816 = arith.constant 0 : index
        %swap3A_817 = tpu.vector_load %arg7[%swap3A_816] {strides = array<i32>} : memref<16xf32, #tpu.memory_space<vmem>>, vector<16xf32>,
        %swap3A_818 = vector.shape_cast %swap3A_817 : vector<16xf32> to vector<16xf32>
        %swap3A_819 = vector.shape_cast %add3A_815 : vector<16xf32> to vector<16xf32>
        tpu.vector_store %arg7[%swap3A_816], %swap3A_819 {strides = array<i32>} : memref<16xf32, #tpu.memory_space<vmem>>, vector<16xf32>,
      }
      %scan3A_165 = arith.constant 16 : i32
      %add3A_166 = arith.constant 1 : i32
      %add3A_167 = arith.addi %add3A_118, %add3A_166 : i32
      %dma_wait3A_168 = arith.constant 1 : i32
      %dma_wait3A_169 = arith.constant 1 : i32
      %dma_wait3A_170 = arith.constant 0 : i32
      %dma_wait3A_171 = arith.constant 0 : i32
      %dma_wait3A_172 = tpu.memref_slice %arg5[%dma_wait3A_168, %dma_wait3A_170, %dma_wait3A_171] : memref<4x16x512xf32, #tpu.memory_space<vmem>> -> memref<1x16x512xf32, #tpu.memory_space<vmem>>
      %dma_wait3A_173 = tpu.memref_squeeze %dma_wait3A_172 : memref<1x16x512xf32, #tpu.memory_space<vmem>> -> memref<16x512xf32, #tpu.memory_space<vmem>>
      %dma_wait3A_174 = arith.constant 0 : i32
      %dma_wait3A_175 = arith.constant 0 : i32
      %dma_wait3A_176 = tpu.memref_slice %arg2[%dma_wait3A_174, %dma_wait3A_175] : memref<32768x512xf32, #tpu.memory_space<hbm>> -> memref<16x512xf32, #tpu.memory_space<hbm>>
      %dma_wait3A_177 = tpu.memref_slice %arg8[%dma_wait3A_169] : memref<4x!tpu.dma_semaphore, #tpu.memory_space<semaphore_mem>> -> memref<1x!tpu.dma_semaphore, #tpu.memory_space<semaphore_mem>>
      %dma_wait3A_178 = tpu.memref_squeeze %dma_wait3A_177 : memref<1x!tpu.dma_semaphore, #tpu.memory_space<semaphore_mem>> -> memref<!tpu.dma_semaphore, #tpu.memory_space<semaphore_mem>>
      %dma_wait3A_179 = arith.constant 0 : i32
      %dma_wait3A_180 = arith.constant 0 : i32
      %dma_wait3A_181 = tpu.memref_slice %arg5[%dma_wait3A_168, %dma_wait3A_179, %dma_wait3A_180] : memref<4x16x512xf32, #tpu.memory_space<vmem>> -> memref<1x16x512xf32, #tpu.memory_space<vmem>>
      %dma_wait3A_182 = tpu.memref_squeeze %dma_wait3A_181 : memref<1x16x512xf32, #tpu.memory_space<vmem>> -> memref<16x512xf32, #tpu.memory_space<vmem>>
      %dma_wait3A_183 = arith.constant 0 : i32
      %dma_wait3A_184 = arith.constant 0 : i32
      %dma_wait3A_185 = tpu.memref_slice %arg2[%dma_wait3A_183, %dma_wait3A_184] : memref<32768x512xf32, #tpu.memory_space<hbm>> -> memref<16x512xf32, #tpu.memory_space<hbm>>
      tpu.wait_dma2 semaphore(%dma_wait3A_178 : memref<!tpu.dma_semaphore, #tpu.memory_space<semaphore_mem>>) src(%dma_wait3A_185 : memref<16x512xf32, #tpu.memory_space<hbm>>) dst(%dma_wait3A_182 : memref<16x512xf32, #tpu.memory_space<vmem>>)
      %dma_wait3A_186 = arith.constant 1 : i32
      %dma_wait3A_187 = arith.constant 1 : i32
      %dma_wait3A_188 = arith.constant 0 : i32
      %dma_wait3A_189 = arith.constant 0 : i32
      %dma_wait3A_190 = tpu.memref_slice %arg6[%dma_wait3A_186, %dma_wait3A_188, %dma_wait3A_189] : memref<4x16x512xf32, #tpu.memory_space<vmem>> -> memref<1x16x512xf32, #tpu.memory_space<vmem>>
      %dma_wait3A_191 = tpu.memref_squeeze %dma_wait3A_190 : memref<1x16x512xf32, #tpu.memory_space<vmem>> -> memref<16x512xf32, #tpu.memory_space<vmem>>
      %dma_wait3A_192 = arith.constant 0 : i32
      %dma_wait3A_193 = arith.constant 0 : i32
      %dma_wait3A_194 = tpu.memref_slice %arg3[%dma_wait3A_192, %dma_wait3A_193] : memref<32768x512xf32, #tpu.memory_space<hbm>> -> memref<16x512xf32, #tpu.memory_space<hbm>>
      %dma_wait3A_195 = tpu.memref_slice %arg8[%dma_wait3A_187] : memref<4x!tpu.dma_semaphore, #tpu.memory_space<semaphore_mem>> -> memref<1x!tpu.dma_semaphore, #tpu.memory_space<semaphore_mem>>
      %dma_wait3A_196 = tpu.memref_squeeze %dma_wait3A_195 : memref<1x!tpu.dma_semaphore, #tpu.memory_space<semaphore_mem>> -> memref<!tpu.dma_semaphore, #tpu.memory_space<semaphore_mem>>
      %dma_wait3A_197 = arith.constant 0 : i32
      %dma_wait3A_198 = arith.constant 0 : i32
      %dma_wait3A_199 = tpu.memref_slice %arg6[%dma_wait3A_186, %dma_wait3A_197, %dma_wait3A_198] : memref<4x16x512xf32, #tpu.memory_space<vmem>> -> memref<1x16x512xf32, #tpu.memory_space<vmem>>
      %dma_wait3A_200 = tpu.memref_squeeze %dma_wait3A_199 : memref<1x16x512xf32, #tpu.memory_space<vmem>> -> memref<16x512xf32, #tpu.memory_space<vmem>>
      %dma_wait3A_201 = arith.constant 0 : i32
      %dma_wait3A_202 = arith.constant 0 : i32
      %dma_wait3A_203 = tpu.memref_slice %arg3[%dma_wait3A_201, %dma_wait3A_202] : memref<32768x512xf32, #tpu.memory_space<hbm>> -> memref<16x512xf32, #tpu.memory_space<hbm>>
      tpu.wait_dma2 semaphore(%dma_wait3A_196 : memref<!tpu.dma_semaphore, #tpu.memory_space<semaphore_mem>>) src(%dma_wait3A_203 : memref<16x512xf32, #tpu.memory_space<hbm>>) dst(%dma_wait3A_200 : memref<16x512xf32, #tpu.memory_space<vmem>>)
      %add3A_204 = arith.constant 4 : i32
      %add3A_205 = arith.addi %add3A_167, %add3A_204 : i32
      %sub3A_206 = arith.constant 1 : i32
      %sub3A_207 = arith.subi %add3A_205, %sub3A_206 : i32
      %lt3A_208 = arith.constant 64 : i32
      %lt3A_209 = arith.cmpi slt, %sub3A_207, %lt3A_208 : i32
      %convert_element_type3A_210 = arith.extui %lt3A_209 : i1 to i32
      %cond3A_211 = arith.constant 0 : i32
      %cond3A_212 = arith.cmpi ne, %convert_element_type3A_210, %cond3A_211 : i32
      scf.if %cond3A_212 {
        %mul3A_322 = arith.constant 16 : i32
        %mul3A_323 = arith.muli %sub3A_207, %mul3A_322 : i32
        %add3A_324 = arith.addi %add3A_4, %mul3A_323 : i32
        %dma_start3A_325 = arith.constant 0 : i32
        %dma_start3A_326 = arith.constant 0 : i32
        %dma_start3A_327 = arith.constant 0 : i32
        %dma_start3A_328 = arith.constant 0 : i32
        %dma_start3A_329 = tpu.memref_slice %arg5[%dma_start3A_325, %dma_start3A_327, %dma_start3A_328] : memref<4x16x512xf32, #tpu.memory_space<vmem>> -> memref<1x16x512xf32, #tpu.memory_space<vmem>>
        %dma_start3A_330 = tpu.memref_squeeze %dma_start3A_329 : memref<1x16x512xf32, #tpu.memory_space<vmem>> -> memref<16x512xf32, #tpu.memory_space<vmem>>
        %dma_start3A_331 = arith.constant 0 : i32
        %dma_start3A_332 = tpu.memref_slice %arg2[%add3A_324, %dma_start3A_331] : memref<32768x512xf32, #tpu.memory_space<hbm>> -> memref<16x512xf32, #tpu.memory_space<hbm>>
        %dma_start3A_333 = tpu.memref_slice %arg8[%dma_start3A_326] : memref<4x!tpu.dma_semaphore, #tpu.memory_space<semaphore_mem>> -> memref<1x!tpu.dma_semaphore, #tpu.memory_space<semaphore_mem>>
        %dma_start3A_334 = tpu.memref_squeeze %dma_start3A_333 : memref<1x!tpu.dma_semaphore, #tpu.memory_space<semaphore_mem>> -> memref<!tpu.dma_semaphore, #tpu.memory_space<semaphore_mem>>
        %dma_start3A_335 = arith.constant 0 : i32
        %dma_start3A_336 = arith.constant 0 : i32
        %dma_start3A_337 = tpu.memref_slice %arg5[%dma_start3A_325, %dma_start3A_335, %dma_start3A_336] : memref<4x16x512xf32, #tpu.memory_space<vmem>> -> memref<1x16x512xf32, #tpu.memory_space<vmem>>
        %dma_start3A_338 = tpu.memref_squeeze %dma_start3A_337 : memref<1x16x512xf32, #tpu.memory_space<vmem>> -> memref<16x512xf32, #tpu.memory_space<vmem>>
        %dma_start3A_339 = arith.constant 0 : i32
        %dma_start3A_340 = tpu.memref_slice %arg2[%add3A_324, %dma_start3A_339] : memref<32768x512xf32, #tpu.memory_space<hbm>> -> memref<16x512xf32, #tpu.memory_space<hbm>>
        tpu.enqueue_dma source(%dma_start3A_340 : memref<16x512xf32, #tpu.memory_space<hbm>>) target(%dma_start3A_338 : memref<16x512xf32, #tpu.memory_space<vmem>>) target_semaphore(%dma_start3A_334 : memref<!tpu.dma_semaphore, #tpu.memory_space<semaphore_mem>>)
        %dma_start3A_341 = arith.constant 0 : i32
        %dma_start3A_342 = arith.constant 0 : i32
        %dma_start3A_343 = arith.constant 0 : i32
        %dma_start3A_344 = arith.constant 0 : i32
        %dma_start3A_345 = tpu.memref_slice %arg6[%dma_start3A_341, %dma_start3A_343, %dma_start3A_344] : memref<4x16x512xf32, #tpu.memory_space<vmem>> -> memref<1x16x512xf32, #tpu.memory_space<vmem>>
        %dma_start3A_346 = tpu.memref_squeeze %dma_start3A_345 : memref<1x16x512xf32, #tpu.memory_space<vmem>> -> memref<16x512xf32, #tpu.memory_space<vmem>>
        %dma_start3A_347 = arith.constant 0 : i32
        %dma_start3A_348 = tpu.memref_slice %arg3[%add3A_324, %dma_start3A_347] : memref<32768x512xf32, #tpu.memory_space<hbm>> -> memref<16x512xf32, #tpu.memory_space<hbm>>
        %dma_start3A_349 = tpu.memref_slice %arg8[%dma_start3A_342] : memref<4x!tpu.dma_semaphore, #tpu.memory_space<semaphore_mem>> -> memref<1x!tpu.dma_semaphore, #tpu.memory_space<semaphore_mem>>
        %dma_start3A_350 = tpu.memref_squeeze %dma_start3A_349 : memref<1x!tpu.dma_semaphore, #tpu.memory_space<semaphore_mem>> -> memref<!tpu.dma_semaphore, #tpu.memory_space<semaphore_mem>>
        %dma_start3A_351 = arith.constant 0 : i32
        %dma_start3A_352 = arith.constant 0 : i32
        %dma_start3A_353 = tpu.memref_slice %arg6[%dma_start3A_341, %dma_start3A_351, %dma_start3A_352] : memref<4x16x512xf32, #tpu.memory_space<vmem>> -> memref<1x16x512xf32, #tpu.memory_space<vmem>>
        %dma_start3A_354 = tpu.memref_squeeze %dma_start3A_353 : memref<1x16x512xf32, #tpu.memory_space<vmem>> -> memref<16x512xf32, #tpu.memory_space<vmem>>
        %dma_start3A_355 = arith.constant 0 : i32
        %dma_start3A_356 = tpu.memref_slice %arg3[%add3A_324, %dma_start3A_355] : memref<32768x512xf32, #tpu.memory_space<hbm>> -> memref<16x512xf32, #tpu.memory_space<hbm>>
        tpu.enqueue_dma source(%dma_start3A_356 : memref<16x512xf32, #tpu.memory_space<hbm>>) target(%dma_start3A_354 : memref<16x512xf32, #tpu.memory_space<vmem>>) target_semaphore(%dma_start3A_350 : memref<!tpu.dma_semaphore, #tpu.memory_space<semaphore_mem>>)
      } else {
      }
      %scan3A_213 = arith.constant 0 : i32
      %scan3A_214 = arith.constant 16 : i32
      %scan3A_215 = arith.addi %scan3A_213, %scan3A_214 : i32
      %scan3A_216 = arith.constant 1 : i32
      scf.for %scan3A_322 = %scan3A_213 to %scan3A_215 step %scan3A_216  : i32 {
        %mul3A_323 = arith.constant 1 : i32
        %mul3A_324 = arith.muli %scan3A_322, %mul3A_323 : i32
        %add3A_325 = arith.constant 0 : i32
        %add3A_326 = arith.addi %add3A_325, %mul3A_324 : i32
        %broadcast_in_dim3A_327 = arith.constant 0.000000e+00 : f32
        %broadcast_in_dim3A_328 = vector.broadcast %broadcast_in_dim3A_327 : f32 to vector<16xf32>
        %get3A = arith.constant 1 : i32
        %get3A_329 = arith.index_cast %get3A : i32 to index
        %get3A_330 = arith.index_cast %add3A_326 : i32 to index
        %get3A_331 = arith.constant 0 : index
        %get3A_332 = tpu.vector_load %arg6[%get3A_329, %get3A_330, %get3A_331] {strides = array<i32>} : memref<4x16x512xf32, #tpu.memory_space<vmem>>, vector<1x1x16xf32>,
        %get3A_333 = vector.shape_cast %get3A_332 : vector<1x1x16xf32> to vector<16xf32>
        %slice3A = vector.extract_strided_slice %get3A_333 {offsets = [0], sizes = [1], strides = [1]} : vector<16xf32> to vector<1xf32>
        %squeeze3A = vector.extract %slice3A[0] : f32 from vector<1xf32>
        %get3A_334 = arith.constant 1 : i32
        %get3A_335 = arith.index_cast %get3A_334 : i32 to index
        %get3A_336 = arith.index_cast %add3A_326 : i32 to index
        %get3A_337 = arith.constant 0 : index
        %get3A_338 = tpu.vector_load %arg5[%get3A_335, %get3A_336, %get3A_337] {strides = array<i32>} : memref<4x16x512xf32, #tpu.memory_space<vmem>>, vector<1x1x16xf32>,
        %get3A_339 = vector.shape_cast %get3A_338 : vector<1x1x16xf32> to vector<16xf32>
        %sub3A_340 = arith.subf %get3A_339, %get3A_333 : vector<16xf32>
        %mul3A_341 = arith.mulf %sub3A_340, %sub3A_340 : vector<16xf32>
        %add3A_342 = arith.addf %broadcast_in_dim3A_328, %mul3A_341 : vector<16xf32>
        %get3A_343 = arith.constant 1 : i32
        %get3A_344 = arith.index_cast %get3A_343 : i32 to index
        %get3A_345 = arith.index_cast %add3A_326 : i32 to index
        %get3A_346 = arith.constant 16 : index
        %get3A_347 = tpu.vector_load %arg6[%get3A_344, %get3A_345, %get3A_346] {strides = array<i32>} : memref<4x16x512xf32, #tpu.memory_space<vmem>>, vector<1x1x16xf32>,
        %get3A_348 = vector.shape_cast %get3A_347 : vector<1x1x16xf32> to vector<16xf32>
        %get3A_349 = arith.constant 1 : i32
        %get3A_350 = arith.index_cast %get3A_349 : i32 to index
        %get3A_351 = arith.index_cast %add3A_326 : i32 to index
        %get3A_352 = arith.constant 16 : index
        %get3A_353 = tpu.vector_load %arg5[%get3A_350, %get3A_351, %get3A_352] {strides = array<i32>} : memref<4x16x512xf32, #tpu.memory_space<vmem>>, vector<1x1x16xf32>,
        %get3A_354 = vector.shape_cast %get3A_353 : vector<1x1x16xf32> to vector<16xf32>
        %sub3A_355 = arith.subf %get3A_354, %get3A_348 : vector<16xf32>
        %mul3A_356 = arith.mulf %sub3A_355, %sub3A_355 : vector<16xf32>
        %add3A_357 = arith.addf %add3A_342, %mul3A_356 : vector<16xf32>
        %get3A_358 = arith.constant 1 : i32
        %get3A_359 = arith.index_cast %get3A_358 : i32 to index
        %get3A_360 = arith.index_cast %add3A_326 : i32 to index
        %get3A_361 = arith.constant 32 : index
        %get3A_362 = tpu.vector_load %arg6[%get3A_359, %get3A_360, %get3A_361] {strides = array<i32>} : memref<4x16x512xf32, #tpu.memory_space<vmem>>, vector<1x1x16xf32>,
        %get3A_363 = vector.shape_cast %get3A_362 : vector<1x1x16xf32> to vector<16xf32>
        %get3A_364 = arith.constant 1 : i32
        %get3A_365 = arith.index_cast %get3A_364 : i32 to index
        %get3A_366 = arith.index_cast %add3A_326 : i32 to index
        %get3A_367 = arith.constant 32 : index
        %get3A_368 = tpu.vector_load %arg5[%get3A_365, %get3A_366, %get3A_367] {strides = array<i32>} : memref<4x16x512xf32, #tpu.memory_space<vmem>>, vector<1x1x16xf32>,
        %get3A_369 = vector.shape_cast %get3A_368 : vector<1x1x16xf32> to vector<16xf32>
        %sub3A_370 = arith.subf %get3A_369, %get3A_363 : vector<16xf32>
        %mul3A_371 = arith.mulf %sub3A_370, %sub3A_370 : vector<16xf32>
        %add3A_372 = arith.addf %add3A_357, %mul3A_371 : vector<16xf32>
        %get3A_373 = arith.constant 1 : i32
        %get3A_374 = arith.index_cast %get3A_373 : i32 to index
        %get3A_375 = arith.index_cast %add3A_326 : i32 to index
        %get3A_376 = arith.constant 48 : index
        %get3A_377 = tpu.vector_load %arg6[%get3A_374, %get3A_375, %get3A_376] {strides = array<i32>} : memref<4x16x512xf32, #tpu.memory_space<vmem>>, vector<1x1x16xf32>,
        %get3A_378 = vector.shape_cast %get3A_377 : vector<1x1x16xf32> to vector<16xf32>
        %get3A_379 = arith.constant 1 : i32
        %get3A_380 = arith.index_cast %get3A_379 : i32 to index
        %get3A_381 = arith.index_cast %add3A_326 : i32 to index
        %get3A_382 = arith.constant 48 : index
        %get3A_383 = tpu.vector_load %arg5[%get3A_380, %get3A_381, %get3A_382] {strides = array<i32>} : memref<4x16x512xf32, #tpu.memory_space<vmem>>, vector<1x1x16xf32>,
        %get3A_384 = vector.shape_cast %get3A_383 : vector<1x1x16xf32> to vector<16xf32>
        %sub3A_385 = arith.subf %get3A_384, %get3A_378 : vector<16xf32>
        %mul3A_386 = arith.mulf %sub3A_385, %sub3A_385 : vector<16xf32>
        %add3A_387 = arith.addf %add3A_372, %mul3A_386 : vector<16xf32>
        %get3A_388 = arith.constant 1 : i32
        %get3A_389 = arith.index_cast %get3A_388 : i32 to index
        %get3A_390 = arith.index_cast %add3A_326 : i32 to index
        %get3A_391 = arith.constant 64 : index
        %get3A_392 = tpu.vector_load %arg6[%get3A_389, %get3A_390, %get3A_391] {strides = array<i32>} : memref<4x16x512xf32, #tpu.memory_space<vmem>>, vector<1x1x16xf32>,
        %get3A_393 = vector.shape_cast %get3A_392 : vector<1x1x16xf32> to vector<16xf32>
        %get3A_394 = arith.constant 1 : i32
        %get3A_395 = arith.index_cast %get3A_394 : i32 to index
        %get3A_396 = arith.index_cast %add3A_326 : i32 to index
        %get3A_397 = arith.constant 64 : index
        %get3A_398 = tpu.vector_load %arg5[%get3A_395, %get3A_396, %get3A_397] {strides = array<i32>} : memref<4x16x512xf32, #tpu.memory_space<vmem>>, vector<1x1x16xf32>,
        %get3A_399 = vector.shape_cast %get3A_398 : vector<1x1x16xf32> to vector<16xf32>
        %sub3A_400 = arith.subf %get3A_399, %get3A_393 : vector<16xf32>
        %mul3A_401 = arith.mulf %sub3A_400, %sub3A_400 : vector<16xf32>
        %add3A_402 = arith.addf %add3A_387, %mul3A_401 : vector<16xf32>
        %get3A_403 = arith.constant 1 : i32
        %get3A_404 = arith.index_cast %get3A_403 : i32 to index
        %get3A_405 = arith.index_cast %add3A_326 : i32 to index
        %get3A_406 = arith.constant 80 : index
        %get3A_407 = tpu.vector_load %arg6[%get3A_404, %get3A_405, %get3A_406] {strides = array<i32>} : memref<4x16x512xf32, #tpu.memory_space<vmem>>, vector<1x1x16xf32>,
        %get3A_408 = vector.shape_cast %get3A_407 : vector<1x1x16xf32> to vector<16xf32>
        %get3A_409 = arith.constant 1 : i32
        %get3A_410 = arith.index_cast %get3A_409 : i32 to index
        %get3A_411 = arith.index_cast %add3A_326 : i32 to index
        %get3A_412 = arith.constant 80 : index
        %get3A_413 = tpu.vector_load %arg5[%get3A_410, %get3A_411, %get3A_412] {strides = array<i32>} : memref<4x16x512xf32, #tpu.memory_space<vmem>>, vector<1x1x16xf32>,
        %get3A_414 = vector.shape_cast %get3A_413 : vector<1x1x16xf32> to vector<16xf32>
        %sub3A_415 = arith.subf %get3A_414, %get3A_408 : vector<16xf32>
        %mul3A_416 = arith.mulf %sub3A_415, %sub3A_415 : vector<16xf32>
        %add3A_417 = arith.addf %add3A_402, %mul3A_416 : vector<16xf32>
        %get3A_418 = arith.constant 1 : i32
        %get3A_419 = arith.index_cast %get3A_418 : i32 to index
        %get3A_420 = arith.index_cast %add3A_326 : i32 to index
        %get3A_421 = arith.constant 96 : index
        %get3A_422 = tpu.vector_load %arg6[%get3A_419, %get3A_420, %get3A_421] {strides = array<i32>} : memref<4x16x512xf32, #tpu.memory_space<vmem>>, vector<1x1x16xf32>,
        %get3A_423 = vector.shape_cast %get3A_422 : vector<1x1x16xf32> to vector<16xf32>
        %get3A_424 = arith.constant 1 : i32
        %get3A_425 = arith.index_cast %get3A_424 : i32 to index
        %get3A_426 = arith.index_cast %add3A_326 : i32 to index
        %get3A_427 = arith.constant 96 : index
        %get3A_428 = tpu.vector_load %arg5[%get3A_425, %get3A_426, %get3A_427] {strides = array<i32>} : memref<4x16x512xf32, #tpu.memory_space<vmem>>, vector<1x1x16xf32>,
        %get3A_429 = vector.shape_cast %get3A_428 : vector<1x1x16xf32> to vector<16xf32>
        %sub3A_430 = arith.subf %get3A_429, %get3A_423 : vector<16xf32>
        %mul3A_431 = arith.mulf %sub3A_430, %sub3A_430 : vector<16xf32>
        %add3A_432 = arith.addf %add3A_417, %mul3A_431 : vector<16xf32>
        %get3A_433 = arith.constant 1 : i32
        %get3A_434 = arith.index_cast %get3A_433 : i32 to index
        %get3A_435 = arith.index_cast %add3A_326 : i32 to index
        %get3A_436 = arith.constant 112 : index
        %get3A_437 = tpu.vector_load %arg6[%get3A_434, %get3A_435, %get3A_436] {strides = array<i32>} : memref<4x16x512xf32, #tpu.memory_space<vmem>>, vector<1x1x16xf32>,
        %get3A_438 = vector.shape_cast %get3A_437 : vector<1x1x16xf32> to vector<16xf32>
        %get3A_439 = arith.constant 1 : i32
        %get3A_440 = arith.index_cast %get3A_439 : i32 to index
        %get3A_441 = arith.index_cast %add3A_326 : i32 to index
        %get3A_442 = arith.constant 112 : index
        %get3A_443 = tpu.vector_load %arg5[%get3A_440, %get3A_441, %get3A_442] {strides = array<i32>} : memref<4x16x512xf32, #tpu.memory_space<vmem>>, vector<1x1x16xf32>,
        %get3A_444 = vector.shape_cast %get3A_443 : vector<1x1x16xf32> to vector<16xf32>
        %sub3A_445 = arith.subf %get3A_444, %get3A_438 : vector<16xf32>
        %mul3A_446 = arith.mulf %sub3A_445, %sub3A_445 : vector<16xf32>
        %add3A_447 = arith.addf %add3A_432, %mul3A_446 : vector<16xf32>
        %get3A_448 = arith.constant 1 : i32
        %get3A_449 = arith.index_cast %get3A_448 : i32 to index
        %get3A_450 = arith.index_cast %add3A_326 : i32 to index
        %get3A_451 = arith.constant 128 : index
        %get3A_452 = tpu.vector_load %arg6[%get3A_449, %get3A_450, %get3A_451] {strides = array<i32>} : memref<4x16x512xf32, #tpu.memory_space<vmem>>, vector<1x1x16xf32>,
        %get3A_453 = vector.shape_cast %get3A_452 : vector<1x1x16xf32> to vector<16xf32>
        %get3A_454 = arith.constant 1 : i32
        %get3A_455 = arith.index_cast %get3A_454 : i32 to index
        %get3A_456 = arith.index_cast %add3A_326 : i32 to index
        %get3A_457 = arith.constant 128 : index
        %get3A_458 = tpu.vector_load %arg5[%get3A_455, %get3A_456, %get3A_457] {strides = array<i32>} : memref<4x16x512xf32, #tpu.memory_space<vmem>>, vector<1x1x16xf32>,
        %get3A_459 = vector.shape_cast %get3A_458 : vector<1x1x16xf32> to vector<16xf32>
        %sub3A_460 = arith.subf %get3A_459, %get3A_453 : vector<16xf32>
        %mul3A_461 = arith.mulf %sub3A_460, %sub3A_460 : vector<16xf32>
        %add3A_462 = arith.addf %add3A_447, %mul3A_461 : vector<16xf32>
        %get3A_463 = arith.constant 1 : i32
        %get3A_464 = arith.index_cast %get3A_463 : i32 to index
        %get3A_465 = arith.index_cast %add3A_326 : i32 to index
        %get3A_466 = arith.constant 144 : index
        %get3A_467 = tpu.vector_load %arg6[%get3A_464, %get3A_465, %get3A_466] {strides = array<i32>} : memref<4x16x512xf32, #tpu.memory_space<vmem>>, vector<1x1x16xf32>,
        %get3A_468 = vector.shape_cast %get3A_467 : vector<1x1x16xf32> to vector<16xf32>
        %get3A_469 = arith.constant 1 : i32
        %get3A_470 = arith.index_cast %get3A_469 : i32 to index
        %get3A_471 = arith.index_cast %add3A_326 : i32 to index
        %get3A_472 = arith.constant 144 : index
        %get3A_473 = tpu.vector_load %arg5[%get3A_470, %get3A_471, %get3A_472] {strides = array<i32>} : memref<4x16x512xf32, #tpu.memory_space<vmem>>, vector<1x1x16xf32>,
        %get3A_474 = vector.shape_cast %get3A_473 : vector<1x1x16xf32> to vector<16xf32>
        %sub3A_475 = arith.subf %get3A_474, %get3A_468 : vector<16xf32>
        %mul3A_476 = arith.mulf %sub3A_475, %sub3A_475 : vector<16xf32>
        %add3A_477 = arith.addf %add3A_462, %mul3A_476 : vector<16xf32>
        %get3A_478 = arith.constant 1 : i32
        %get3A_479 = arith.index_cast %get3A_478 : i32 to index
        %get3A_480 = arith.index_cast %add3A_326 : i32 to index
        %get3A_481 = arith.constant 160 : index
        %get3A_482 = tpu.vector_load %arg6[%get3A_479, %get3A_480, %get3A_481] {strides = array<i32>} : memref<4x16x512xf32, #tpu.memory_space<vmem>>, vector<1x1x16xf32>,
        %get3A_483 = vector.shape_cast %get3A_482 : vector<1x1x16xf32> to vector<16xf32>
        %get3A_484 = arith.constant 1 : i32
        %get3A_485 = arith.index_cast %get3A_484 : i32 to index
        %get3A_486 = arith.index_cast %add3A_326 : i32 to index
        %get3A_487 = arith.constant 160 : index
        %get3A_488 = tpu.vector_load %arg5[%get3A_485, %get3A_486, %get3A_487] {strides = array<i32>} : memref<4x16x512xf32, #tpu.memory_space<vmem>>, vector<1x1x16xf32>,
        %get3A_489 = vector.shape_cast %get3A_488 : vector<1x1x16xf32> to vector<16xf32>
        %sub3A_490 = arith.subf %get3A_489, %get3A_483 : vector<16xf32>
        %mul3A_491 = arith.mulf %sub3A_490, %sub3A_490 : vector<16xf32>
        %add3A_492 = arith.addf %add3A_477, %mul3A_491 : vector<16xf32>
        %get3A_493 = arith.constant 1 : i32
        %get3A_494 = arith.index_cast %get3A_493 : i32 to index
        %get3A_495 = arith.index_cast %add3A_326 : i32 to index
        %get3A_496 = arith.constant 176 : index
        %get3A_497 = tpu.vector_load %arg6[%get3A_494, %get3A_495, %get3A_496] {strides = array<i32>} : memref<4x16x512xf32, #tpu.memory_space<vmem>>, vector<1x1x16xf32>,
        %get3A_498 = vector.shape_cast %get3A_497 : vector<1x1x16xf32> to vector<16xf32>
        %get3A_499 = arith.constant 1 : i32
        %get3A_500 = arith.index_cast %get3A_499 : i32 to index
        %get3A_501 = arith.index_cast %add3A_326 : i32 to index
        %get3A_502 = arith.constant 176 : index
        %get3A_503 = tpu.vector_load %arg5[%get3A_500, %get3A_501, %get3A_502] {strides = array<i32>} : memref<4x16x512xf32, #tpu.memory_space<vmem>>, vector<1x1x16xf32>,
        %get3A_504 = vector.shape_cast %get3A_503 : vector<1x1x16xf32> to vector<16xf32>
        %sub3A_505 = arith.subf %get3A_504, %get3A_498 : vector<16xf32>
        %mul3A_506 = arith.mulf %sub3A_505, %sub3A_505 : vector<16xf32>
        %add3A_507 = arith.addf %add3A_492, %mul3A_506 : vector<16xf32>
        %get3A_508 = arith.constant 1 : i32
        %get3A_509 = arith.index_cast %get3A_508 : i32 to index
        %get3A_510 = arith.index_cast %add3A_326 : i32 to index
        %get3A_511 = arith.constant 192 : index
        %get3A_512 = tpu.vector_load %arg6[%get3A_509, %get3A_510, %get3A_511] {strides = array<i32>} : memref<4x16x512xf32, #tpu.memory_space<vmem>>, vector<1x1x16xf32>,
        %get3A_513 = vector.shape_cast %get3A_512 : vector<1x1x16xf32> to vector<16xf32>
        %get3A_514 = arith.constant 1 : i32
        %get3A_515 = arith.index_cast %get3A_514 : i32 to index
        %get3A_516 = arith.index_cast %add3A_326 : i32 to index
        %get3A_517 = arith.constant 192 : index
        %get3A_518 = tpu.vector_load %arg5[%get3A_515, %get3A_516, %get3A_517] {strides = array<i32>} : memref<4x16x512xf32, #tpu.memory_space<vmem>>, vector<1x1x16xf32>,
        %get3A_519 = vector.shape_cast %get3A_518 : vector<1x1x16xf32> to vector<16xf32>
        %sub3A_520 = arith.subf %get3A_519, %get3A_513 : vector<16xf32>
        %mul3A_521 = arith.mulf %sub3A_520, %sub3A_520 : vector<16xf32>
        %add3A_522 = arith.addf %add3A_507, %mul3A_521 : vector<16xf32>
        %get3A_523 = arith.constant 1 : i32
        %get3A_524 = arith.index_cast %get3A_523 : i32 to index
        %get3A_525 = arith.index_cast %add3A_326 : i32 to index
        %get3A_526 = arith.constant 208 : index
        %get3A_527 = tpu.vector_load %arg6[%get3A_524, %get3A_525, %get3A_526] {strides = array<i32>} : memref<4x16x512xf32, #tpu.memory_space<vmem>>, vector<1x1x16xf32>,
        %get3A_528 = vector.shape_cast %get3A_527 : vector<1x1x16xf32> to vector<16xf32>
        %get3A_529 = arith.constant 1 : i32
        %get3A_530 = arith.index_cast %get3A_529 : i32 to index
        %get3A_531 = arith.index_cast %add3A_326 : i32 to index
        %get3A_532 = arith.constant 208 : index
        %get3A_533 = tpu.vector_load %arg5[%get3A_530, %get3A_531, %get3A_532] {strides = array<i32>} : memref<4x16x512xf32, #tpu.memory_space<vmem>>, vector<1x1x16xf32>,
        %get3A_534 = vector.shape_cast %get3A_533 : vector<1x1x16xf32> to vector<16xf32>
        %sub3A_535 = arith.subf %get3A_534, %get3A_528 : vector<16xf32>
        %mul3A_536 = arith.mulf %sub3A_535, %sub3A_535 : vector<16xf32>
        %add3A_537 = arith.addf %add3A_522, %mul3A_536 : vector<16xf32>
        %get3A_538 = arith.constant 1 : i32
        %get3A_539 = arith.index_cast %get3A_538 : i32 to index
        %get3A_540 = arith.index_cast %add3A_326 : i32 to index
        %get3A_541 = arith.constant 224 : index
        %get3A_542 = tpu.vector_load %arg6[%get3A_539, %get3A_540, %get3A_541] {strides = array<i32>} : memref<4x16x512xf32, #tpu.memory_space<vmem>>, vector<1x1x16xf32>,
        %get3A_543 = vector.shape_cast %get3A_542 : vector<1x1x16xf32> to vector<16xf32>
        %get3A_544 = arith.constant 1 : i32
        %get3A_545 = arith.index_cast %get3A_544 : i32 to index
        %get3A_546 = arith.index_cast %add3A_326 : i32 to index
        %get3A_547 = arith.constant 224 : index
        %get3A_548 = tpu.vector_load %arg5[%get3A_545, %get3A_546, %get3A_547] {strides = array<i32>} : memref<4x16x512xf32, #tpu.memory_space<vmem>>, vector<1x1x16xf32>,
        %get3A_549 = vector.shape_cast %get3A_548 : vector<1x1x16xf32> to vector<16xf32>
        %sub3A_550 = arith.subf %get3A_549, %get3A_543 : vector<16xf32>
        %mul3A_551 = arith.mulf %sub3A_550, %sub3A_550 : vector<16xf32>
        %add3A_552 = arith.addf %add3A_537, %mul3A_551 : vector<16xf32>
        %get3A_553 = arith.constant 1 : i32
        %get3A_554 = arith.index_cast %get3A_553 : i32 to index
        %get3A_555 = arith.index_cast %add3A_326 : i32 to index
        %get3A_556 = arith.constant 240 : index
        %get3A_557 = tpu.vector_load %arg6[%get3A_554, %get3A_555, %get3A_556] {strides = array<i32>} : memref<4x16x512xf32, #tpu.memory_space<vmem>>, vector<1x1x16xf32>,
        %get3A_558 = vector.shape_cast %get3A_557 : vector<1x1x16xf32> to vector<16xf32>
        %get3A_559 = arith.constant 1 : i32
        %get3A_560 = arith.index_cast %get3A_559 : i32 to index
        %get3A_561 = arith.index_cast %add3A_326 : i32 to index
        %get3A_562 = arith.constant 240 : index
        %get3A_563 = tpu.vector_load %arg5[%get3A_560, %get3A_561, %get3A_562] {strides = array<i32>} : memref<4x16x512xf32, #tpu.memory_space<vmem>>, vector<1x1x16xf32>,
        %get3A_564 = vector.shape_cast %get3A_563 : vector<1x1x16xf32> to vector<16xf32>
        %sub3A_565 = arith.subf %get3A_564, %get3A_558 : vector<16xf32>
        %mul3A_566 = arith.mulf %sub3A_565, %sub3A_565 : vector<16xf32>
        %add3A_567 = arith.addf %add3A_552, %mul3A_566 : vector<16xf32>
        %get3A_568 = arith.constant 1 : i32
        %get3A_569 = arith.index_cast %get3A_568 : i32 to index
        %get3A_570 = arith.index_cast %add3A_326 : i32 to index
        %get3A_571 = arith.constant 256 : index
        %get3A_572 = tpu.vector_load %arg6[%get3A_569, %get3A_570, %get3A_571] {strides = array<i32>} : memref<4x16x512xf32, #tpu.memory_space<vmem>>, vector<1x1x16xf32>,
        %get3A_573 = vector.shape_cast %get3A_572 : vector<1x1x16xf32> to vector<16xf32>
        %get3A_574 = arith.constant 1 : i32
        %get3A_575 = arith.index_cast %get3A_574 : i32 to index
        %get3A_576 = arith.index_cast %add3A_326 : i32 to index
        %get3A_577 = arith.constant 256 : index
        %get3A_578 = tpu.vector_load %arg5[%get3A_575, %get3A_576, %get3A_577] {strides = array<i32>} : memref<4x16x512xf32, #tpu.memory_space<vmem>>, vector<1x1x16xf32>,
        %get3A_579 = vector.shape_cast %get3A_578 : vector<1x1x16xf32> to vector<16xf32>
        %sub3A_580 = arith.subf %get3A_579, %get3A_573 : vector<16xf32>
        %mul3A_581 = arith.mulf %sub3A_580, %sub3A_580 : vector<16xf32>
        %add3A_582 = arith.addf %add3A_567, %mul3A_581 : vector<16xf32>
        %get3A_583 = arith.constant 1 : i32
        %get3A_584 = arith.index_cast %get3A_583 : i32 to index
        %get3A_585 = arith.index_cast %add3A_326 : i32 to index
        %get3A_586 = arith.constant 272 : index
        %get3A_587 = tpu.vector_load %arg6[%get3A_584, %get3A_585, %get3A_586] {strides = array<i32>} : memref<4x16x512xf32, #tpu.memory_space<vmem>>, vector<1x1x16xf32>,
        %get3A_588 = vector.shape_cast %get3A_587 : vector<1x1x16xf32> to vector<16xf32>
        %get3A_589 = arith.constant 1 : i32
        %get3A_590 = arith.index_cast %get3A_589 : i32 to index
        %get3A_591 = arith.index_cast %add3A_326 : i32 to index
        %get3A_592 = arith.constant 272 : index
        %get3A_593 = tpu.vector_load %arg5[%get3A_590, %get3A_591, %get3A_592] {strides = array<i32>} : memref<4x16x512xf32, #tpu.memory_space<vmem>>, vector<1x1x16xf32>,
        %get3A_594 = vector.shape_cast %get3A_593 : vector<1x1x16xf32> to vector<16xf32>
        %sub3A_595 = arith.subf %get3A_594, %get3A_588 : vector<16xf32>
        %mul3A_596 = arith.mulf %sub3A_595, %sub3A_595 : vector<16xf32>
        %add3A_597 = arith.addf %add3A_582, %mul3A_596 : vector<16xf32>
        %get3A_598 = arith.constant 1 : i32
        %get3A_599 = arith.index_cast %get3A_598 : i32 to index
        %get3A_600 = arith.index_cast %add3A_326 : i32 to index
        %get3A_601 = arith.constant 288 : index
        %get3A_602 = tpu.vector_load %arg6[%get3A_599, %get3A_600, %get3A_601] {strides = array<i32>} : memref<4x16x512xf32, #tpu.memory_space<vmem>>, vector<1x1x16xf32>,
        %get3A_603 = vector.shape_cast %get3A_602 : vector<1x1x16xf32> to vector<16xf32>
        %get3A_604 = arith.constant 1 : i32
        %get3A_605 = arith.index_cast %get3A_604 : i32 to index
        %get3A_606 = arith.index_cast %add3A_326 : i32 to index
        %get3A_607 = arith.constant 288 : index
        %get3A_608 = tpu.vector_load %arg5[%get3A_605, %get3A_606, %get3A_607] {strides = array<i32>} : memref<4x16x512xf32, #tpu.memory_space<vmem>>, vector<1x1x16xf32>,
        %get3A_609 = vector.shape_cast %get3A_608 : vector<1x1x16xf32> to vector<16xf32>
        %sub3A_610 = arith.subf %get3A_609, %get3A_603 : vector<16xf32>
        %mul3A_611 = arith.mulf %sub3A_610, %sub3A_610 : vector<16xf32>
        %add3A_612 = arith.addf %add3A_597, %mul3A_611 : vector<16xf32>
        %get3A_613 = arith.constant 1 : i32
        %get3A_614 = arith.index_cast %get3A_613 : i32 to index
        %get3A_615 = arith.index_cast %add3A_326 : i32 to index
        %get3A_616 = arith.constant 304 : index
        %get3A_617 = tpu.vector_load %arg6[%get3A_614, %get3A_615, %get3A_616] {strides = array<i32>} : memref<4x16x512xf32, #tpu.memory_space<vmem>>, vector<1x1x16xf32>,
        %get3A_618 = vector.shape_cast %get3A_617 : vector<1x1x16xf32> to vector<16xf32>
        %get3A_619 = arith.constant 1 : i32
        %get3A_620 = arith.index_cast %get3A_619 : i32 to index
        %get3A_621 = arith.index_cast %add3A_326 : i32 to index
        %get3A_622 = arith.constant 304 : index
        %get3A_623 = tpu.vector_load %arg5[%get3A_620, %get3A_621, %get3A_622] {strides = array<i32>} : memref<4x16x512xf32, #tpu.memory_space<vmem>>, vector<1x1x16xf32>,
        %get3A_624 = vector.shape_cast %get3A_623 : vector<1x1x16xf32> to vector<16xf32>
        %sub3A_625 = arith.subf %get3A_624, %get3A_618 : vector<16xf32>
        %mul3A_626 = arith.mulf %sub3A_625, %sub3A_625 : vector<16xf32>
        %add3A_627 = arith.addf %add3A_612, %mul3A_626 : vector<16xf32>
        %get3A_628 = arith.constant 1 : i32
        %get3A_629 = arith.index_cast %get3A_628 : i32 to index
        %get3A_630 = arith.index_cast %add3A_326 : i32 to index
        %get3A_631 = arith.constant 320 : index
        %get3A_632 = tpu.vector_load %arg6[%get3A_629, %get3A_630, %get3A_631] {strides = array<i32>} : memref<4x16x512xf32, #tpu.memory_space<vmem>>, vector<1x1x16xf32>,
        %get3A_633 = vector.shape_cast %get3A_632 : vector<1x1x16xf32> to vector<16xf32>
        %get3A_634 = arith.constant 1 : i32
        %get3A_635 = arith.index_cast %get3A_634 : i32 to index
        %get3A_636 = arith.index_cast %add3A_326 : i32 to index
        %get3A_637 = arith.constant 320 : index
        %get3A_638 = tpu.vector_load %arg5[%get3A_635, %get3A_636, %get3A_637] {strides = array<i32>} : memref<4x16x512xf32, #tpu.memory_space<vmem>>, vector<1x1x16xf32>,
        %get3A_639 = vector.shape_cast %get3A_638 : vector<1x1x16xf32> to vector<16xf32>
        %sub3A_640 = arith.subf %get3A_639, %get3A_633 : vector<16xf32>
        %mul3A_641 = arith.mulf %sub3A_640, %sub3A_640 : vector<16xf32>
        %add3A_642 = arith.addf %add3A_627, %mul3A_641 : vector<16xf32>
        %get3A_643 = arith.constant 1 : i32
        %get3A_644 = arith.index_cast %get3A_643 : i32 to index
        %get3A_645 = arith.index_cast %add3A_326 : i32 to index
        %get3A_646 = arith.constant 336 : index
        %get3A_647 = tpu.vector_load %arg6[%get3A_644, %get3A_645, %get3A_646] {strides = array<i32>} : memref<4x16x512xf32, #tpu.memory_space<vmem>>, vector<1x1x16xf32>,
        %get3A_648 = vector.shape_cast %get3A_647 : vector<1x1x16xf32> to vector<16xf32>
        %get3A_649 = arith.constant 1 : i32
        %get3A_650 = arith.index_cast %get3A_649 : i32 to index
        %get3A_651 = arith.index_cast %add3A_326 : i32 to index
        %get3A_652 = arith.constant 336 : index
        %get3A_653 = tpu.vector_load %arg5[%get3A_650, %get3A_651, %get3A_652] {strides = array<i32>} : memref<4x16x512xf32, #tpu.memory_space<vmem>>, vector<1x1x16xf32>,
        %get3A_654 = vector.shape_cast %get3A_653 : vector<1x1x16xf32> to vector<16xf32>
        %sub3A_655 = arith.subf %get3A_654, %get3A_648 : vector<16xf32>
        %mul3A_656 = arith.mulf %sub3A_655, %sub3A_655 : vector<16xf32>
        %add3A_657 = arith.addf %add3A_642, %mul3A_656 : vector<16xf32>
        %get3A_658 = arith.constant 1 : i32
        %get3A_659 = arith.index_cast %get3A_658 : i32 to index
        %get3A_660 = arith.index_cast %add3A_326 : i32 to index
        %get3A_661 = arith.constant 352 : index
        %get3A_662 = tpu.vector_load %arg6[%get3A_659, %get3A_660, %get3A_661] {strides = array<i32>} : memref<4x16x512xf32, #tpu.memory_space<vmem>>, vector<1x1x16xf32>,
        %get3A_663 = vector.shape_cast %get3A_662 : vector<1x1x16xf32> to vector<16xf32>
        %get3A_664 = arith.constant 1 : i32
        %get3A_665 = arith.index_cast %get3A_664 : i32 to index
        %get3A_666 = arith.index_cast %add3A_326 : i32 to index
        %get3A_667 = arith.constant 352 : index
        %get3A_668 = tpu.vector_load %arg5[%get3A_665, %get3A_666, %get3A_667] {strides = array<i32>} : memref<4x16x512xf32, #tpu.memory_space<vmem>>, vector<1x1x16xf32>,
        %get3A_669 = vector.shape_cast %get3A_668 : vector<1x1x16xf32> to vector<16xf32>
        %sub3A_670 = arith.subf %get3A_669, %get3A_663 : vector<16xf32>
        %mul3A_671 = arith.mulf %sub3A_670, %sub3A_670 : vector<16xf32>
        %add3A_672 = arith.addf %add3A_657, %mul3A_671 : vector<16xf32>
        %get3A_673 = arith.constant 1 : i32
        %get3A_674 = arith.index_cast %get3A_673 : i32 to index
        %get3A_675 = arith.index_cast %add3A_326 : i32 to index
        %get3A_676 = arith.constant 368 : index
        %get3A_677 = tpu.vector_load %arg6[%get3A_674, %get3A_675, %get3A_676] {strides = array<i32>} : memref<4x16x512xf32, #tpu.memory_space<vmem>>, vector<1x1x16xf32>,
        %get3A_678 = vector.shape_cast %get3A_677 : vector<1x1x16xf32> to vector<16xf32>
        %get3A_679 = arith.constant 1 : i32
        %get3A_680 = arith.index_cast %get3A_679 : i32 to index
        %get3A_681 = arith.index_cast %add3A_326 : i32 to index
        %get3A_682 = arith.constant 368 : index
        %get3A_683 = tpu.vector_load %arg5[%get3A_680, %get3A_681, %get3A_682] {strides = array<i32>} : memref<4x16x512xf32, #tpu.memory_space<vmem>>, vector<1x1x16xf32>,
        %get3A_684 = vector.shape_cast %get3A_683 : vector<1x1x16xf32> to vector<16xf32>
        %sub3A_685 = arith.subf %get3A_684, %get3A_678 : vector<16xf32>
        %mul3A_686 = arith.mulf %sub3A_685, %sub3A_685 : vector<16xf32>
        %add3A_687 = arith.addf %add3A_672, %mul3A_686 : vector<16xf32>
        %get3A_688 = arith.constant 1 : i32
        %get3A_689 = arith.index_cast %get3A_688 : i32 to index
        %get3A_690 = arith.index_cast %add3A_326 : i32 to index
        %get3A_691 = arith.constant 384 : index
        %get3A_692 = tpu.vector_load %arg6[%get3A_689, %get3A_690, %get3A_691] {strides = array<i32>} : memref<4x16x512xf32, #tpu.memory_space<vmem>>, vector<1x1x16xf32>,
        %get3A_693 = vector.shape_cast %get3A_692 : vector<1x1x16xf32> to vector<16xf32>
        %get3A_694 = arith.constant 1 : i32
        %get3A_695 = arith.index_cast %get3A_694 : i32 to index
        %get3A_696 = arith.index_cast %add3A_326 : i32 to index
        %get3A_697 = arith.constant 384 : index
        %get3A_698 = tpu.vector_load %arg5[%get3A_695, %get3A_696, %get3A_697] {strides = array<i32>} : memref<4x16x512xf32, #tpu.memory_space<vmem>>, vector<1x1x16xf32>,
        %get3A_699 = vector.shape_cast %get3A_698 : vector<1x1x16xf32> to vector<16xf32>
        %sub3A_700 = arith.subf %get3A_699, %get3A_693 : vector<16xf32>
        %mul3A_701 = arith.mulf %sub3A_700, %sub3A_700 : vector<16xf32>
        %add3A_702 = arith.addf %add3A_687, %mul3A_701 : vector<16xf32>
        %get3A_703 = arith.constant 1 : i32
        %get3A_704 = arith.index_cast %get3A_703 : i32 to index
        %get3A_705 = arith.index_cast %add3A_326 : i32 to index
        %get3A_706 = arith.constant 400 : index
        %get3A_707 = tpu.vector_load %arg6[%get3A_704, %get3A_705, %get3A_706] {strides = array<i32>} : memref<4x16x512xf32, #tpu.memory_space<vmem>>, vector<1x1x16xf32>,
        %get3A_708 = vector.shape_cast %get3A_707 : vector<1x1x16xf32> to vector<16xf32>
        %get3A_709 = arith.constant 1 : i32
        %get3A_710 = arith.index_cast %get3A_709 : i32 to index
        %get3A_711 = arith.index_cast %add3A_326 : i32 to index
        %get3A_712 = arith.constant 400 : index
        %get3A_713 = tpu.vector_load %arg5[%get3A_710, %get3A_711, %get3A_712] {strides = array<i32>} : memref<4x16x512xf32, #tpu.memory_space<vmem>>, vector<1x1x16xf32>,
        %get3A_714 = vector.shape_cast %get3A_713 : vector<1x1x16xf32> to vector<16xf32>
        %sub3A_715 = arith.subf %get3A_714, %get3A_708 : vector<16xf32>
        %mul3A_716 = arith.mulf %sub3A_715, %sub3A_715 : vector<16xf32>
        %add3A_717 = arith.addf %add3A_702, %mul3A_716 : vector<16xf32>
        %get3A_718 = arith.constant 1 : i32
        %get3A_719 = arith.index_cast %get3A_718 : i32 to index
        %get3A_720 = arith.index_cast %add3A_326 : i32 to index
        %get3A_721 = arith.constant 416 : index
        %get3A_722 = tpu.vector_load %arg6[%get3A_719, %get3A_720, %get3A_721] {strides = array<i32>} : memref<4x16x512xf32, #tpu.memory_space<vmem>>, vector<1x1x16xf32>,
        %get3A_723 = vector.shape_cast %get3A_722 : vector<1x1x16xf32> to vector<16xf32>
        %get3A_724 = arith.constant 1 : i32
        %get3A_725 = arith.index_cast %get3A_724 : i32 to index
        %get3A_726 = arith.index_cast %add3A_326 : i32 to index
        %get3A_727 = arith.constant 416 : index
        %get3A_728 = tpu.vector_load %arg5[%get3A_725, %get3A_726, %get3A_727] {strides = array<i32>} : memref<4x16x512xf32, #tpu.memory_space<vmem>>, vector<1x1x16xf32>,
        %get3A_729 = vector.shape_cast %get3A_728 : vector<1x1x16xf32> to vector<16xf32>
        %sub3A_730 = arith.subf %get3A_729, %get3A_723 : vector<16xf32>
        %mul3A_731 = arith.mulf %sub3A_730, %sub3A_730 : vector<16xf32>
        %add3A_732 = arith.addf %add3A_717, %mul3A_731 : vector<16xf32>
        %get3A_733 = arith.constant 1 : i32
        %get3A_734 = arith.index_cast %get3A_733 : i32 to index
        %get3A_735 = arith.index_cast %add3A_326 : i32 to index
        %get3A_736 = arith.constant 432 : index
        %get3A_737 = tpu.vector_load %arg6[%get3A_734, %get3A_735, %get3A_736] {strides = array<i32>} : memref<4x16x512xf32, #tpu.memory_space<vmem>>, vector<1x1x16xf32>,
        %get3A_738 = vector.shape_cast %get3A_737 : vector<1x1x16xf32> to vector<16xf32>
        %get3A_739 = arith.constant 1 : i32
        %get3A_740 = arith.index_cast %get3A_739 : i32 to index
        %get3A_741 = arith.index_cast %add3A_326 : i32 to index
        %get3A_742 = arith.constant 432 : index
        %get3A_743 = tpu.vector_load %arg5[%get3A_740, %get3A_741, %get3A_742] {strides = array<i32>} : memref<4x16x512xf32, #tpu.memory_space<vmem>>, vector<1x1x16xf32>,
        %get3A_744 = vector.shape_cast %get3A_743 : vector<1x1x16xf32> to vector<16xf32>
        %sub3A_745 = arith.subf %get3A_744, %get3A_738 : vector<16xf32>
        %mul3A_746 = arith.mulf %sub3A_745, %sub3A_745 : vector<16xf32>
        %add3A_747 = arith.addf %add3A_732, %mul3A_746 : vector<16xf32>
        %get3A_748 = arith.constant 1 : i32
        %get3A_749 = arith.index_cast %get3A_748 : i32 to index
        %get3A_750 = arith.index_cast %add3A_326 : i32 to index
        %get3A_751 = arith.constant 448 : index
        %get3A_752 = tpu.vector_load %arg6[%get3A_749, %get3A_750, %get3A_751] {strides = array<i32>} : memref<4x16x512xf32, #tpu.memory_space<vmem>>, vector<1x1x16xf32>,
        %get3A_753 = vector.shape_cast %get3A_752 : vector<1x1x16xf32> to vector<16xf32>
        %get3A_754 = arith.constant 1 : i32
        %get3A_755 = arith.index_cast %get3A_754 : i32 to index
        %get3A_756 = arith.index_cast %add3A_326 : i32 to index
        %get3A_757 = arith.constant 448 : index
        %get3A_758 = tpu.vector_load %arg5[%get3A_755, %get3A_756, %get3A_757] {strides = array<i32>} : memref<4x16x512xf32, #tpu.memory_space<vmem>>, vector<1x1x16xf32>,
        %get3A_759 = vector.shape_cast %get3A_758 : vector<1x1x16xf32> to vector<16xf32>
        %sub3A_760 = arith.subf %get3A_759, %get3A_753 : vector<16xf32>
        %mul3A_761 = arith.mulf %sub3A_760, %sub3A_760 : vector<16xf32>
        %add3A_762 = arith.addf %add3A_747, %mul3A_761 : vector<16xf32>
        %get3A_763 = arith.constant 1 : i32
        %get3A_764 = arith.index_cast %get3A_763 : i32 to index
        %get3A_765 = arith.index_cast %add3A_326 : i32 to index
        %get3A_766 = arith.constant 464 : index
        %get3A_767 = tpu.vector_load %arg6[%get3A_764, %get3A_765, %get3A_766] {strides = array<i32>} : memref<4x16x512xf32, #tpu.memory_space<vmem>>, vector<1x1x16xf32>,
        %get3A_768 = vector.shape_cast %get3A_767 : vector<1x1x16xf32> to vector<16xf32>
        %get3A_769 = arith.constant 1 : i32
        %get3A_770 = arith.index_cast %get3A_769 : i32 to index
        %get3A_771 = arith.index_cast %add3A_326 : i32 to index
        %get3A_772 = arith.constant 464 : index
        %get3A_773 = tpu.vector_load %arg5[%get3A_770, %get3A_771, %get3A_772] {strides = array<i32>} : memref<4x16x512xf32, #tpu.memory_space<vmem>>, vector<1x1x16xf32>,
        %get3A_774 = vector.shape_cast %get3A_773 : vector<1x1x16xf32> to vector<16xf32>
        %sub3A_775 = arith.subf %get3A_774, %get3A_768 : vector<16xf32>
        %mul3A_776 = arith.mulf %sub3A_775, %sub3A_775 : vector<16xf32>
        %add3A_777 = arith.addf %add3A_762, %mul3A_776 : vector<16xf32>
        %get3A_778 = arith.constant 1 : i32
        %get3A_779 = arith.index_cast %get3A_778 : i32 to index
        %get3A_780 = arith.index_cast %add3A_326 : i32 to index
        %get3A_781 = arith.constant 480 : index
        %get3A_782 = tpu.vector_load %arg6[%get3A_779, %get3A_780, %get3A_781] {strides = array<i32>} : memref<4x16x512xf32, #tpu.memory_space<vmem>>, vector<1x1x16xf32>,
        %get3A_783 = vector.shape_cast %get3A_782 : vector<1x1x16xf32> to vector<16xf32>
        %get3A_784 = arith.constant 1 : i32
        %get3A_785 = arith.index_cast %get3A_784 : i32 to index
        %get3A_786 = arith.index_cast %add3A_326 : i32 to index
        %get3A_787 = arith.constant 480 : index
        %get3A_788 = tpu.vector_load %arg5[%get3A_785, %get3A_786, %get3A_787] {strides = array<i32>} : memref<4x16x512xf32, #tpu.memory_space<vmem>>, vector<1x1x16xf32>,
        %get3A_789 = vector.shape_cast %get3A_788 : vector<1x1x16xf32> to vector<16xf32>
        %sub3A_790 = arith.subf %get3A_789, %get3A_783 : vector<16xf32>
        %mul3A_791 = arith.mulf %sub3A_790, %sub3A_790 : vector<16xf32>
        %add3A_792 = arith.addf %add3A_777, %mul3A_791 : vector<16xf32>
        %get3A_793 = arith.constant 1 : i32
        %get3A_794 = arith.index_cast %get3A_793 : i32 to index
        %get3A_795 = arith.index_cast %add3A_326 : i32 to index
        %get3A_796 = arith.constant 496 : index
        %get3A_797 = tpu.vector_load %arg6[%get3A_794, %get3A_795, %get3A_796] {strides = array<i32>} : memref<4x16x512xf32, #tpu.memory_space<vmem>>, vector<1x1x16xf32>,
        %get3A_798 = vector.shape_cast %get3A_797 : vector<1x1x16xf32> to vector<16xf32>
        %get3A_799 = arith.constant 1 : i32
        %get3A_800 = arith.index_cast %get3A_799 : i32 to index
        %get3A_801 = arith.index_cast %add3A_326 : i32 to index
        %get3A_802 = arith.constant 496 : index
        %get3A_803 = tpu.vector_load %arg5[%get3A_800, %get3A_801, %get3A_802] {strides = array<i32>} : memref<4x16x512xf32, #tpu.memory_space<vmem>>, vector<1x1x16xf32>,
        %get3A_804 = vector.shape_cast %get3A_803 : vector<1x1x16xf32> to vector<16xf32>
        %sub3A_805 = arith.subf %get3A_804, %get3A_798 : vector<16xf32>
        %mul3A_806 = arith.mulf %sub3A_805, %sub3A_805 : vector<16xf32>
        %add3A_807 = arith.addf %add3A_792, %mul3A_806 : vector<16xf32>
        %ne3A = arith.constant -1.000000e+00 : f32
        %ne3A_808 = arith.cmpf one, %squeeze3A, %ne3A : f32
        %jit3A = arith.constant 1.000000e+00 : f32
        %jit3A_809 = arith.constant 0.000000e+00 : f32
        %select_n3A = arith.select %ne3A_808, %jit3A, %jit3A_809 : f32
        %get3A_810 = arith.constant 0 : index
        %get3A_811 = tpu.vector_load %arg7[%get3A_810] {strides = array<i32>} : memref<16xf32, #tpu.memory_space<vmem>>, vector<16xf32>,
        %get3A_812 = vector.shape_cast %get3A_811 : vector<16xf32> to vector<16xf32>
        %mul3A_813 = vector.broadcast %select_n3A : f32 to vector<16xf32>
        %mul3A_814 = arith.mulf %add3A_807, %mul3A_813 : vector<16xf32>
        %add3A_815 = arith.addf %get3A_812, %mul3A_814 : vector<16xf32>
        %swap3A_816 = arith.constant 0 : index
        %swap3A_817 = tpu.vector_load %arg7[%swap3A_816] {strides = array<i32>} : memref<16xf32, #tpu.memory_space<vmem>>, vector<16xf32>,
        %swap3A_818 = vector.shape_cast %swap3A_817 : vector<16xf32> to vector<16xf32>
        %swap3A_819 = vector.shape_cast %add3A_815 : vector<16xf32> to vector<16xf32>
        tpu.vector_store %arg7[%swap3A_816], %swap3A_819 {strides = array<i32>} : memref<16xf32, #tpu.memory_space<vmem>>, vector<16xf32>,
      }
      %scan3A_217 = arith.constant 16 : i32
      %add3A_218 = arith.constant 2 : i32
      %add3A_219 = arith.addi %add3A_118, %add3A_218 : i32
      %dma_wait3A_220 = arith.constant 2 : i32
      %dma_wait3A_221 = arith.constant 2 : i32
      %dma_wait3A_222 = arith.constant 0 : i32
      %dma_wait3A_223 = arith.constant 0 : i32
      %dma_wait3A_224 = tpu.memref_slice %arg5[%dma_wait3A_220, %dma_wait3A_222, %dma_wait3A_223] : memref<4x16x512xf32, #tpu.memory_space<vmem>> -> memref<1x16x512xf32, #tpu.memory_space<vmem>>
      %dma_wait3A_225 = tpu.memref_squeeze %dma_wait3A_224 : memref<1x16x512xf32, #tpu.memory_space<vmem>> -> memref<16x512xf32, #tpu.memory_space<vmem>>
      %dma_wait3A_226 = arith.constant 0 : i32
      %dma_wait3A_227 = arith.constant 0 : i32
      %dma_wait3A_228 = tpu.memref_slice %arg2[%dma_wait3A_226, %dma_wait3A_227] : memref<32768x512xf32, #tpu.memory_space<hbm>> -> memref<16x512xf32, #tpu.memory_space<hbm>>
      %dma_wait3A_229 = tpu.memref_slice %arg8[%dma_wait3A_221] : memref<4x!tpu.dma_semaphore, #tpu.memory_space<semaphore_mem>> -> memref<1x!tpu.dma_semaphore, #tpu.memory_space<semaphore_mem>>
      %dma_wait3A_230 = tpu.memref_squeeze %dma_wait3A_229 : memref<1x!tpu.dma_semaphore, #tpu.memory_space<semaphore_mem>> -> memref<!tpu.dma_semaphore, #tpu.memory_space<semaphore_mem>>
      %dma_wait3A_231 = arith.constant 0 : i32
      %dma_wait3A_232 = arith.constant 0 : i32
      %dma_wait3A_233 = tpu.memref_slice %arg5[%dma_wait3A_220, %dma_wait3A_231, %dma_wait3A_232] : memref<4x16x512xf32, #tpu.memory_space<vmem>> -> memref<1x16x512xf32, #tpu.memory_space<vmem>>
      %dma_wait3A_234 = tpu.memref_squeeze %dma_wait3A_233 : memref<1x16x512xf32, #tpu.memory_space<vmem>> -> memref<16x512xf32, #tpu.memory_space<vmem>>
      %dma_wait3A_235 = arith.constant 0 : i32
      %dma_wait3A_236 = arith.constant 0 : i32
      %dma_wait3A_237 = tpu.memref_slice %arg2[%dma_wait3A_235, %dma_wait3A_236] : memref<32768x512xf32, #tpu.memory_space<hbm>> -> memref<16x512xf32, #tpu.memory_space<hbm>>
      tpu.wait_dma2 semaphore(%dma_wait3A_230 : memref<!tpu.dma_semaphore, #tpu.memory_space<semaphore_mem>>) src(%dma_wait3A_237 : memref<16x512xf32, #tpu.memory_space<hbm>>) dst(%dma_wait3A_234 : memref<16x512xf32, #tpu.memory_space<vmem>>)
      %dma_wait3A_238 = arith.constant 2 : i32
      %dma_wait3A_239 = arith.constant 2 : i32
      %dma_wait3A_240 = arith.constant 0 : i32
      %dma_wait3A_241 = arith.constant 0 : i32
      %dma_wait3A_242 = tpu.memref_slice %arg6[%dma_wait3A_238, %dma_wait3A_240, %dma_wait3A_241] : memref<4x16x512xf32, #tpu.memory_space<vmem>> -> memref<1x16x512xf32, #tpu.memory_space<vmem>>
      %dma_wait3A_243 = tpu.memref_squeeze %dma_wait3A_242 : memref<1x16x512xf32, #tpu.memory_space<vmem>> -> memref<16x512xf32, #tpu.memory_space<vmem>>
      %dma_wait3A_244 = arith.constant 0 : i32
      %dma_wait3A_245 = arith.constant 0 : i32
      %dma_wait3A_246 = tpu.memref_slice %arg3[%dma_wait3A_244, %dma_wait3A_245] : memref<32768x512xf32, #tpu.memory_space<hbm>> -> memref<16x512xf32, #tpu.memory_space<hbm>>
      %dma_wait3A_247 = tpu.memref_slice %arg8[%dma_wait3A_239] : memref<4x!tpu.dma_semaphore, #tpu.memory_space<semaphore_mem>> -> memref<1x!tpu.dma_semaphore, #tpu.memory_space<semaphore_mem>>
      %dma_wait3A_248 = tpu.memref_squeeze %dma_wait3A_247 : memref<1x!tpu.dma_semaphore, #tpu.memory_space<semaphore_mem>> -> memref<!tpu.dma_semaphore, #tpu.memory_space<semaphore_mem>>
      %dma_wait3A_249 = arith.constant 0 : i32
      %dma_wait3A_250 = arith.constant 0 : i32
      %dma_wait3A_251 = tpu.memref_slice %arg6[%dma_wait3A_238, %dma_wait3A_249, %dma_wait3A_250] : memref<4x16x512xf32, #tpu.memory_space<vmem>> -> memref<1x16x512xf32, #tpu.memory_space<vmem>>
      %dma_wait3A_252 = tpu.memref_squeeze %dma_wait3A_251 : memref<1x16x512xf32, #tpu.memory_space<vmem>> -> memref<16x512xf32, #tpu.memory_space<vmem>>
      %dma_wait3A_253 = arith.constant 0 : i32
      %dma_wait3A_254 = arith.constant 0 : i32
      %dma_wait3A_255 = tpu.memref_slice %arg3[%dma_wait3A_253, %dma_wait3A_254] : memref<32768x512xf32, #tpu.memory_space<hbm>> -> memref<16x512xf32, #tpu.memory_space<hbm>>
      tpu.wait_dma2 semaphore(%dma_wait3A_248 : memref<!tpu.dma_semaphore, #tpu.memory_space<semaphore_mem>>) src(%dma_wait3A_255 : memref<16x512xf32, #tpu.memory_space<hbm>>) dst(%dma_wait3A_252 : memref<16x512xf32, #tpu.memory_space<vmem>>)
      %add3A_256 = arith.constant 4 : i32
      %add3A_257 = arith.addi %add3A_219, %add3A_256 : i32
      %sub3A_258 = arith.constant 1 : i32
      %sub3A_259 = arith.subi %add3A_257, %sub3A_258 : i32
      %lt3A_260 = arith.constant 64 : i32
      %lt3A_261 = arith.cmpi slt, %sub3A_259, %lt3A_260 : i32
      %convert_element_type3A_262 = arith.extui %lt3A_261 : i1 to i32
      %cond3A_263 = arith.constant 0 : i32
      %cond3A_264 = arith.cmpi ne, %convert_element_type3A_262, %cond3A_263 : i32
      scf.if %cond3A_264 {
        %mul3A_322 = arith.constant 16 : i32
        %mul3A_323 = arith.muli %sub3A_259, %mul3A_322 : i32
        %add3A_324 = arith.addi %add3A_4, %mul3A_323 : i32
        %dma_start3A_325 = arith.constant 1 : i32
        %dma_start3A_326 = arith.constant 1 : i32
        %dma_start3A_327 = arith.constant 0 : i32
        %dma_start3A_328 = arith.constant 0 : i32
        %dma_start3A_329 = tpu.memref_slice %arg5[%dma_start3A_325, %dma_start3A_327, %dma_start3A_328] : memref<4x16x512xf32, #tpu.memory_space<vmem>> -> memref<1x16x512xf32, #tpu.memory_space<vmem>>
        %dma_start3A_330 = tpu.memref_squeeze %dma_start3A_329 : memref<1x16x512xf32, #tpu.memory_space<vmem>> -> memref<16x512xf32, #tpu.memory_space<vmem>>
        %dma_start3A_331 = arith.constant 0 : i32
        %dma_start3A_332 = tpu.memref_slice %arg2[%add3A_324, %dma_start3A_331] : memref<32768x512xf32, #tpu.memory_space<hbm>> -> memref<16x512xf32, #tpu.memory_space<hbm>>
        %dma_start3A_333 = tpu.memref_slice %arg8[%dma_start3A_326] : memref<4x!tpu.dma_semaphore, #tpu.memory_space<semaphore_mem>> -> memref<1x!tpu.dma_semaphore, #tpu.memory_space<semaphore_mem>>
        %dma_start3A_334 = tpu.memref_squeeze %dma_start3A_333 : memref<1x!tpu.dma_semaphore, #tpu.memory_space<semaphore_mem>> -> memref<!tpu.dma_semaphore, #tpu.memory_space<semaphore_mem>>
        %dma_start3A_335 = arith.constant 0 : i32
        %dma_start3A_336 = arith.constant 0 : i32
        %dma_start3A_337 = tpu.memref_slice %arg5[%dma_start3A_325, %dma_start3A_335, %dma_start3A_336] : memref<4x16x512xf32, #tpu.memory_space<vmem>> -> memref<1x16x512xf32, #tpu.memory_space<vmem>>
        %dma_start3A_338 = tpu.memref_squeeze %dma_start3A_337 : memref<1x16x512xf32, #tpu.memory_space<vmem>> -> memref<16x512xf32, #tpu.memory_space<vmem>>
        %dma_start3A_339 = arith.constant 0 : i32
        %dma_start3A_340 = tpu.memref_slice %arg2[%add3A_324, %dma_start3A_339] : memref<32768x512xf32, #tpu.memory_space<hbm>> -> memref<16x512xf32, #tpu.memory_space<hbm>>
        tpu.enqueue_dma source(%dma_start3A_340 : memref<16x512xf32, #tpu.memory_space<hbm>>) target(%dma_start3A_338 : memref<16x512xf32, #tpu.memory_space<vmem>>) target_semaphore(%dma_start3A_334 : memref<!tpu.dma_semaphore, #tpu.memory_space<semaphore_mem>>)
        %dma_start3A_341 = arith.constant 1 : i32
        %dma_start3A_342 = arith.constant 1 : i32
        %dma_start3A_343 = arith.constant 0 : i32
        %dma_start3A_344 = arith.constant 0 : i32
        %dma_start3A_345 = tpu.memref_slice %arg6[%dma_start3A_341, %dma_start3A_343, %dma_start3A_344] : memref<4x16x512xf32, #tpu.memory_space<vmem>> -> memref<1x16x512xf32, #tpu.memory_space<vmem>>
        %dma_start3A_346 = tpu.memref_squeeze %dma_start3A_345 : memref<1x16x512xf32, #tpu.memory_space<vmem>> -> memref<16x512xf32, #tpu.memory_space<vmem>>
        %dma_start3A_347 = arith.constant 0 : i32
        %dma_start3A_348 = tpu.memref_slice %arg3[%add3A_324, %dma_start3A_347] : memref<32768x512xf32, #tpu.memory_space<hbm>> -> memref<16x512xf32, #tpu.memory_space<hbm>>
        %dma_start3A_349 = tpu.memref_slice %arg8[%dma_start3A_342] : memref<4x!tpu.dma_semaphore, #tpu.memory_space<semaphore_mem>> -> memref<1x!tpu.dma_semaphore, #tpu.memory_space<semaphore_mem>>
        %dma_start3A_350 = tpu.memref_squeeze %dma_start3A_349 : memref<1x!tpu.dma_semaphore, #tpu.memory_space<semaphore_mem>> -> memref<!tpu.dma_semaphore, #tpu.memory_space<semaphore_mem>>
        %dma_start3A_351 = arith.constant 0 : i32
        %dma_start3A_352 = arith.constant 0 : i32
        %dma_start3A_353 = tpu.memref_slice %arg6[%dma_start3A_341, %dma_start3A_351, %dma_start3A_352] : memref<4x16x512xf32, #tpu.memory_space<vmem>> -> memref<1x16x512xf32, #tpu.memory_space<vmem>>
        %dma_start3A_354 = tpu.memref_squeeze %dma_start3A_353 : memref<1x16x512xf32, #tpu.memory_space<vmem>> -> memref<16x512xf32, #tpu.memory_space<vmem>>
        %dma_start3A_355 = arith.constant 0 : i32
        %dma_start3A_356 = tpu.memref_slice %arg3[%add3A_324, %dma_start3A_355] : memref<32768x512xf32, #tpu.memory_space<hbm>> -> memref<16x512xf32, #tpu.memory_space<hbm>>
        tpu.enqueue_dma source(%dma_start3A_356 : memref<16x512xf32, #tpu.memory_space<hbm>>) target(%dma_start3A_354 : memref<16x512xf32, #tpu.memory_space<vmem>>) target_semaphore(%dma_start3A_350 : memref<!tpu.dma_semaphore, #tpu.memory_space<semaphore_mem>>)
      } else {
      }
      %scan3A_265 = arith.constant 0 : i32
      %scan3A_266 = arith.constant 16 : i32
      %scan3A_267 = arith.addi %scan3A_265, %scan3A_266 : i32
      %scan3A_268 = arith.constant 1 : i32
      scf.for %scan3A_322 = %scan3A_265 to %scan3A_267 step %scan3A_268  : i32 {
        %mul3A_323 = arith.constant 1 : i32
        %mul3A_324 = arith.muli %scan3A_322, %mul3A_323 : i32
        %add3A_325 = arith.constant 0 : i32
        %add3A_326 = arith.addi %add3A_325, %mul3A_324 : i32
        %broadcast_in_dim3A_327 = arith.constant 0.000000e+00 : f32
        %broadcast_in_dim3A_328 = vector.broadcast %broadcast_in_dim3A_327 : f32 to vector<16xf32>
        %get3A = arith.constant 2 : i32
        %get3A_329 = arith.index_cast %get3A : i32 to index
        %get3A_330 = arith.index_cast %add3A_326 : i32 to index
        %get3A_331 = arith.constant 0 : index
        %get3A_332 = tpu.vector_load %arg6[%get3A_329, %get3A_330, %get3A_331] {strides = array<i32>} : memref<4x16x512xf32, #tpu.memory_space<vmem>>, vector<1x1x16xf32>,
        %get3A_333 = vector.shape_cast %get3A_332 : vector<1x1x16xf32> to vector<16xf32>
        %slice3A = vector.extract_strided_slice %get3A_333 {offsets = [0], sizes = [1], strides = [1]} : vector<16xf32> to vector<1xf32>
        %squeeze3A = vector.extract %slice3A[0] : f32 from vector<1xf32>
        %get3A_334 = arith.constant 2 : i32
        %get3A_335 = arith.index_cast %get3A_334 : i32 to index
        %get3A_336 = arith.index_cast %add3A_326 : i32 to index
        %get3A_337 = arith.constant 0 : index
        %get3A_338 = tpu.vector_load %arg5[%get3A_335, %get3A_336, %get3A_337] {strides = array<i32>} : memref<4x16x512xf32, #tpu.memory_space<vmem>>, vector<1x1x16xf32>,
        %get3A_339 = vector.shape_cast %get3A_338 : vector<1x1x16xf32> to vector<16xf32>
        %sub3A_340 = arith.subf %get3A_339, %get3A_333 : vector<16xf32>
        %mul3A_341 = arith.mulf %sub3A_340, %sub3A_340 : vector<16xf32>
        %add3A_342 = arith.addf %broadcast_in_dim3A_328, %mul3A_341 : vector<16xf32>
        %get3A_343 = arith.constant 2 : i32
        %get3A_344 = arith.index_cast %get3A_343 : i32 to index
        %get3A_345 = arith.index_cast %add3A_326 : i32 to index
        %get3A_346 = arith.constant 16 : index
        %get3A_347 = tpu.vector_load %arg6[%get3A_344, %get3A_345, %get3A_346] {strides = array<i32>} : memref<4x16x512xf32, #tpu.memory_space<vmem>>, vector<1x1x16xf32>,
        %get3A_348 = vector.shape_cast %get3A_347 : vector<1x1x16xf32> to vector<16xf32>
        %get3A_349 = arith.constant 2 : i32
        %get3A_350 = arith.index_cast %get3A_349 : i32 to index
        %get3A_351 = arith.index_cast %add3A_326 : i32 to index
        %get3A_352 = arith.constant 16 : index
        %get3A_353 = tpu.vector_load %arg5[%get3A_350, %get3A_351, %get3A_352] {strides = array<i32>} : memref<4x16x512xf32, #tpu.memory_space<vmem>>, vector<1x1x16xf32>,
        %get3A_354 = vector.shape_cast %get3A_353 : vector<1x1x16xf32> to vector<16xf32>
        %sub3A_355 = arith.subf %get3A_354, %get3A_348 : vector<16xf32>
        %mul3A_356 = arith.mulf %sub3A_355, %sub3A_355 : vector<16xf32>
        %add3A_357 = arith.addf %add3A_342, %mul3A_356 : vector<16xf32>
        %get3A_358 = arith.constant 2 : i32
        %get3A_359 = arith.index_cast %get3A_358 : i32 to index
        %get3A_360 = arith.index_cast %add3A_326 : i32 to index
        %get3A_361 = arith.constant 32 : index
        %get3A_362 = tpu.vector_load %arg6[%get3A_359, %get3A_360, %get3A_361] {strides = array<i32>} : memref<4x16x512xf32, #tpu.memory_space<vmem>>, vector<1x1x16xf32>,
        %get3A_363 = vector.shape_cast %get3A_362 : vector<1x1x16xf32> to vector<16xf32>
        %get3A_364 = arith.constant 2 : i32
        %get3A_365 = arith.index_cast %get3A_364 : i32 to index
        %get3A_366 = arith.index_cast %add3A_326 : i32 to index
        %get3A_367 = arith.constant 32 : index
        %get3A_368 = tpu.vector_load %arg5[%get3A_365, %get3A_366, %get3A_367] {strides = array<i32>} : memref<4x16x512xf32, #tpu.memory_space<vmem>>, vector<1x1x16xf32>,
        %get3A_369 = vector.shape_cast %get3A_368 : vector<1x1x16xf32> to vector<16xf32>
        %sub3A_370 = arith.subf %get3A_369, %get3A_363 : vector<16xf32>
        %mul3A_371 = arith.mulf %sub3A_370, %sub3A_370 : vector<16xf32>
        %add3A_372 = arith.addf %add3A_357, %mul3A_371 : vector<16xf32>
        %get3A_373 = arith.constant 2 : i32
        %get3A_374 = arith.index_cast %get3A_373 : i32 to index
        %get3A_375 = arith.index_cast %add3A_326 : i32 to index
        %get3A_376 = arith.constant 48 : index
        %get3A_377 = tpu.vector_load %arg6[%get3A_374, %get3A_375, %get3A_376] {strides = array<i32>} : memref<4x16x512xf32, #tpu.memory_space<vmem>>, vector<1x1x16xf32>,
        %get3A_378 = vector.shape_cast %get3A_377 : vector<1x1x16xf32> to vector<16xf32>
        %get3A_379 = arith.constant 2 : i32
        %get3A_380 = arith.index_cast %get3A_379 : i32 to index
        %get3A_381 = arith.index_cast %add3A_326 : i32 to index
        %get3A_382 = arith.constant 48 : index
        %get3A_383 = tpu.vector_load %arg5[%get3A_380, %get3A_381, %get3A_382] {strides = array<i32>} : memref<4x16x512xf32, #tpu.memory_space<vmem>>, vector<1x1x16xf32>,
        %get3A_384 = vector.shape_cast %get3A_383 : vector<1x1x16xf32> to vector<16xf32>
        %sub3A_385 = arith.subf %get3A_384, %get3A_378 : vector<16xf32>
        %mul3A_386 = arith.mulf %sub3A_385, %sub3A_385 : vector<16xf32>
        %add3A_387 = arith.addf %add3A_372, %mul3A_386 : vector<16xf32>
        %get3A_388 = arith.constant 2 : i32
        %get3A_389 = arith.index_cast %get3A_388 : i32 to index
        %get3A_390 = arith.index_cast %add3A_326 : i32 to index
        %get3A_391 = arith.constant 64 : index
        %get3A_392 = tpu.vector_load %arg6[%get3A_389, %get3A_390, %get3A_391] {strides = array<i32>} : memref<4x16x512xf32, #tpu.memory_space<vmem>>, vector<1x1x16xf32>,
        %get3A_393 = vector.shape_cast %get3A_392 : vector<1x1x16xf32> to vector<16xf32>
        %get3A_394 = arith.constant 2 : i32
        %get3A_395 = arith.index_cast %get3A_394 : i32 to index
        %get3A_396 = arith.index_cast %add3A_326 : i32 to index
        %get3A_397 = arith.constant 64 : index
        %get3A_398 = tpu.vector_load %arg5[%get3A_395, %get3A_396, %get3A_397] {strides = array<i32>} : memref<4x16x512xf32, #tpu.memory_space<vmem>>, vector<1x1x16xf32>,
        %get3A_399 = vector.shape_cast %get3A_398 : vector<1x1x16xf32> to vector<16xf32>
        %sub3A_400 = arith.subf %get3A_399, %get3A_393 : vector<16xf32>
        %mul3A_401 = arith.mulf %sub3A_400, %sub3A_400 : vector<16xf32>
        %add3A_402 = arith.addf %add3A_387, %mul3A_401 : vector<16xf32>
        %get3A_403 = arith.constant 2 : i32
        %get3A_404 = arith.index_cast %get3A_403 : i32 to index
        %get3A_405 = arith.index_cast %add3A_326 : i32 to index
        %get3A_406 = arith.constant 80 : index
        %get3A_407 = tpu.vector_load %arg6[%get3A_404, %get3A_405, %get3A_406] {strides = array<i32>} : memref<4x16x512xf32, #tpu.memory_space<vmem>>, vector<1x1x16xf32>,
        %get3A_408 = vector.shape_cast %get3A_407 : vector<1x1x16xf32> to vector<16xf32>
        %get3A_409 = arith.constant 2 : i32
        %get3A_410 = arith.index_cast %get3A_409 : i32 to index
        %get3A_411 = arith.index_cast %add3A_326 : i32 to index
        %get3A_412 = arith.constant 80 : index
        %get3A_413 = tpu.vector_load %arg5[%get3A_410, %get3A_411, %get3A_412] {strides = array<i32>} : memref<4x16x512xf32, #tpu.memory_space<vmem>>, vector<1x1x16xf32>,
        %get3A_414 = vector.shape_cast %get3A_413 : vector<1x1x16xf32> to vector<16xf32>
        %sub3A_415 = arith.subf %get3A_414, %get3A_408 : vector<16xf32>
        %mul3A_416 = arith.mulf %sub3A_415, %sub3A_415 : vector<16xf32>
        %add3A_417 = arith.addf %add3A_402, %mul3A_416 : vector<16xf32>
        %get3A_418 = arith.constant 2 : i32
        %get3A_419 = arith.index_cast %get3A_418 : i32 to index
        %get3A_420 = arith.index_cast %add3A_326 : i32 to index
        %get3A_421 = arith.constant 96 : index
        %get3A_422 = tpu.vector_load %arg6[%get3A_419, %get3A_420, %get3A_421] {strides = array<i32>} : memref<4x16x512xf32, #tpu.memory_space<vmem>>, vector<1x1x16xf32>,
        %get3A_423 = vector.shape_cast %get3A_422 : vector<1x1x16xf32> to vector<16xf32>
        %get3A_424 = arith.constant 2 : i32
        %get3A_425 = arith.index_cast %get3A_424 : i32 to index
        %get3A_426 = arith.index_cast %add3A_326 : i32 to index
        %get3A_427 = arith.constant 96 : index
        %get3A_428 = tpu.vector_load %arg5[%get3A_425, %get3A_426, %get3A_427] {strides = array<i32>} : memref<4x16x512xf32, #tpu.memory_space<vmem>>, vector<1x1x16xf32>,
        %get3A_429 = vector.shape_cast %get3A_428 : vector<1x1x16xf32> to vector<16xf32>
        %sub3A_430 = arith.subf %get3A_429, %get3A_423 : vector<16xf32>
        %mul3A_431 = arith.mulf %sub3A_430, %sub3A_430 : vector<16xf32>
        %add3A_432 = arith.addf %add3A_417, %mul3A_431 : vector<16xf32>
        %get3A_433 = arith.constant 2 : i32
        %get3A_434 = arith.index_cast %get3A_433 : i32 to index
        %get3A_435 = arith.index_cast %add3A_326 : i32 to index
        %get3A_436 = arith.constant 112 : index
        %get3A_437 = tpu.vector_load %arg6[%get3A_434, %get3A_435, %get3A_436] {strides = array<i32>} : memref<4x16x512xf32, #tpu.memory_space<vmem>>, vector<1x1x16xf32>,
        %get3A_438 = vector.shape_cast %get3A_437 : vector<1x1x16xf32> to vector<16xf32>
        %get3A_439 = arith.constant 2 : i32
        %get3A_440 = arith.index_cast %get3A_439 : i32 to index
        %get3A_441 = arith.index_cast %add3A_326 : i32 to index
        %get3A_442 = arith.constant 112 : index
        %get3A_443 = tpu.vector_load %arg5[%get3A_440, %get3A_441, %get3A_442] {strides = array<i32>} : memref<4x16x512xf32, #tpu.memory_space<vmem>>, vector<1x1x16xf32>,
        %get3A_444 = vector.shape_cast %get3A_443 : vector<1x1x16xf32> to vector<16xf32>
        %sub3A_445 = arith.subf %get3A_444, %get3A_438 : vector<16xf32>
        %mul3A_446 = arith.mulf %sub3A_445, %sub3A_445 : vector<16xf32>
        %add3A_447 = arith.addf %add3A_432, %mul3A_446 : vector<16xf32>
        %get3A_448 = arith.constant 2 : i32
        %get3A_449 = arith.index_cast %get3A_448 : i32 to index
        %get3A_450 = arith.index_cast %add3A_326 : i32 to index
        %get3A_451 = arith.constant 128 : index
        %get3A_452 = tpu.vector_load %arg6[%get3A_449, %get3A_450, %get3A_451] {strides = array<i32>} : memref<4x16x512xf32, #tpu.memory_space<vmem>>, vector<1x1x16xf32>,
        %get3A_453 = vector.shape_cast %get3A_452 : vector<1x1x16xf32> to vector<16xf32>
        %get3A_454 = arith.constant 2 : i32
        %get3A_455 = arith.index_cast %get3A_454 : i32 to index
        %get3A_456 = arith.index_cast %add3A_326 : i32 to index
        %get3A_457 = arith.constant 128 : index
        %get3A_458 = tpu.vector_load %arg5[%get3A_455, %get3A_456, %get3A_457] {strides = array<i32>} : memref<4x16x512xf32, #tpu.memory_space<vmem>>, vector<1x1x16xf32>,
        %get3A_459 = vector.shape_cast %get3A_458 : vector<1x1x16xf32> to vector<16xf32>
        %sub3A_460 = arith.subf %get3A_459, %get3A_453 : vector<16xf32>
        %mul3A_461 = arith.mulf %sub3A_460, %sub3A_460 : vector<16xf32>
        %add3A_462 = arith.addf %add3A_447, %mul3A_461 : vector<16xf32>
        %get3A_463 = arith.constant 2 : i32
        %get3A_464 = arith.index_cast %get3A_463 : i32 to index
        %get3A_465 = arith.index_cast %add3A_326 : i32 to index
        %get3A_466 = arith.constant 144 : index
        %get3A_467 = tpu.vector_load %arg6[%get3A_464, %get3A_465, %get3A_466] {strides = array<i32>} : memref<4x16x512xf32, #tpu.memory_space<vmem>>, vector<1x1x16xf32>,
        %get3A_468 = vector.shape_cast %get3A_467 : vector<1x1x16xf32> to vector<16xf32>
        %get3A_469 = arith.constant 2 : i32
        %get3A_470 = arith.index_cast %get3A_469 : i32 to index
        %get3A_471 = arith.index_cast %add3A_326 : i32 to index
        %get3A_472 = arith.constant 144 : index
        %get3A_473 = tpu.vector_load %arg5[%get3A_470, %get3A_471, %get3A_472] {strides = array<i32>} : memref<4x16x512xf32, #tpu.memory_space<vmem>>, vector<1x1x16xf32>,
        %get3A_474 = vector.shape_cast %get3A_473 : vector<1x1x16xf32> to vector<16xf32>
        %sub3A_475 = arith.subf %get3A_474, %get3A_468 : vector<16xf32>
        %mul3A_476 = arith.mulf %sub3A_475, %sub3A_475 : vector<16xf32>
        %add3A_477 = arith.addf %add3A_462, %mul3A_476 : vector<16xf32>
        %get3A_478 = arith.constant 2 : i32
        %get3A_479 = arith.index_cast %get3A_478 : i32 to index
        %get3A_480 = arith.index_cast %add3A_326 : i32 to index
        %get3A_481 = arith.constant 160 : index
        %get3A_482 = tpu.vector_load %arg6[%get3A_479, %get3A_480, %get3A_481] {strides = array<i32>} : memref<4x16x512xf32, #tpu.memory_space<vmem>>, vector<1x1x16xf32>,
        %get3A_483 = vector.shape_cast %get3A_482 : vector<1x1x16xf32> to vector<16xf32>
        %get3A_484 = arith.constant 2 : i32
        %get3A_485 = arith.index_cast %get3A_484 : i32 to index
        %get3A_486 = arith.index_cast %add3A_326 : i32 to index
        %get3A_487 = arith.constant 160 : index
        %get3A_488 = tpu.vector_load %arg5[%get3A_485, %get3A_486, %get3A_487] {strides = array<i32>} : memref<4x16x512xf32, #tpu.memory_space<vmem>>, vector<1x1x16xf32>,
        %get3A_489 = vector.shape_cast %get3A_488 : vector<1x1x16xf32> to vector<16xf32>
        %sub3A_490 = arith.subf %get3A_489, %get3A_483 : vector<16xf32>
        %mul3A_491 = arith.mulf %sub3A_490, %sub3A_490 : vector<16xf32>
        %add3A_492 = arith.addf %add3A_477, %mul3A_491 : vector<16xf32>
        %get3A_493 = arith.constant 2 : i32
        %get3A_494 = arith.index_cast %get3A_493 : i32 to index
        %get3A_495 = arith.index_cast %add3A_326 : i32 to index
        %get3A_496 = arith.constant 176 : index
        %get3A_497 = tpu.vector_load %arg6[%get3A_494, %get3A_495, %get3A_496] {strides = array<i32>} : memref<4x16x512xf32, #tpu.memory_space<vmem>>, vector<1x1x16xf32>,
        %get3A_498 = vector.shape_cast %get3A_497 : vector<1x1x16xf32> to vector<16xf32>
        %get3A_499 = arith.constant 2 : i32
        %get3A_500 = arith.index_cast %get3A_499 : i32 to index
        %get3A_501 = arith.index_cast %add3A_326 : i32 to index
        %get3A_502 = arith.constant 176 : index
        %get3A_503 = tpu.vector_load %arg5[%get3A_500, %get3A_501, %get3A_502] {strides = array<i32>} : memref<4x16x512xf32, #tpu.memory_space<vmem>>, vector<1x1x16xf32>,
        %get3A_504 = vector.shape_cast %get3A_503 : vector<1x1x16xf32> to vector<16xf32>
        %sub3A_505 = arith.subf %get3A_504, %get3A_498 : vector<16xf32>
        %mul3A_506 = arith.mulf %sub3A_505, %sub3A_505 : vector<16xf32>
        %add3A_507 = arith.addf %add3A_492, %mul3A_506 : vector<16xf32>
        %get3A_508 = arith.constant 2 : i32
        %get3A_509 = arith.index_cast %get3A_508 : i32 to index
        %get3A_510 = arith.index_cast %add3A_326 : i32 to index
        %get3A_511 = arith.constant 192 : index
        %get3A_512 = tpu.vector_load %arg6[%get3A_509, %get3A_510, %get3A_511] {strides = array<i32>} : memref<4x16x512xf32, #tpu.memory_space<vmem>>, vector<1x1x16xf32>,
        %get3A_513 = vector.shape_cast %get3A_512 : vector<1x1x16xf32> to vector<16xf32>
        %get3A_514 = arith.constant 2 : i32
        %get3A_515 = arith.index_cast %get3A_514 : i32 to index
        %get3A_516 = arith.index_cast %add3A_326 : i32 to index
        %get3A_517 = arith.constant 192 : index
        %get3A_518 = tpu.vector_load %arg5[%get3A_515, %get3A_516, %get3A_517] {strides = array<i32>} : memref<4x16x512xf32, #tpu.memory_space<vmem>>, vector<1x1x16xf32>,
        %get3A_519 = vector.shape_cast %get3A_518 : vector<1x1x16xf32> to vector<16xf32>
        %sub3A_520 = arith.subf %get3A_519, %get3A_513 : vector<16xf32>
        %mul3A_521 = arith.mulf %sub3A_520, %sub3A_520 : vector<16xf32>
        %add3A_522 = arith.addf %add3A_507, %mul3A_521 : vector<16xf32>
        %get3A_523 = arith.constant 2 : i32
        %get3A_524 = arith.index_cast %get3A_523 : i32 to index
        %get3A_525 = arith.index_cast %add3A_326 : i32 to index
        %get3A_526 = arith.constant 208 : index
        %get3A_527 = tpu.vector_load %arg6[%get3A_524, %get3A_525, %get3A_526] {strides = array<i32>} : memref<4x16x512xf32, #tpu.memory_space<vmem>>, vector<1x1x16xf32>,
        %get3A_528 = vector.shape_cast %get3A_527 : vector<1x1x16xf32> to vector<16xf32>
        %get3A_529 = arith.constant 2 : i32
        %get3A_530 = arith.index_cast %get3A_529 : i32 to index
        %get3A_531 = arith.index_cast %add3A_326 : i32 to index
        %get3A_532 = arith.constant 208 : index
        %get3A_533 = tpu.vector_load %arg5[%get3A_530, %get3A_531, %get3A_532] {strides = array<i32>} : memref<4x16x512xf32, #tpu.memory_space<vmem>>, vector<1x1x16xf32>,
        %get3A_534 = vector.shape_cast %get3A_533 : vector<1x1x16xf32> to vector<16xf32>
        %sub3A_535 = arith.subf %get3A_534, %get3A_528 : vector<16xf32>
        %mul3A_536 = arith.mulf %sub3A_535, %sub3A_535 : vector<16xf32>
        %add3A_537 = arith.addf %add3A_522, %mul3A_536 : vector<16xf32>
        %get3A_538 = arith.constant 2 : i32
        %get3A_539 = arith.index_cast %get3A_538 : i32 to index
        %get3A_540 = arith.index_cast %add3A_326 : i32 to index
        %get3A_541 = arith.constant 224 : index
        %get3A_542 = tpu.vector_load %arg6[%get3A_539, %get3A_540, %get3A_541] {strides = array<i32>} : memref<4x16x512xf32, #tpu.memory_space<vmem>>, vector<1x1x16xf32>,
        %get3A_543 = vector.shape_cast %get3A_542 : vector<1x1x16xf32> to vector<16xf32>
        %get3A_544 = arith.constant 2 : i32
        %get3A_545 = arith.index_cast %get3A_544 : i32 to index
        %get3A_546 = arith.index_cast %add3A_326 : i32 to index
        %get3A_547 = arith.constant 224 : index
        %get3A_548 = tpu.vector_load %arg5[%get3A_545, %get3A_546, %get3A_547] {strides = array<i32>} : memref<4x16x512xf32, #tpu.memory_space<vmem>>, vector<1x1x16xf32>,
        %get3A_549 = vector.shape_cast %get3A_548 : vector<1x1x16xf32> to vector<16xf32>
        %sub3A_550 = arith.subf %get3A_549, %get3A_543 : vector<16xf32>
        %mul3A_551 = arith.mulf %sub3A_550, %sub3A_550 : vector<16xf32>
        %add3A_552 = arith.addf %add3A_537, %mul3A_551 : vector<16xf32>
        %get3A_553 = arith.constant 2 : i32
        %get3A_554 = arith.index_cast %get3A_553 : i32 to index
        %get3A_555 = arith.index_cast %add3A_326 : i32 to index
        %get3A_556 = arith.constant 240 : index
        %get3A_557 = tpu.vector_load %arg6[%get3A_554, %get3A_555, %get3A_556] {strides = array<i32>} : memref<4x16x512xf32, #tpu.memory_space<vmem>>, vector<1x1x16xf32>,
        %get3A_558 = vector.shape_cast %get3A_557 : vector<1x1x16xf32> to vector<16xf32>
        %get3A_559 = arith.constant 2 : i32
        %get3A_560 = arith.index_cast %get3A_559 : i32 to index
        %get3A_561 = arith.index_cast %add3A_326 : i32 to index
        %get3A_562 = arith.constant 240 : index
        %get3A_563 = tpu.vector_load %arg5[%get3A_560, %get3A_561, %get3A_562] {strides = array<i32>} : memref<4x16x512xf32, #tpu.memory_space<vmem>>, vector<1x1x16xf32>,
        %get3A_564 = vector.shape_cast %get3A_563 : vector<1x1x16xf32> to vector<16xf32>
        %sub3A_565 = arith.subf %get3A_564, %get3A_558 : vector<16xf32>
        %mul3A_566 = arith.mulf %sub3A_565, %sub3A_565 : vector<16xf32>
        %add3A_567 = arith.addf %add3A_552, %mul3A_566 : vector<16xf32>
        %get3A_568 = arith.constant 2 : i32
        %get3A_569 = arith.index_cast %get3A_568 : i32 to index
        %get3A_570 = arith.index_cast %add3A_326 : i32 to index
        %get3A_571 = arith.constant 256 : index
        %get3A_572 = tpu.vector_load %arg6[%get3A_569, %get3A_570, %get3A_571] {strides = array<i32>} : memref<4x16x512xf32, #tpu.memory_space<vmem>>, vector<1x1x16xf32>,
        %get3A_573 = vector.shape_cast %get3A_572 : vector<1x1x16xf32> to vector<16xf32>
        %get3A_574 = arith.constant 2 : i32
        %get3A_575 = arith.index_cast %get3A_574 : i32 to index
        %get3A_576 = arith.index_cast %add3A_326 : i32 to index
        %get3A_577 = arith.constant 256 : index
        %get3A_578 = tpu.vector_load %arg5[%get3A_575, %get3A_576, %get3A_577] {strides = array<i32>} : memref<4x16x512xf32, #tpu.memory_space<vmem>>, vector<1x1x16xf32>,
        %get3A_579 = vector.shape_cast %get3A_578 : vector<1x1x16xf32> to vector<16xf32>
        %sub3A_580 = arith.subf %get3A_579, %get3A_573 : vector<16xf32>
        %mul3A_581 = arith.mulf %sub3A_580, %sub3A_580 : vector<16xf32>
        %add3A_582 = arith.addf %add3A_567, %mul3A_581 : vector<16xf32>
        %get3A_583 = arith.constant 2 : i32
        %get3A_584 = arith.index_cast %get3A_583 : i32 to index
        %get3A_585 = arith.index_cast %add3A_326 : i32 to index
        %get3A_586 = arith.constant 272 : index
        %get3A_587 = tpu.vector_load %arg6[%get3A_584, %get3A_585, %get3A_586] {strides = array<i32>} : memref<4x16x512xf32, #tpu.memory_space<vmem>>, vector<1x1x16xf32>,
        %get3A_588 = vector.shape_cast %get3A_587 : vector<1x1x16xf32> to vector<16xf32>
        %get3A_589 = arith.constant 2 : i32
        %get3A_590 = arith.index_cast %get3A_589 : i32 to index
        %get3A_591 = arith.index_cast %add3A_326 : i32 to index
        %get3A_592 = arith.constant 272 : index
        %get3A_593 = tpu.vector_load %arg5[%get3A_590, %get3A_591, %get3A_592] {strides = array<i32>} : memref<4x16x512xf32, #tpu.memory_space<vmem>>, vector<1x1x16xf32>,
        %get3A_594 = vector.shape_cast %get3A_593 : vector<1x1x16xf32> to vector<16xf32>
        %sub3A_595 = arith.subf %get3A_594, %get3A_588 : vector<16xf32>
        %mul3A_596 = arith.mulf %sub3A_595, %sub3A_595 : vector<16xf32>
        %add3A_597 = arith.addf %add3A_582, %mul3A_596 : vector<16xf32>
        %get3A_598 = arith.constant 2 : i32
        %get3A_599 = arith.index_cast %get3A_598 : i32 to index
        %get3A_600 = arith.index_cast %add3A_326 : i32 to index
        %get3A_601 = arith.constant 288 : index
        %get3A_602 = tpu.vector_load %arg6[%get3A_599, %get3A_600, %get3A_601] {strides = array<i32>} : memref<4x16x512xf32, #tpu.memory_space<vmem>>, vector<1x1x16xf32>,
        %get3A_603 = vector.shape_cast %get3A_602 : vector<1x1x16xf32> to vector<16xf32>
        %get3A_604 = arith.constant 2 : i32
        %get3A_605 = arith.index_cast %get3A_604 : i32 to index
        %get3A_606 = arith.index_cast %add3A_326 : i32 to index
        %get3A_607 = arith.constant 288 : index
        %get3A_608 = tpu.vector_load %arg5[%get3A_605, %get3A_606, %get3A_607] {strides = array<i32>} : memref<4x16x512xf32, #tpu.memory_space<vmem>>, vector<1x1x16xf32>,
        %get3A_609 = vector.shape_cast %get3A_608 : vector<1x1x16xf32> to vector<16xf32>
        %sub3A_610 = arith.subf %get3A_609, %get3A_603 : vector<16xf32>
        %mul3A_611 = arith.mulf %sub3A_610, %sub3A_610 : vector<16xf32>
        %add3A_612 = arith.addf %add3A_597, %mul3A_611 : vector<16xf32>
        %get3A_613 = arith.constant 2 : i32
        %get3A_614 = arith.index_cast %get3A_613 : i32 to index
        %get3A_615 = arith.index_cast %add3A_326 : i32 to index
        %get3A_616 = arith.constant 304 : index
        %get3A_617 = tpu.vector_load %arg6[%get3A_614, %get3A_615, %get3A_616] {strides = array<i32>} : memref<4x16x512xf32, #tpu.memory_space<vmem>>, vector<1x1x16xf32>,
        %get3A_618 = vector.shape_cast %get3A_617 : vector<1x1x16xf32> to vector<16xf32>
        %get3A_619 = arith.constant 2 : i32
        %get3A_620 = arith.index_cast %get3A_619 : i32 to index
        %get3A_621 = arith.index_cast %add3A_326 : i32 to index
        %get3A_622 = arith.constant 304 : index
        %get3A_623 = tpu.vector_load %arg5[%get3A_620, %get3A_621, %get3A_622] {strides = array<i32>} : memref<4x16x512xf32, #tpu.memory_space<vmem>>, vector<1x1x16xf32>,
        %get3A_624 = vector.shape_cast %get3A_623 : vector<1x1x16xf32> to vector<16xf32>
        %sub3A_625 = arith.subf %get3A_624, %get3A_618 : vector<16xf32>
        %mul3A_626 = arith.mulf %sub3A_625, %sub3A_625 : vector<16xf32>
        %add3A_627 = arith.addf %add3A_612, %mul3A_626 : vector<16xf32>
        %get3A_628 = arith.constant 2 : i32
        %get3A_629 = arith.index_cast %get3A_628 : i32 to index
        %get3A_630 = arith.index_cast %add3A_326 : i32 to index
        %get3A_631 = arith.constant 320 : index
        %get3A_632 = tpu.vector_load %arg6[%get3A_629, %get3A_630, %get3A_631] {strides = array<i32>} : memref<4x16x512xf32, #tpu.memory_space<vmem>>, vector<1x1x16xf32>,
        %get3A_633 = vector.shape_cast %get3A_632 : vector<1x1x16xf32> to vector<16xf32>
        %get3A_634 = arith.constant 2 : i32
        %get3A_635 = arith.index_cast %get3A_634 : i32 to index
        %get3A_636 = arith.index_cast %add3A_326 : i32 to index
        %get3A_637 = arith.constant 320 : index
        %get3A_638 = tpu.vector_load %arg5[%get3A_635, %get3A_636, %get3A_637] {strides = array<i32>} : memref<4x16x512xf32, #tpu.memory_space<vmem>>, vector<1x1x16xf32>,
        %get3A_639 = vector.shape_cast %get3A_638 : vector<1x1x16xf32> to vector<16xf32>
        %sub3A_640 = arith.subf %get3A_639, %get3A_633 : vector<16xf32>
        %mul3A_641 = arith.mulf %sub3A_640, %sub3A_640 : vector<16xf32>
        %add3A_642 = arith.addf %add3A_627, %mul3A_641 : vector<16xf32>
        %get3A_643 = arith.constant 2 : i32
        %get3A_644 = arith.index_cast %get3A_643 : i32 to index
        %get3A_645 = arith.index_cast %add3A_326 : i32 to index
        %get3A_646 = arith.constant 336 : index
        %get3A_647 = tpu.vector_load %arg6[%get3A_644, %get3A_645, %get3A_646] {strides = array<i32>} : memref<4x16x512xf32, #tpu.memory_space<vmem>>, vector<1x1x16xf32>,
        %get3A_648 = vector.shape_cast %get3A_647 : vector<1x1x16xf32> to vector<16xf32>
        %get3A_649 = arith.constant 2 : i32
        %get3A_650 = arith.index_cast %get3A_649 : i32 to index
        %get3A_651 = arith.index_cast %add3A_326 : i32 to index
        %get3A_652 = arith.constant 336 : index
        %get3A_653 = tpu.vector_load %arg5[%get3A_650, %get3A_651, %get3A_652] {strides = array<i32>} : memref<4x16x512xf32, #tpu.memory_space<vmem>>, vector<1x1x16xf32>,
        %get3A_654 = vector.shape_cast %get3A_653 : vector<1x1x16xf32> to vector<16xf32>
        %sub3A_655 = arith.subf %get3A_654, %get3A_648 : vector<16xf32>
        %mul3A_656 = arith.mulf %sub3A_655, %sub3A_655 : vector<16xf32>
        %add3A_657 = arith.addf %add3A_642, %mul3A_656 : vector<16xf32>
        %get3A_658 = arith.constant 2 : i32
        %get3A_659 = arith.index_cast %get3A_658 : i32 to index
        %get3A_660 = arith.index_cast %add3A_326 : i32 to index
        %get3A_661 = arith.constant 352 : index
        %get3A_662 = tpu.vector_load %arg6[%get3A_659, %get3A_660, %get3A_661] {strides = array<i32>} : memref<4x16x512xf32, #tpu.memory_space<vmem>>, vector<1x1x16xf32>,
        %get3A_663 = vector.shape_cast %get3A_662 : vector<1x1x16xf32> to vector<16xf32>
        %get3A_664 = arith.constant 2 : i32
        %get3A_665 = arith.index_cast %get3A_664 : i32 to index
        %get3A_666 = arith.index_cast %add3A_326 : i32 to index
        %get3A_667 = arith.constant 352 : index
        %get3A_668 = tpu.vector_load %arg5[%get3A_665, %get3A_666, %get3A_667] {strides = array<i32>} : memref<4x16x512xf32, #tpu.memory_space<vmem>>, vector<1x1x16xf32>,
        %get3A_669 = vector.shape_cast %get3A_668 : vector<1x1x16xf32> to vector<16xf32>
        %sub3A_670 = arith.subf %get3A_669, %get3A_663 : vector<16xf32>
        %mul3A_671 = arith.mulf %sub3A_670, %sub3A_670 : vector<16xf32>
        %add3A_672 = arith.addf %add3A_657, %mul3A_671 : vector<16xf32>
        %get3A_673 = arith.constant 2 : i32
        %get3A_674 = arith.index_cast %get3A_673 : i32 to index
        %get3A_675 = arith.index_cast %add3A_326 : i32 to index
        %get3A_676 = arith.constant 368 : index
        %get3A_677 = tpu.vector_load %arg6[%get3A_674, %get3A_675, %get3A_676] {strides = array<i32>} : memref<4x16x512xf32, #tpu.memory_space<vmem>>, vector<1x1x16xf32>,
        %get3A_678 = vector.shape_cast %get3A_677 : vector<1x1x16xf32> to vector<16xf32>
        %get3A_679 = arith.constant 2 : i32
        %get3A_680 = arith.index_cast %get3A_679 : i32 to index
        %get3A_681 = arith.index_cast %add3A_326 : i32 to index
        %get3A_682 = arith.constant 368 : index
        %get3A_683 = tpu.vector_load %arg5[%get3A_680, %get3A_681, %get3A_682] {strides = array<i32>} : memref<4x16x512xf32, #tpu.memory_space<vmem>>, vector<1x1x16xf32>,
        %get3A_684 = vector.shape_cast %get3A_683 : vector<1x1x16xf32> to vector<16xf32>
        %sub3A_685 = arith.subf %get3A_684, %get3A_678 : vector<16xf32>
        %mul3A_686 = arith.mulf %sub3A_685, %sub3A_685 : vector<16xf32>
        %add3A_687 = arith.addf %add3A_672, %mul3A_686 : vector<16xf32>
        %get3A_688 = arith.constant 2 : i32
        %get3A_689 = arith.index_cast %get3A_688 : i32 to index
        %get3A_690 = arith.index_cast %add3A_326 : i32 to index
        %get3A_691 = arith.constant 384 : index
        %get3A_692 = tpu.vector_load %arg6[%get3A_689, %get3A_690, %get3A_691] {strides = array<i32>} : memref<4x16x512xf32, #tpu.memory_space<vmem>>, vector<1x1x16xf32>,
        %get3A_693 = vector.shape_cast %get3A_692 : vector<1x1x16xf32> to vector<16xf32>
        %get3A_694 = arith.constant 2 : i32
        %get3A_695 = arith.index_cast %get3A_694 : i32 to index
        %get3A_696 = arith.index_cast %add3A_326 : i32 to index
        %get3A_697 = arith.constant 384 : index
        %get3A_698 = tpu.vector_load %arg5[%get3A_695, %get3A_696, %get3A_697] {strides = array<i32>} : memref<4x16x512xf32, #tpu.memory_space<vmem>>, vector<1x1x16xf32>,
        %get3A_699 = vector.shape_cast %get3A_698 : vector<1x1x16xf32> to vector<16xf32>
        %sub3A_700 = arith.subf %get3A_699, %get3A_693 : vector<16xf32>
        %mul3A_701 = arith.mulf %sub3A_700, %sub3A_700 : vector<16xf32>
        %add3A_702 = arith.addf %add3A_687, %mul3A_701 : vector<16xf32>
        %get3A_703 = arith.constant 2 : i32
        %get3A_704 = arith.index_cast %get3A_703 : i32 to index
        %get3A_705 = arith.index_cast %add3A_326 : i32 to index
        %get3A_706 = arith.constant 400 : index
        %get3A_707 = tpu.vector_load %arg6[%get3A_704, %get3A_705, %get3A_706] {strides = array<i32>} : memref<4x16x512xf32, #tpu.memory_space<vmem>>, vector<1x1x16xf32>,
        %get3A_708 = vector.shape_cast %get3A_707 : vector<1x1x16xf32> to vector<16xf32>
        %get3A_709 = arith.constant 2 : i32
        %get3A_710 = arith.index_cast %get3A_709 : i32 to index
        %get3A_711 = arith.index_cast %add3A_326 : i32 to index
        %get3A_712 = arith.constant 400 : index
        %get3A_713 = tpu.vector_load %arg5[%get3A_710, %get3A_711, %get3A_712] {strides = array<i32>} : memref<4x16x512xf32, #tpu.memory_space<vmem>>, vector<1x1x16xf32>,
        %get3A_714 = vector.shape_cast %get3A_713 : vector<1x1x16xf32> to vector<16xf32>
        %sub3A_715 = arith.subf %get3A_714, %get3A_708 : vector<16xf32>
        %mul3A_716 = arith.mulf %sub3A_715, %sub3A_715 : vector<16xf32>
        %add3A_717 = arith.addf %add3A_702, %mul3A_716 : vector<16xf32>
        %get3A_718 = arith.constant 2 : i32
        %get3A_719 = arith.index_cast %get3A_718 : i32 to index
        %get3A_720 = arith.index_cast %add3A_326 : i32 to index
        %get3A_721 = arith.constant 416 : index
        %get3A_722 = tpu.vector_load %arg6[%get3A_719, %get3A_720, %get3A_721] {strides = array<i32>} : memref<4x16x512xf32, #tpu.memory_space<vmem>>, vector<1x1x16xf32>,
        %get3A_723 = vector.shape_cast %get3A_722 : vector<1x1x16xf32> to vector<16xf32>
        %get3A_724 = arith.constant 2 : i32
        %get3A_725 = arith.index_cast %get3A_724 : i32 to index
        %get3A_726 = arith.index_cast %add3A_326 : i32 to index
        %get3A_727 = arith.constant 416 : index
        %get3A_728 = tpu.vector_load %arg5[%get3A_725, %get3A_726, %get3A_727] {strides = array<i32>} : memref<4x16x512xf32, #tpu.memory_space<vmem>>, vector<1x1x16xf32>,
        %get3A_729 = vector.shape_cast %get3A_728 : vector<1x1x16xf32> to vector<16xf32>
        %sub3A_730 = arith.subf %get3A_729, %get3A_723 : vector<16xf32>
        %mul3A_731 = arith.mulf %sub3A_730, %sub3A_730 : vector<16xf32>
        %add3A_732 = arith.addf %add3A_717, %mul3A_731 : vector<16xf32>
        %get3A_733 = arith.constant 2 : i32
        %get3A_734 = arith.index_cast %get3A_733 : i32 to index
        %get3A_735 = arith.index_cast %add3A_326 : i32 to index
        %get3A_736 = arith.constant 432 : index
        %get3A_737 = tpu.vector_load %arg6[%get3A_734, %get3A_735, %get3A_736] {strides = array<i32>} : memref<4x16x512xf32, #tpu.memory_space<vmem>>, vector<1x1x16xf32>,
        %get3A_738 = vector.shape_cast %get3A_737 : vector<1x1x16xf32> to vector<16xf32>
        %get3A_739 = arith.constant 2 : i32
        %get3A_740 = arith.index_cast %get3A_739 : i32 to index
        %get3A_741 = arith.index_cast %add3A_326 : i32 to index
        %get3A_742 = arith.constant 432 : index
        %get3A_743 = tpu.vector_load %arg5[%get3A_740, %get3A_741, %get3A_742] {strides = array<i32>} : memref<4x16x512xf32, #tpu.memory_space<vmem>>, vector<1x1x16xf32>,
        %get3A_744 = vector.shape_cast %get3A_743 : vector<1x1x16xf32> to vector<16xf32>
        %sub3A_745 = arith.subf %get3A_744, %get3A_738 : vector<16xf32>
        %mul3A_746 = arith.mulf %sub3A_745, %sub3A_745 : vector<16xf32>
        %add3A_747 = arith.addf %add3A_732, %mul3A_746 : vector<16xf32>
        %get3A_748 = arith.constant 2 : i32
        %get3A_749 = arith.index_cast %get3A_748 : i32 to index
        %get3A_750 = arith.index_cast %add3A_326 : i32 to index
        %get3A_751 = arith.constant 448 : index
        %get3A_752 = tpu.vector_load %arg6[%get3A_749, %get3A_750, %get3A_751] {strides = array<i32>} : memref<4x16x512xf32, #tpu.memory_space<vmem>>, vector<1x1x16xf32>,
        %get3A_753 = vector.shape_cast %get3A_752 : vector<1x1x16xf32> to vector<16xf32>
        %get3A_754 = arith.constant 2 : i32
        %get3A_755 = arith.index_cast %get3A_754 : i32 to index
        %get3A_756 = arith.index_cast %add3A_326 : i32 to index
        %get3A_757 = arith.constant 448 : index
        %get3A_758 = tpu.vector_load %arg5[%get3A_755, %get3A_756, %get3A_757] {strides = array<i32>} : memref<4x16x512xf32, #tpu.memory_space<vmem>>, vector<1x1x16xf32>,
        %get3A_759 = vector.shape_cast %get3A_758 : vector<1x1x16xf32> to vector<16xf32>
        %sub3A_760 = arith.subf %get3A_759, %get3A_753 : vector<16xf32>
        %mul3A_761 = arith.mulf %sub3A_760, %sub3A_760 : vector<16xf32>
        %add3A_762 = arith.addf %add3A_747, %mul3A_761 : vector<16xf32>
        %get3A_763 = arith.constant 2 : i32
        %get3A_764 = arith.index_cast %get3A_763 : i32 to index
        %get3A_765 = arith.index_cast %add3A_326 : i32 to index
        %get3A_766 = arith.constant 464 : index
        %get3A_767 = tpu.vector_load %arg6[%get3A_764, %get3A_765, %get3A_766] {strides = array<i32>} : memref<4x16x512xf32, #tpu.memory_space<vmem>>, vector<1x1x16xf32>,
        %get3A_768 = vector.shape_cast %get3A_767 : vector<1x1x16xf32> to vector<16xf32>
        %get3A_769 = arith.constant 2 : i32
        %get3A_770 = arith.index_cast %get3A_769 : i32 to index
        %get3A_771 = arith.index_cast %add3A_326 : i32 to index
        %get3A_772 = arith.constant 464 : index
        %get3A_773 = tpu.vector_load %arg5[%get3A_770, %get3A_771, %get3A_772] {strides = array<i32>} : memref<4x16x512xf32, #tpu.memory_space<vmem>>, vector<1x1x16xf32>,
        %get3A_774 = vector.shape_cast %get3A_773 : vector<1x1x16xf32> to vector<16xf32>
        %sub3A_775 = arith.subf %get3A_774, %get3A_768 : vector<16xf32>
        %mul3A_776 = arith.mulf %sub3A_775, %sub3A_775 : vector<16xf32>
        %add3A_777 = arith.addf %add3A_762, %mul3A_776 : vector<16xf32>
        %get3A_778 = arith.constant 2 : i32
        %get3A_779 = arith.index_cast %get3A_778 : i32 to index
        %get3A_780 = arith.index_cast %add3A_326 : i32 to index
        %get3A_781 = arith.constant 480 : index
        %get3A_782 = tpu.vector_load %arg6[%get3A_779, %get3A_780, %get3A_781] {strides = array<i32>} : memref<4x16x512xf32, #tpu.memory_space<vmem>>, vector<1x1x16xf32>,
        %get3A_783 = vector.shape_cast %get3A_782 : vector<1x1x16xf32> to vector<16xf32>
        %get3A_784 = arith.constant 2 : i32
        %get3A_785 = arith.index_cast %get3A_784 : i32 to index
        %get3A_786 = arith.index_cast %add3A_326 : i32 to index
        %get3A_787 = arith.constant 480 : index
        %get3A_788 = tpu.vector_load %arg5[%get3A_785, %get3A_786, %get3A_787] {strides = array<i32>} : memref<4x16x512xf32, #tpu.memory_space<vmem>>, vector<1x1x16xf32>,
        %get3A_789 = vector.shape_cast %get3A_788 : vector<1x1x16xf32> to vector<16xf32>
        %sub3A_790 = arith.subf %get3A_789, %get3A_783 : vector<16xf32>
        %mul3A_791 = arith.mulf %sub3A_790, %sub3A_790 : vector<16xf32>
        %add3A_792 = arith.addf %add3A_777, %mul3A_791 : vector<16xf32>
        %get3A_793 = arith.constant 2 : i32
        %get3A_794 = arith.index_cast %get3A_793 : i32 to index
        %get3A_795 = arith.index_cast %add3A_326 : i32 to index
        %get3A_796 = arith.constant 496 : index
        %get3A_797 = tpu.vector_load %arg6[%get3A_794, %get3A_795, %get3A_796] {strides = array<i32>} : memref<4x16x512xf32, #tpu.memory_space<vmem>>, vector<1x1x16xf32>,
        %get3A_798 = vector.shape_cast %get3A_797 : vector<1x1x16xf32> to vector<16xf32>
        %get3A_799 = arith.constant 2 : i32
        %get3A_800 = arith.index_cast %get3A_799 : i32 to index
        %get3A_801 = arith.index_cast %add3A_326 : i32 to index
        %get3A_802 = arith.constant 496 : index
        %get3A_803 = tpu.vector_load %arg5[%get3A_800, %get3A_801, %get3A_802] {strides = array<i32>} : memref<4x16x512xf32, #tpu.memory_space<vmem>>, vector<1x1x16xf32>,
        %get3A_804 = vector.shape_cast %get3A_803 : vector<1x1x16xf32> to vector<16xf32>
        %sub3A_805 = arith.subf %get3A_804, %get3A_798 : vector<16xf32>
        %mul3A_806 = arith.mulf %sub3A_805, %sub3A_805 : vector<16xf32>
        %add3A_807 = arith.addf %add3A_792, %mul3A_806 : vector<16xf32>
        %ne3A = arith.constant -1.000000e+00 : f32
        %ne3A_808 = arith.cmpf one, %squeeze3A, %ne3A : f32
        %jit3A = arith.constant 1.000000e+00 : f32
        %jit3A_809 = arith.constant 0.000000e+00 : f32
        %select_n3A = arith.select %ne3A_808, %jit3A, %jit3A_809 : f32
        %get3A_810 = arith.constant 0 : index
        %get3A_811 = tpu.vector_load %arg7[%get3A_810] {strides = array<i32>} : memref<16xf32, #tpu.memory_space<vmem>>, vector<16xf32>,
        %get3A_812 = vector.shape_cast %get3A_811 : vector<16xf32> to vector<16xf32>
        %mul3A_813 = vector.broadcast %select_n3A : f32 to vector<16xf32>
        %mul3A_814 = arith.mulf %add3A_807, %mul3A_813 : vector<16xf32>
        %add3A_815 = arith.addf %get3A_812, %mul3A_814 : vector<16xf32>
        %swap3A_816 = arith.constant 0 : index
        %swap3A_817 = tpu.vector_load %arg7[%swap3A_816] {strides = array<i32>} : memref<16xf32, #tpu.memory_space<vmem>>, vector<16xf32>,
        %swap3A_818 = vector.shape_cast %swap3A_817 : vector<16xf32> to vector<16xf32>
        %swap3A_819 = vector.shape_cast %add3A_815 : vector<16xf32> to vector<16xf32>
        tpu.vector_store %arg7[%swap3A_816], %swap3A_819 {strides = array<i32>} : memref<16xf32, #tpu.memory_space<vmem>>, vector<16xf32>,
      }
      %scan3A_269 = arith.constant 16 : i32
      %add3A_270 = arith.constant 3 : i32
      %add3A_271 = arith.addi %add3A_118, %add3A_270 : i32
      %dma_wait3A_272 = arith.constant 3 : i32
      %dma_wait3A_273 = arith.constant 3 : i32
      %dma_wait3A_274 = arith.constant 0 : i32
      %dma_wait3A_275 = arith.constant 0 : i32
      %dma_wait3A_276 = tpu.memref_slice %arg5[%dma_wait3A_272, %dma_wait3A_274, %dma_wait3A_275] : memref<4x16x512xf32, #tpu.memory_space<vmem>> -> memref<1x16x512xf32, #tpu.memory_space<vmem>>
      %dma_wait3A_277 = tpu.memref_squeeze %dma_wait3A_276 : memref<1x16x512xf32, #tpu.memory_space<vmem>> -> memref<16x512xf32, #tpu.memory_space<vmem>>
      %dma_wait3A_278 = arith.constant 0 : i32
      %dma_wait3A_279 = arith.constant 0 : i32
      %dma_wait3A_280 = tpu.memref_slice %arg2[%dma_wait3A_278, %dma_wait3A_279] : memref<32768x512xf32, #tpu.memory_space<hbm>> -> memref<16x512xf32, #tpu.memory_space<hbm>>
      %dma_wait3A_281 = tpu.memref_slice %arg8[%dma_wait3A_273] : memref<4x!tpu.dma_semaphore, #tpu.memory_space<semaphore_mem>> -> memref<1x!tpu.dma_semaphore, #tpu.memory_space<semaphore_mem>>
      %dma_wait3A_282 = tpu.memref_squeeze %dma_wait3A_281 : memref<1x!tpu.dma_semaphore, #tpu.memory_space<semaphore_mem>> -> memref<!tpu.dma_semaphore, #tpu.memory_space<semaphore_mem>>
      %dma_wait3A_283 = arith.constant 0 : i32
      %dma_wait3A_284 = arith.constant 0 : i32
      %dma_wait3A_285 = tpu.memref_slice %arg5[%dma_wait3A_272, %dma_wait3A_283, %dma_wait3A_284] : memref<4x16x512xf32, #tpu.memory_space<vmem>> -> memref<1x16x512xf32, #tpu.memory_space<vmem>>
      %dma_wait3A_286 = tpu.memref_squeeze %dma_wait3A_285 : memref<1x16x512xf32, #tpu.memory_space<vmem>> -> memref<16x512xf32, #tpu.memory_space<vmem>>
      %dma_wait3A_287 = arith.constant 0 : i32
      %dma_wait3A_288 = arith.constant 0 : i32
      %dma_wait3A_289 = tpu.memref_slice %arg2[%dma_wait3A_287, %dma_wait3A_288] : memref<32768x512xf32, #tpu.memory_space<hbm>> -> memref<16x512xf32, #tpu.memory_space<hbm>>
      tpu.wait_dma2 semaphore(%dma_wait3A_282 : memref<!tpu.dma_semaphore, #tpu.memory_space<semaphore_mem>>) src(%dma_wait3A_289 : memref<16x512xf32, #tpu.memory_space<hbm>>) dst(%dma_wait3A_286 : memref<16x512xf32, #tpu.memory_space<vmem>>)
      %dma_wait3A_290 = arith.constant 3 : i32
      %dma_wait3A_291 = arith.constant 3 : i32
      %dma_wait3A_292 = arith.constant 0 : i32
      %dma_wait3A_293 = arith.constant 0 : i32
      %dma_wait3A_294 = tpu.memref_slice %arg6[%dma_wait3A_290, %dma_wait3A_292, %dma_wait3A_293] : memref<4x16x512xf32, #tpu.memory_space<vmem>> -> memref<1x16x512xf32, #tpu.memory_space<vmem>>
      %dma_wait3A_295 = tpu.memref_squeeze %dma_wait3A_294 : memref<1x16x512xf32, #tpu.memory_space<vmem>> -> memref<16x512xf32, #tpu.memory_space<vmem>>
      %dma_wait3A_296 = arith.constant 0 : i32
      %dma_wait3A_297 = arith.constant 0 : i32
      %dma_wait3A_298 = tpu.memref_slice %arg3[%dma_wait3A_296, %dma_wait3A_297] : memref<32768x512xf32, #tpu.memory_space<hbm>> -> memref<16x512xf32, #tpu.memory_space<hbm>>
      %dma_wait3A_299 = tpu.memref_slice %arg8[%dma_wait3A_291] : memref<4x!tpu.dma_semaphore, #tpu.memory_space<semaphore_mem>> -> memref<1x!tpu.dma_semaphore, #tpu.memory_space<semaphore_mem>>
      %dma_wait3A_300 = tpu.memref_squeeze %dma_wait3A_299 : memref<1x!tpu.dma_semaphore, #tpu.memory_space<semaphore_mem>> -> memref<!tpu.dma_semaphore, #tpu.memory_space<semaphore_mem>>
      %dma_wait3A_301 = arith.constant 0 : i32
      %dma_wait3A_302 = arith.constant 0 : i32
      %dma_wait3A_303 = tpu.memref_slice %arg6[%dma_wait3A_290, %dma_wait3A_301, %dma_wait3A_302] : memref<4x16x512xf32, #tpu.memory_space<vmem>> -> memref<1x16x512xf32, #tpu.memory_space<vmem>>
      %dma_wait3A_304 = tpu.memref_squeeze %dma_wait3A_303 : memref<1x16x512xf32, #tpu.memory_space<vmem>> -> memref<16x512xf32, #tpu.memory_space<vmem>>
      %dma_wait3A_305 = arith.constant 0 : i32
      %dma_wait3A_306 = arith.constant 0 : i32
      %dma_wait3A_307 = tpu.memref_slice %arg3[%dma_wait3A_305, %dma_wait3A_306] : memref<32768x512xf32, #tpu.memory_space<hbm>> -> memref<16x512xf32, #tpu.memory_space<hbm>>
      tpu.wait_dma2 semaphore(%dma_wait3A_300 : memref<!tpu.dma_semaphore, #tpu.memory_space<semaphore_mem>>) src(%dma_wait3A_307 : memref<16x512xf32, #tpu.memory_space<hbm>>) dst(%dma_wait3A_304 : memref<16x512xf32, #tpu.memory_space<vmem>>)
      %add3A_308 = arith.constant 4 : i32
      %add3A_309 = arith.addi %add3A_271, %add3A_308 : i32
      %sub3A_310 = arith.constant 1 : i32
      %sub3A_311 = arith.subi %add3A_309, %sub3A_310 : i32
      %lt3A_312 = arith.constant 64 : i32
      %lt3A_313 = arith.cmpi slt, %sub3A_311, %lt3A_312 : i32
      %convert_element_type3A_314 = arith.extui %lt3A_313 : i1 to i32
      %cond3A_315 = arith.constant 0 : i32
      %cond3A_316 = arith.cmpi ne, %convert_element_type3A_314, %cond3A_315 : i32
      scf.if %cond3A_316 {
        %mul3A_322 = arith.constant 16 : i32
        %mul3A_323 = arith.muli %sub3A_311, %mul3A_322 : i32
        %add3A_324 = arith.addi %add3A_4, %mul3A_323 : i32
        %dma_start3A_325 = arith.constant 2 : i32
        %dma_start3A_326 = arith.constant 2 : i32
        %dma_start3A_327 = arith.constant 0 : i32
        %dma_start3A_328 = arith.constant 0 : i32
        %dma_start3A_329 = tpu.memref_slice %arg5[%dma_start3A_325, %dma_start3A_327, %dma_start3A_328] : memref<4x16x512xf32, #tpu.memory_space<vmem>> -> memref<1x16x512xf32, #tpu.memory_space<vmem>>
        %dma_start3A_330 = tpu.memref_squeeze %dma_start3A_329 : memref<1x16x512xf32, #tpu.memory_space<vmem>> -> memref<16x512xf32, #tpu.memory_space<vmem>>
        %dma_start3A_331 = arith.constant 0 : i32
        %dma_start3A_332 = tpu.memref_slice %arg2[%add3A_324, %dma_start3A_331] : memref<32768x512xf32, #tpu.memory_space<hbm>> -> memref<16x512xf32, #tpu.memory_space<hbm>>
        %dma_start3A_333 = tpu.memref_slice %arg8[%dma_start3A_326] : memref<4x!tpu.dma_semaphore, #tpu.memory_space<semaphore_mem>> -> memref<1x!tpu.dma_semaphore, #tpu.memory_space<semaphore_mem>>
        %dma_start3A_334 = tpu.memref_squeeze %dma_start3A_333 : memref<1x!tpu.dma_semaphore, #tpu.memory_space<semaphore_mem>> -> memref<!tpu.dma_semaphore, #tpu.memory_space<semaphore_mem>>
        %dma_start3A_335 = arith.constant 0 : i32
        %dma_start3A_336 = arith.constant 0 : i32
        %dma_start3A_337 = tpu.memref_slice %arg5[%dma_start3A_325, %dma_start3A_335, %dma_start3A_336] : memref<4x16x512xf32, #tpu.memory_space<vmem>> -> memref<1x16x512xf32, #tpu.memory_space<vmem>>
        %dma_start3A_338 = tpu.memref_squeeze %dma_start3A_337 : memref<1x16x512xf32, #tpu.memory_space<vmem>> -> memref<16x512xf32, #tpu.memory_space<vmem>>
        %dma_start3A_339 = arith.constant 0 : i32
        %dma_start3A_340 = tpu.memref_slice %arg2[%add3A_324, %dma_start3A_339] : memref<32768x512xf32, #tpu.memory_space<hbm>> -> memref<16x512xf32, #tpu.memory_space<hbm>>
        tpu.enqueue_dma source(%dma_start3A_340 : memref<16x512xf32, #tpu.memory_space<hbm>>) target(%dma_start3A_338 : memref<16x512xf32, #tpu.memory_space<vmem>>) target_semaphore(%dma_start3A_334 : memref<!tpu.dma_semaphore, #tpu.memory_space<semaphore_mem>>)
        %dma_start3A_341 = arith.constant 2 : i32
        %dma_start3A_342 = arith.constant 2 : i32
        %dma_start3A_343 = arith.constant 0 : i32
        %dma_start3A_344 = arith.constant 0 : i32
        %dma_start3A_345 = tpu.memref_slice %arg6[%dma_start3A_341, %dma_start3A_343, %dma_start3A_344] : memref<4x16x512xf32, #tpu.memory_space<vmem>> -> memref<1x16x512xf32, #tpu.memory_space<vmem>>
        %dma_start3A_346 = tpu.memref_squeeze %dma_start3A_345 : memref<1x16x512xf32, #tpu.memory_space<vmem>> -> memref<16x512xf32, #tpu.memory_space<vmem>>
        %dma_start3A_347 = arith.constant 0 : i32
        %dma_start3A_348 = tpu.memref_slice %arg3[%add3A_324, %dma_start3A_347] : memref<32768x512xf32, #tpu.memory_space<hbm>> -> memref<16x512xf32, #tpu.memory_space<hbm>>
        %dma_start3A_349 = tpu.memref_slice %arg8[%dma_start3A_342] : memref<4x!tpu.dma_semaphore, #tpu.memory_space<semaphore_mem>> -> memref<1x!tpu.dma_semaphore, #tpu.memory_space<semaphore_mem>>
        %dma_start3A_350 = tpu.memref_squeeze %dma_start3A_349 : memref<1x!tpu.dma_semaphore, #tpu.memory_space<semaphore_mem>> -> memref<!tpu.dma_semaphore, #tpu.memory_space<semaphore_mem>>
        %dma_start3A_351 = arith.constant 0 : i32
        %dma_start3A_352 = arith.constant 0 : i32
        %dma_start3A_353 = tpu.memref_slice %arg6[%dma_start3A_341, %dma_start3A_351, %dma_start3A_352] : memref<4x16x512xf32, #tpu.memory_space<vmem>> -> memref<1x16x512xf32, #tpu.memory_space<vmem>>
        %dma_start3A_354 = tpu.memref_squeeze %dma_start3A_353 : memref<1x16x512xf32, #tpu.memory_space<vmem>> -> memref<16x512xf32, #tpu.memory_space<vmem>>
        %dma_start3A_355 = arith.constant 0 : i32
        %dma_start3A_356 = tpu.memref_slice %arg3[%add3A_324, %dma_start3A_355] : memref<32768x512xf32, #tpu.memory_space<hbm>> -> memref<16x512xf32, #tpu.memory_space<hbm>>
        tpu.enqueue_dma source(%dma_start3A_356 : memref<16x512xf32, #tpu.memory_space<hbm>>) target(%dma_start3A_354 : memref<16x512xf32, #tpu.memory_space<vmem>>) target_semaphore(%dma_start3A_350 : memref<!tpu.dma_semaphore, #tpu.memory_space<semaphore_mem>>)
      } else {
      }
      %scan3A_317 = arith.constant 0 : i32
      %scan3A_318 = arith.constant 16 : i32
      %scan3A_319 = arith.addi %scan3A_317, %scan3A_318 : i32
      %scan3A_320 = arith.constant 1 : i32
      scf.for %scan3A_322 = %scan3A_317 to %scan3A_319 step %scan3A_320  : i32 {
        %mul3A_323 = arith.constant 1 : i32
        %mul3A_324 = arith.muli %scan3A_322, %mul3A_323 : i32
        %add3A_325 = arith.constant 0 : i32
        %add3A_326 = arith.addi %add3A_325, %mul3A_324 : i32
        %broadcast_in_dim3A_327 = arith.constant 0.000000e+00 : f32
        %broadcast_in_dim3A_328 = vector.broadcast %broadcast_in_dim3A_327 : f32 to vector<16xf32>
        %get3A = arith.constant 3 : i32
        %get3A_329 = arith.index_cast %get3A : i32 to index
        %get3A_330 = arith.index_cast %add3A_326 : i32 to index
        %get3A_331 = arith.constant 0 : index
        %get3A_332 = tpu.vector_load %arg6[%get3A_329, %get3A_330, %get3A_331] {strides = array<i32>} : memref<4x16x512xf32, #tpu.memory_space<vmem>>, vector<1x1x16xf32>,
        %get3A_333 = vector.shape_cast %get3A_332 : vector<1x1x16xf32> to vector<16xf32>
        %slice3A = vector.extract_strided_slice %get3A_333 {offsets = [0], sizes = [1], strides = [1]} : vector<16xf32> to vector<1xf32>
        %squeeze3A = vector.extract %slice3A[0] : f32 from vector<1xf32>
        %get3A_334 = arith.constant 3 : i32
        %get3A_335 = arith.index_cast %get3A_334 : i32 to index
        %get3A_336 = arith.index_cast %add3A_326 : i32 to index
        %get3A_337 = arith.constant 0 : index
        %get3A_338 = tpu.vector_load %arg5[%get3A_335, %get3A_336, %get3A_337] {strides = array<i32>} : memref<4x16x512xf32, #tpu.memory_space<vmem>>, vector<1x1x16xf32>,
        %get3A_339 = vector.shape_cast %get3A_338 : vector<1x1x16xf32> to vector<16xf32>
        %sub3A_340 = arith.subf %get3A_339, %get3A_333 : vector<16xf32>
        %mul3A_341 = arith.mulf %sub3A_340, %sub3A_340 : vector<16xf32>
        %add3A_342 = arith.addf %broadcast_in_dim3A_328, %mul3A_341 : vector<16xf32>
        %get3A_343 = arith.constant 3 : i32
        %get3A_344 = arith.index_cast %get3A_343 : i32 to index
        %get3A_345 = arith.index_cast %add3A_326 : i32 to index
        %get3A_346 = arith.constant 16 : index
        %get3A_347 = tpu.vector_load %arg6[%get3A_344, %get3A_345, %get3A_346] {strides = array<i32>} : memref<4x16x512xf32, #tpu.memory_space<vmem>>, vector<1x1x16xf32>,
        %get3A_348 = vector.shape_cast %get3A_347 : vector<1x1x16xf32> to vector<16xf32>
        %get3A_349 = arith.constant 3 : i32
        %get3A_350 = arith.index_cast %get3A_349 : i32 to index
        %get3A_351 = arith.index_cast %add3A_326 : i32 to index
        %get3A_352 = arith.constant 16 : index
        %get3A_353 = tpu.vector_load %arg5[%get3A_350, %get3A_351, %get3A_352] {strides = array<i32>} : memref<4x16x512xf32, #tpu.memory_space<vmem>>, vector<1x1x16xf32>,
        %get3A_354 = vector.shape_cast %get3A_353 : vector<1x1x16xf32> to vector<16xf32>
        %sub3A_355 = arith.subf %get3A_354, %get3A_348 : vector<16xf32>
        %mul3A_356 = arith.mulf %sub3A_355, %sub3A_355 : vector<16xf32>
        %add3A_357 = arith.addf %add3A_342, %mul3A_356 : vector<16xf32>
        %get3A_358 = arith.constant 3 : i32
        %get3A_359 = arith.index_cast %get3A_358 : i32 to index
        %get3A_360 = arith.index_cast %add3A_326 : i32 to index
        %get3A_361 = arith.constant 32 : index
        %get3A_362 = tpu.vector_load %arg6[%get3A_359, %get3A_360, %get3A_361] {strides = array<i32>} : memref<4x16x512xf32, #tpu.memory_space<vmem>>, vector<1x1x16xf32>,
        %get3A_363 = vector.shape_cast %get3A_362 : vector<1x1x16xf32> to vector<16xf32>
        %get3A_364 = arith.constant 3 : i32
        %get3A_365 = arith.index_cast %get3A_364 : i32 to index
        %get3A_366 = arith.index_cast %add3A_326 : i32 to index
        %get3A_367 = arith.constant 32 : index
        %get3A_368 = tpu.vector_load %arg5[%get3A_365, %get3A_366, %get3A_367] {strides = array<i32>} : memref<4x16x512xf32, #tpu.memory_space<vmem>>, vector<1x1x16xf32>,
        %get3A_369 = vector.shape_cast %get3A_368 : vector<1x1x16xf32> to vector<16xf32>
        %sub3A_370 = arith.subf %get3A_369, %get3A_363 : vector<16xf32>
        %mul3A_371 = arith.mulf %sub3A_370, %sub3A_370 : vector<16xf32>
        %add3A_372 = arith.addf %add3A_357, %mul3A_371 : vector<16xf32>
        %get3A_373 = arith.constant 3 : i32
        %get3A_374 = arith.index_cast %get3A_373 : i32 to index
        %get3A_375 = arith.index_cast %add3A_326 : i32 to index
        %get3A_376 = arith.constant 48 : index
        %get3A_377 = tpu.vector_load %arg6[%get3A_374, %get3A_375, %get3A_376] {strides = array<i32>} : memref<4x16x512xf32, #tpu.memory_space<vmem>>, vector<1x1x16xf32>,
        %get3A_378 = vector.shape_cast %get3A_377 : vector<1x1x16xf32> to vector<16xf32>
        %get3A_379 = arith.constant 3 : i32
        %get3A_380 = arith.index_cast %get3A_379 : i32 to index
        %get3A_381 = arith.index_cast %add3A_326 : i32 to index
        %get3A_382 = arith.constant 48 : index
        %get3A_383 = tpu.vector_load %arg5[%get3A_380, %get3A_381, %get3A_382] {strides = array<i32>} : memref<4x16x512xf32, #tpu.memory_space<vmem>>, vector<1x1x16xf32>,
        %get3A_384 = vector.shape_cast %get3A_383 : vector<1x1x16xf32> to vector<16xf32>
        %sub3A_385 = arith.subf %get3A_384, %get3A_378 : vector<16xf32>
        %mul3A_386 = arith.mulf %sub3A_385, %sub3A_385 : vector<16xf32>
        %add3A_387 = arith.addf %add3A_372, %mul3A_386 : vector<16xf32>
        %get3A_388 = arith.constant 3 : i32
        %get3A_389 = arith.index_cast %get3A_388 : i32 to index
        %get3A_390 = arith.index_cast %add3A_326 : i32 to index
        %get3A_391 = arith.constant 64 : index
        %get3A_392 = tpu.vector_load %arg6[%get3A_389, %get3A_390, %get3A_391] {strides = array<i32>} : memref<4x16x512xf32, #tpu.memory_space<vmem>>, vector<1x1x16xf32>,
        %get3A_393 = vector.shape_cast %get3A_392 : vector<1x1x16xf32> to vector<16xf32>
        %get3A_394 = arith.constant 3 : i32
        %get3A_395 = arith.index_cast %get3A_394 : i32 to index
        %get3A_396 = arith.index_cast %add3A_326 : i32 to index
        %get3A_397 = arith.constant 64 : index
        %get3A_398 = tpu.vector_load %arg5[%get3A_395, %get3A_396, %get3A_397] {strides = array<i32>} : memref<4x16x512xf32, #tpu.memory_space<vmem>>, vector<1x1x16xf32>,
        %get3A_399 = vector.shape_cast %get3A_398 : vector<1x1x16xf32> to vector<16xf32>
        %sub3A_400 = arith.subf %get3A_399, %get3A_393 : vector<16xf32>
        %mul3A_401 = arith.mulf %sub3A_400, %sub3A_400 : vector<16xf32>
        %add3A_402 = arith.addf %add3A_387, %mul3A_401 : vector<16xf32>
        %get3A_403 = arith.constant 3 : i32
        %get3A_404 = arith.index_cast %get3A_403 : i32 to index
        %get3A_405 = arith.index_cast %add3A_326 : i32 to index
        %get3A_406 = arith.constant 80 : index
        %get3A_407 = tpu.vector_load %arg6[%get3A_404, %get3A_405, %get3A_406] {strides = array<i32>} : memref<4x16x512xf32, #tpu.memory_space<vmem>>, vector<1x1x16xf32>,
        %get3A_408 = vector.shape_cast %get3A_407 : vector<1x1x16xf32> to vector<16xf32>
        %get3A_409 = arith.constant 3 : i32
        %get3A_410 = arith.index_cast %get3A_409 : i32 to index
        %get3A_411 = arith.index_cast %add3A_326 : i32 to index
        %get3A_412 = arith.constant 80 : index
        %get3A_413 = tpu.vector_load %arg5[%get3A_410, %get3A_411, %get3A_412] {strides = array<i32>} : memref<4x16x512xf32, #tpu.memory_space<vmem>>, vector<1x1x16xf32>,
        %get3A_414 = vector.shape_cast %get3A_413 : vector<1x1x16xf32> to vector<16xf32>
        %sub3A_415 = arith.subf %get3A_414, %get3A_408 : vector<16xf32>
        %mul3A_416 = arith.mulf %sub3A_415, %sub3A_415 : vector<16xf32>
        %add3A_417 = arith.addf %add3A_402, %mul3A_416 : vector<16xf32>
        %get3A_418 = arith.constant 3 : i32
        %get3A_419 = arith.index_cast %get3A_418 : i32 to index
        %get3A_420 = arith.index_cast %add3A_326 : i32 to index
        %get3A_421 = arith.constant 96 : index
        %get3A_422 = tpu.vector_load %arg6[%get3A_419, %get3A_420, %get3A_421] {strides = array<i32>} : memref<4x16x512xf32, #tpu.memory_space<vmem>>, vector<1x1x16xf32>,
        %get3A_423 = vector.shape_cast %get3A_422 : vector<1x1x16xf32> to vector<16xf32>
        %get3A_424 = arith.constant 3 : i32
        %get3A_425 = arith.index_cast %get3A_424 : i32 to index
        %get3A_426 = arith.index_cast %add3A_326 : i32 to index
        %get3A_427 = arith.constant 96 : index
        %get3A_428 = tpu.vector_load %arg5[%get3A_425, %get3A_426, %get3A_427] {strides = array<i32>} : memref<4x16x512xf32, #tpu.memory_space<vmem>>, vector<1x1x16xf32>,
        %get3A_429 = vector.shape_cast %get3A_428 : vector<1x1x16xf32> to vector<16xf32>
        %sub3A_430 = arith.subf %get3A_429, %get3A_423 : vector<16xf32>
        %mul3A_431 = arith.mulf %sub3A_430, %sub3A_430 : vector<16xf32>
        %add3A_432 = arith.addf %add3A_417, %mul3A_431 : vector<16xf32>
        %get3A_433 = arith.constant 3 : i32
        %get3A_434 = arith.index_cast %get3A_433 : i32 to index
        %get3A_435 = arith.index_cast %add3A_326 : i32 to index
        %get3A_436 = arith.constant 112 : index
        %get3A_437 = tpu.vector_load %arg6[%get3A_434, %get3A_435, %get3A_436] {strides = array<i32>} : memref<4x16x512xf32, #tpu.memory_space<vmem>>, vector<1x1x16xf32>,
        %get3A_438 = vector.shape_cast %get3A_437 : vector<1x1x16xf32> to vector<16xf32>
        %get3A_439 = arith.constant 3 : i32
        %get3A_440 = arith.index_cast %get3A_439 : i32 to index
        %get3A_441 = arith.index_cast %add3A_326 : i32 to index
        %get3A_442 = arith.constant 112 : index
        %get3A_443 = tpu.vector_load %arg5[%get3A_440, %get3A_441, %get3A_442] {strides = array<i32>} : memref<4x16x512xf32, #tpu.memory_space<vmem>>, vector<1x1x16xf32>,
        %get3A_444 = vector.shape_cast %get3A_443 : vector<1x1x16xf32> to vector<16xf32>
        %sub3A_445 = arith.subf %get3A_444, %get3A_438 : vector<16xf32>
        %mul3A_446 = arith.mulf %sub3A_445, %sub3A_445 : vector<16xf32>
        %add3A_447 = arith.addf %add3A_432, %mul3A_446 : vector<16xf32>
        %get3A_448 = arith.constant 3 : i32
        %get3A_449 = arith.index_cast %get3A_448 : i32 to index
        %get3A_450 = arith.index_cast %add3A_326 : i32 to index
        %get3A_451 = arith.constant 128 : index
        %get3A_452 = tpu.vector_load %arg6[%get3A_449, %get3A_450, %get3A_451] {strides = array<i32>} : memref<4x16x512xf32, #tpu.memory_space<vmem>>, vector<1x1x16xf32>,
        %get3A_453 = vector.shape_cast %get3A_452 : vector<1x1x16xf32> to vector<16xf32>
        %get3A_454 = arith.constant 3 : i32
        %get3A_455 = arith.index_cast %get3A_454 : i32 to index
        %get3A_456 = arith.index_cast %add3A_326 : i32 to index
        %get3A_457 = arith.constant 128 : index
        %get3A_458 = tpu.vector_load %arg5[%get3A_455, %get3A_456, %get3A_457] {strides = array<i32>} : memref<4x16x512xf32, #tpu.memory_space<vmem>>, vector<1x1x16xf32>,
        %get3A_459 = vector.shape_cast %get3A_458 : vector<1x1x16xf32> to vector<16xf32>
        %sub3A_460 = arith.subf %get3A_459, %get3A_453 : vector<16xf32>
        %mul3A_461 = arith.mulf %sub3A_460, %sub3A_460 : vector<16xf32>
        %add3A_462 = arith.addf %add3A_447, %mul3A_461 : vector<16xf32>
        %get3A_463 = arith.constant 3 : i32
        %get3A_464 = arith.index_cast %get3A_463 : i32 to index
        %get3A_465 = arith.index_cast %add3A_326 : i32 to index
        %get3A_466 = arith.constant 144 : index
        %get3A_467 = tpu.vector_load %arg6[%get3A_464, %get3A_465, %get3A_466] {strides = array<i32>} : memref<4x16x512xf32, #tpu.memory_space<vmem>>, vector<1x1x16xf32>,
        %get3A_468 = vector.shape_cast %get3A_467 : vector<1x1x16xf32> to vector<16xf32>
        %get3A_469 = arith.constant 3 : i32
        %get3A_470 = arith.index_cast %get3A_469 : i32 to index
        %get3A_471 = arith.index_cast %add3A_326 : i32 to index
        %get3A_472 = arith.constant 144 : index
        %get3A_473 = tpu.vector_load %arg5[%get3A_470, %get3A_471, %get3A_472] {strides = array<i32>} : memref<4x16x512xf32, #tpu.memory_space<vmem>>, vector<1x1x16xf32>,
        %get3A_474 = vector.shape_cast %get3A_473 : vector<1x1x16xf32> to vector<16xf32>
        %sub3A_475 = arith.subf %get3A_474, %get3A_468 : vector<16xf32>
        %mul3A_476 = arith.mulf %sub3A_475, %sub3A_475 : vector<16xf32>
        %add3A_477 = arith.addf %add3A_462, %mul3A_476 : vector<16xf32>
        %get3A_478 = arith.constant 3 : i32
        %get3A_479 = arith.index_cast %get3A_478 : i32 to index
        %get3A_480 = arith.index_cast %add3A_326 : i32 to index
        %get3A_481 = arith.constant 160 : index
        %get3A_482 = tpu.vector_load %arg6[%get3A_479, %get3A_480, %get3A_481] {strides = array<i32>} : memref<4x16x512xf32, #tpu.memory_space<vmem>>, vector<1x1x16xf32>,
        %get3A_483 = vector.shape_cast %get3A_482 : vector<1x1x16xf32> to vector<16xf32>
        %get3A_484 = arith.constant 3 : i32
        %get3A_485 = arith.index_cast %get3A_484 : i32 to index
        %get3A_486 = arith.index_cast %add3A_326 : i32 to index
        %get3A_487 = arith.constant 160 : index
        %get3A_488 = tpu.vector_load %arg5[%get3A_485, %get3A_486, %get3A_487] {strides = array<i32>} : memref<4x16x512xf32, #tpu.memory_space<vmem>>, vector<1x1x16xf32>,
        %get3A_489 = vector.shape_cast %get3A_488 : vector<1x1x16xf32> to vector<16xf32>
        %sub3A_490 = arith.subf %get3A_489, %get3A_483 : vector<16xf32>
        %mul3A_491 = arith.mulf %sub3A_490, %sub3A_490 : vector<16xf32>
        %add3A_492 = arith.addf %add3A_477, %mul3A_491 : vector<16xf32>
        %get3A_493 = arith.constant 3 : i32
        %get3A_494 = arith.index_cast %get3A_493 : i32 to index
        %get3A_495 = arith.index_cast %add3A_326 : i32 to index
        %get3A_496 = arith.constant 176 : index
        %get3A_497 = tpu.vector_load %arg6[%get3A_494, %get3A_495, %get3A_496] {strides = array<i32>} : memref<4x16x512xf32, #tpu.memory_space<vmem>>, vector<1x1x16xf32>,
        %get3A_498 = vector.shape_cast %get3A_497 : vector<1x1x16xf32> to vector<16xf32>
        %get3A_499 = arith.constant 3 : i32
        %get3A_500 = arith.index_cast %get3A_499 : i32 to index
        %get3A_501 = arith.index_cast %add3A_326 : i32 to index
        %get3A_502 = arith.constant 176 : index
        %get3A_503 = tpu.vector_load %arg5[%get3A_500, %get3A_501, %get3A_502] {strides = array<i32>} : memref<4x16x512xf32, #tpu.memory_space<vmem>>, vector<1x1x16xf32>,
        %get3A_504 = vector.shape_cast %get3A_503 : vector<1x1x16xf32> to vector<16xf32>
        %sub3A_505 = arith.subf %get3A_504, %get3A_498 : vector<16xf32>
        %mul3A_506 = arith.mulf %sub3A_505, %sub3A_505 : vector<16xf32>
        %add3A_507 = arith.addf %add3A_492, %mul3A_506 : vector<16xf32>
        %get3A_508 = arith.constant 3 : i32
        %get3A_509 = arith.index_cast %get3A_508 : i32 to index
        %get3A_510 = arith.index_cast %add3A_326 : i32 to index
        %get3A_511 = arith.constant 192 : index
        %get3A_512 = tpu.vector_load %arg6[%get3A_509, %get3A_510, %get3A_511] {strides = array<i32>} : memref<4x16x512xf32, #tpu.memory_space<vmem>>, vector<1x1x16xf32>,
        %get3A_513 = vector.shape_cast %get3A_512 : vector<1x1x16xf32> to vector<16xf32>
        %get3A_514 = arith.constant 3 : i32
        %get3A_515 = arith.index_cast %get3A_514 : i32 to index
        %get3A_516 = arith.index_cast %add3A_326 : i32 to index
        %get3A_517 = arith.constant 192 : index
        %get3A_518 = tpu.vector_load %arg5[%get3A_515, %get3A_516, %get3A_517] {strides = array<i32>} : memref<4x16x512xf32, #tpu.memory_space<vmem>>, vector<1x1x16xf32>,
        %get3A_519 = vector.shape_cast %get3A_518 : vector<1x1x16xf32> to vector<16xf32>
        %sub3A_520 = arith.subf %get3A_519, %get3A_513 : vector<16xf32>
        %mul3A_521 = arith.mulf %sub3A_520, %sub3A_520 : vector<16xf32>
        %add3A_522 = arith.addf %add3A_507, %mul3A_521 : vector<16xf32>
        %get3A_523 = arith.constant 3 : i32
        %get3A_524 = arith.index_cast %get3A_523 : i32 to index
        %get3A_525 = arith.index_cast %add3A_326 : i32 to index
        %get3A_526 = arith.constant 208 : index
        %get3A_527 = tpu.vector_load %arg6[%get3A_524, %get3A_525, %get3A_526] {strides = array<i32>} : memref<4x16x512xf32, #tpu.memory_space<vmem>>, vector<1x1x16xf32>,
        %get3A_528 = vector.shape_cast %get3A_527 : vector<1x1x16xf32> to vector<16xf32>
        %get3A_529 = arith.constant 3 : i32
        %get3A_530 = arith.index_cast %get3A_529 : i32 to index
        %get3A_531 = arith.index_cast %add3A_326 : i32 to index
        %get3A_532 = arith.constant 208 : index
        %get3A_533 = tpu.vector_load %arg5[%get3A_530, %get3A_531, %get3A_532] {strides = array<i32>} : memref<4x16x512xf32, #tpu.memory_space<vmem>>, vector<1x1x16xf32>,
        %get3A_534 = vector.shape_cast %get3A_533 : vector<1x1x16xf32> to vector<16xf32>
        %sub3A_535 = arith.subf %get3A_534, %get3A_528 : vector<16xf32>
        %mul3A_536 = arith.mulf %sub3A_535, %sub3A_535 : vector<16xf32>
        %add3A_537 = arith.addf %add3A_522, %mul3A_536 : vector<16xf32>
        %get3A_538 = arith.constant 3 : i32
        %get3A_539 = arith.index_cast %get3A_538 : i32 to index
        %get3A_540 = arith.index_cast %add3A_326 : i32 to index
        %get3A_541 = arith.constant 224 : index
        %get3A_542 = tpu.vector_load %arg6[%get3A_539, %get3A_540, %get3A_541] {strides = array<i32>} : memref<4x16x512xf32, #tpu.memory_space<vmem>>, vector<1x1x16xf32>,
        %get3A_543 = vector.shape_cast %get3A_542 : vector<1x1x16xf32> to vector<16xf32>
        %get3A_544 = arith.constant 3 : i32
        %get3A_545 = arith.index_cast %get3A_544 : i32 to index
        %get3A_546 = arith.index_cast %add3A_326 : i32 to index
        %get3A_547 = arith.constant 224 : index
        %get3A_548 = tpu.vector_load %arg5[%get3A_545, %get3A_546, %get3A_547] {strides = array<i32>} : memref<4x16x512xf32, #tpu.memory_space<vmem>>, vector<1x1x16xf32>,
        %get3A_549 = vector.shape_cast %get3A_548 : vector<1x1x16xf32> to vector<16xf32>
        %sub3A_550 = arith.subf %get3A_549, %get3A_543 : vector<16xf32>
        %mul3A_551 = arith.mulf %sub3A_550, %sub3A_550 : vector<16xf32>
        %add3A_552 = arith.addf %add3A_537, %mul3A_551 : vector<16xf32>
        %get3A_553 = arith.constant 3 : i32
        %get3A_554 = arith.index_cast %get3A_553 : i32 to index
        %get3A_555 = arith.index_cast %add3A_326 : i32 to index
        %get3A_556 = arith.constant 240 : index
        %get3A_557 = tpu.vector_load %arg6[%get3A_554, %get3A_555, %get3A_556] {strides = array<i32>} : memref<4x16x512xf32, #tpu.memory_space<vmem>>, vector<1x1x16xf32>,
        %get3A_558 = vector.shape_cast %get3A_557 : vector<1x1x16xf32> to vector<16xf32>
        %get3A_559 = arith.constant 3 : i32
        %get3A_560 = arith.index_cast %get3A_559 : i32 to index
        %get3A_561 = arith.index_cast %add3A_326 : i32 to index
        %get3A_562 = arith.constant 240 : index
        %get3A_563 = tpu.vector_load %arg5[%get3A_560, %get3A_561, %get3A_562] {strides = array<i32>} : memref<4x16x512xf32, #tpu.memory_space<vmem>>, vector<1x1x16xf32>,
        %get3A_564 = vector.shape_cast %get3A_563 : vector<1x1x16xf32> to vector<16xf32>
        %sub3A_565 = arith.subf %get3A_564, %get3A_558 : vector<16xf32>
        %mul3A_566 = arith.mulf %sub3A_565, %sub3A_565 : vector<16xf32>
        %add3A_567 = arith.addf %add3A_552, %mul3A_566 : vector<16xf32>
        %get3A_568 = arith.constant 3 : i32
        %get3A_569 = arith.index_cast %get3A_568 : i32 to index
        %get3A_570 = arith.index_cast %add3A_326 : i32 to index
        %get3A_571 = arith.constant 256 : index
        %get3A_572 = tpu.vector_load %arg6[%get3A_569, %get3A_570, %get3A_571] {strides = array<i32>} : memref<4x16x512xf32, #tpu.memory_space<vmem>>, vector<1x1x16xf32>,
        %get3A_573 = vector.shape_cast %get3A_572 : vector<1x1x16xf32> to vector<16xf32>
        %get3A_574 = arith.constant 3 : i32
        %get3A_575 = arith.index_cast %get3A_574 : i32 to index
        %get3A_576 = arith.index_cast %add3A_326 : i32 to index
        %get3A_577 = arith.constant 256 : index
        %get3A_578 = tpu.vector_load %arg5[%get3A_575, %get3A_576, %get3A_577] {strides = array<i32>} : memref<4x16x512xf32, #tpu.memory_space<vmem>>, vector<1x1x16xf32>,
        %get3A_579 = vector.shape_cast %get3A_578 : vector<1x1x16xf32> to vector<16xf32>
        %sub3A_580 = arith.subf %get3A_579, %get3A_573 : vector<16xf32>
        %mul3A_581 = arith.mulf %sub3A_580, %sub3A_580 : vector<16xf32>
        %add3A_582 = arith.addf %add3A_567, %mul3A_581 : vector<16xf32>
        %get3A_583 = arith.constant 3 : i32
        %get3A_584 = arith.index_cast %get3A_583 : i32 to index
        %get3A_585 = arith.index_cast %add3A_326 : i32 to index
        %get3A_586 = arith.constant 272 : index
        %get3A_587 = tpu.vector_load %arg6[%get3A_584, %get3A_585, %get3A_586] {strides = array<i32>} : memref<4x16x512xf32, #tpu.memory_space<vmem>>, vector<1x1x16xf32>,
        %get3A_588 = vector.shape_cast %get3A_587 : vector<1x1x16xf32> to vector<16xf32>
        %get3A_589 = arith.constant 3 : i32
        %get3A_590 = arith.index_cast %get3A_589 : i32 to index
        %get3A_591 = arith.index_cast %add3A_326 : i32 to index
        %get3A_592 = arith.constant 272 : index
        %get3A_593 = tpu.vector_load %arg5[%get3A_590, %get3A_591, %get3A_592] {strides = array<i32>} : memref<4x16x512xf32, #tpu.memory_space<vmem>>, vector<1x1x16xf32>,
        %get3A_594 = vector.shape_cast %get3A_593 : vector<1x1x16xf32> to vector<16xf32>
        %sub3A_595 = arith.subf %get3A_594, %get3A_588 : vector<16xf32>
        %mul3A_596 = arith.mulf %sub3A_595, %sub3A_595 : vector<16xf32>
        %add3A_597 = arith.addf %add3A_582, %mul3A_596 : vector<16xf32>
        %get3A_598 = arith.constant 3 : i32
        %get3A_599 = arith.index_cast %get3A_598 : i32 to index
        %get3A_600 = arith.index_cast %add3A_326 : i32 to index
        %get3A_601 = arith.constant 288 : index
        %get3A_602 = tpu.vector_load %arg6[%get3A_599, %get3A_600, %get3A_601] {strides = array<i32>} : memref<4x16x512xf32, #tpu.memory_space<vmem>>, vector<1x1x16xf32>,
        %get3A_603 = vector.shape_cast %get3A_602 : vector<1x1x16xf32> to vector<16xf32>
        %get3A_604 = arith.constant 3 : i32
        %get3A_605 = arith.index_cast %get3A_604 : i32 to index
        %get3A_606 = arith.index_cast %add3A_326 : i32 to index
        %get3A_607 = arith.constant 288 : index
        %get3A_608 = tpu.vector_load %arg5[%get3A_605, %get3A_606, %get3A_607] {strides = array<i32>} : memref<4x16x512xf32, #tpu.memory_space<vmem>>, vector<1x1x16xf32>,
        %get3A_609 = vector.shape_cast %get3A_608 : vector<1x1x16xf32> to vector<16xf32>
        %sub3A_610 = arith.subf %get3A_609, %get3A_603 : vector<16xf32>
        %mul3A_611 = arith.mulf %sub3A_610, %sub3A_610 : vector<16xf32>
        %add3A_612 = arith.addf %add3A_597, %mul3A_611 : vector<16xf32>
        %get3A_613 = arith.constant 3 : i32
        %get3A_614 = arith.index_cast %get3A_613 : i32 to index
        %get3A_615 = arith.index_cast %add3A_326 : i32 to index
        %get3A_616 = arith.constant 304 : index
        %get3A_617 = tpu.vector_load %arg6[%get3A_614, %get3A_615, %get3A_616] {strides = array<i32>} : memref<4x16x512xf32, #tpu.memory_space<vmem>>, vector<1x1x16xf32>,
        %get3A_618 = vector.shape_cast %get3A_617 : vector<1x1x16xf32> to vector<16xf32>
        %get3A_619 = arith.constant 3 : i32
        %get3A_620 = arith.index_cast %get3A_619 : i32 to index
        %get3A_621 = arith.index_cast %add3A_326 : i32 to index
        %get3A_622 = arith.constant 304 : index
        %get3A_623 = tpu.vector_load %arg5[%get3A_620, %get3A_621, %get3A_622] {strides = array<i32>} : memref<4x16x512xf32, #tpu.memory_space<vmem>>, vector<1x1x16xf32>,
        %get3A_624 = vector.shape_cast %get3A_623 : vector<1x1x16xf32> to vector<16xf32>
        %sub3A_625 = arith.subf %get3A_624, %get3A_618 : vector<16xf32>
        %mul3A_626 = arith.mulf %sub3A_625, %sub3A_625 : vector<16xf32>
        %add3A_627 = arith.addf %add3A_612, %mul3A_626 : vector<16xf32>
        %get3A_628 = arith.constant 3 : i32
        %get3A_629 = arith.index_cast %get3A_628 : i32 to index
        %get3A_630 = arith.index_cast %add3A_326 : i32 to index
        %get3A_631 = arith.constant 320 : index
        %get3A_632 = tpu.vector_load %arg6[%get3A_629, %get3A_630, %get3A_631] {strides = array<i32>} : memref<4x16x512xf32, #tpu.memory_space<vmem>>, vector<1x1x16xf32>,
        %get3A_633 = vector.shape_cast %get3A_632 : vector<1x1x16xf32> to vector<16xf32>
        %get3A_634 = arith.constant 3 : i32
        %get3A_635 = arith.index_cast %get3A_634 : i32 to index
        %get3A_636 = arith.index_cast %add3A_326 : i32 to index
        %get3A_637 = arith.constant 320 : index
        %get3A_638 = tpu.vector_load %arg5[%get3A_635, %get3A_636, %get3A_637] {strides = array<i32>} : memref<4x16x512xf32, #tpu.memory_space<vmem>>, vector<1x1x16xf32>,
        %get3A_639 = vector.shape_cast %get3A_638 : vector<1x1x16xf32> to vector<16xf32>
        %sub3A_640 = arith.subf %get3A_639, %get3A_633 : vector<16xf32>
        %mul3A_641 = arith.mulf %sub3A_640, %sub3A_640 : vector<16xf32>
        %add3A_642 = arith.addf %add3A_627, %mul3A_641 : vector<16xf32>
        %get3A_643 = arith.constant 3 : i32
        %get3A_644 = arith.index_cast %get3A_643 : i32 to index
        %get3A_645 = arith.index_cast %add3A_326 : i32 to index
        %get3A_646 = arith.constant 336 : index
        %get3A_647 = tpu.vector_load %arg6[%get3A_644, %get3A_645, %get3A_646] {strides = array<i32>} : memref<4x16x512xf32, #tpu.memory_space<vmem>>, vector<1x1x16xf32>,
        %get3A_648 = vector.shape_cast %get3A_647 : vector<1x1x16xf32> to vector<16xf32>
        %get3A_649 = arith.constant 3 : i32
        %get3A_650 = arith.index_cast %get3A_649 : i32 to index
        %get3A_651 = arith.index_cast %add3A_326 : i32 to index
        %get3A_652 = arith.constant 336 : index
        %get3A_653 = tpu.vector_load %arg5[%get3A_650, %get3A_651, %get3A_652] {strides = array<i32>} : memref<4x16x512xf32, #tpu.memory_space<vmem>>, vector<1x1x16xf32>,
        %get3A_654 = vector.shape_cast %get3A_653 : vector<1x1x16xf32> to vector<16xf32>
        %sub3A_655 = arith.subf %get3A_654, %get3A_648 : vector<16xf32>
        %mul3A_656 = arith.mulf %sub3A_655, %sub3A_655 : vector<16xf32>
        %add3A_657 = arith.addf %add3A_642, %mul3A_656 : vector<16xf32>
        %get3A_658 = arith.constant 3 : i32
        %get3A_659 = arith.index_cast %get3A_658 : i32 to index
        %get3A_660 = arith.index_cast %add3A_326 : i32 to index
        %get3A_661 = arith.constant 352 : index
        %get3A_662 = tpu.vector_load %arg6[%get3A_659, %get3A_660, %get3A_661] {strides = array<i32>} : memref<4x16x512xf32, #tpu.memory_space<vmem>>, vector<1x1x16xf32>,
        %get3A_663 = vector.shape_cast %get3A_662 : vector<1x1x16xf32> to vector<16xf32>
        %get3A_664 = arith.constant 3 : i32
        %get3A_665 = arith.index_cast %get3A_664 : i32 to index
        %get3A_666 = arith.index_cast %add3A_326 : i32 to index
        %get3A_667 = arith.constant 352 : index
        %get3A_668 = tpu.vector_load %arg5[%get3A_665, %get3A_666, %get3A_667] {strides = array<i32>} : memref<4x16x512xf32, #tpu.memory_space<vmem>>, vector<1x1x16xf32>,
        %get3A_669 = vector.shape_cast %get3A_668 : vector<1x1x16xf32> to vector<16xf32>
        %sub3A_670 = arith.subf %get3A_669, %get3A_663 : vector<16xf32>
        %mul3A_671 = arith.mulf %sub3A_670, %sub3A_670 : vector<16xf32>
        %add3A_672 = arith.addf %add3A_657, %mul3A_671 : vector<16xf32>
        %get3A_673 = arith.constant 3 : i32
        %get3A_674 = arith.index_cast %get3A_673 : i32 to index
        %get3A_675 = arith.index_cast %add3A_326 : i32 to index
        %get3A_676 = arith.constant 368 : index
        %get3A_677 = tpu.vector_load %arg6[%get3A_674, %get3A_675, %get3A_676] {strides = array<i32>} : memref<4x16x512xf32, #tpu.memory_space<vmem>>, vector<1x1x16xf32>,
        %get3A_678 = vector.shape_cast %get3A_677 : vector<1x1x16xf32> to vector<16xf32>
        %get3A_679 = arith.constant 3 : i32
        %get3A_680 = arith.index_cast %get3A_679 : i32 to index
        %get3A_681 = arith.index_cast %add3A_326 : i32 to index
        %get3A_682 = arith.constant 368 : index
        %get3A_683 = tpu.vector_load %arg5[%get3A_680, %get3A_681, %get3A_682] {strides = array<i32>} : memref<4x16x512xf32, #tpu.memory_space<vmem>>, vector<1x1x16xf32>,
        %get3A_684 = vector.shape_cast %get3A_683 : vector<1x1x16xf32> to vector<16xf32>
        %sub3A_685 = arith.subf %get3A_684, %get3A_678 : vector<16xf32>
        %mul3A_686 = arith.mulf %sub3A_685, %sub3A_685 : vector<16xf32>
        %add3A_687 = arith.addf %add3A_672, %mul3A_686 : vector<16xf32>
        %get3A_688 = arith.constant 3 : i32
        %get3A_689 = arith.index_cast %get3A_688 : i32 to index
        %get3A_690 = arith.index_cast %add3A_326 : i32 to index
        %get3A_691 = arith.constant 384 : index
        %get3A_692 = tpu.vector_load %arg6[%get3A_689, %get3A_690, %get3A_691] {strides = array<i32>} : memref<4x16x512xf32, #tpu.memory_space<vmem>>, vector<1x1x16xf32>,
        %get3A_693 = vector.shape_cast %get3A_692 : vector<1x1x16xf32> to vector<16xf32>
        %get3A_694 = arith.constant 3 : i32
        %get3A_695 = arith.index_cast %get3A_694 : i32 to index
        %get3A_696 = arith.index_cast %add3A_326 : i32 to index
        %get3A_697 = arith.constant 384 : index
        %get3A_698 = tpu.vector_load %arg5[%get3A_695, %get3A_696, %get3A_697] {strides = array<i32>} : memref<4x16x512xf32, #tpu.memory_space<vmem>>, vector<1x1x16xf32>,
        %get3A_699 = vector.shape_cast %get3A_698 : vector<1x1x16xf32> to vector<16xf32>
        %sub3A_700 = arith.subf %get3A_699, %get3A_693 : vector<16xf32>
        %mul3A_701 = arith.mulf %sub3A_700, %sub3A_700 : vector<16xf32>
        %add3A_702 = arith.addf %add3A_687, %mul3A_701 : vector<16xf32>
        %get3A_703 = arith.constant 3 : i32
        %get3A_704 = arith.index_cast %get3A_703 : i32 to index
        %get3A_705 = arith.index_cast %add3A_326 : i32 to index
        %get3A_706 = arith.constant 400 : index
        %get3A_707 = tpu.vector_load %arg6[%get3A_704, %get3A_705, %get3A_706] {strides = array<i32>} : memref<4x16x512xf32, #tpu.memory_space<vmem>>, vector<1x1x16xf32>,
        %get3A_708 = vector.shape_cast %get3A_707 : vector<1x1x16xf32> to vector<16xf32>
        %get3A_709 = arith.constant 3 : i32
        %get3A_710 = arith.index_cast %get3A_709 : i32 to index
        %get3A_711 = arith.index_cast %add3A_326 : i32 to index
        %get3A_712 = arith.constant 400 : index
        %get3A_713 = tpu.vector_load %arg5[%get3A_710, %get3A_711, %get3A_712] {strides = array<i32>} : memref<4x16x512xf32, #tpu.memory_space<vmem>>, vector<1x1x16xf32>,
        %get3A_714 = vector.shape_cast %get3A_713 : vector<1x1x16xf32> to vector<16xf32>
        %sub3A_715 = arith.subf %get3A_714, %get3A_708 : vector<16xf32>
        %mul3A_716 = arith.mulf %sub3A_715, %sub3A_715 : vector<16xf32>
        %add3A_717 = arith.addf %add3A_702, %mul3A_716 : vector<16xf32>
        %get3A_718 = arith.constant 3 : i32
        %get3A_719 = arith.index_cast %get3A_718 : i32 to index
        %get3A_720 = arith.index_cast %add3A_326 : i32 to index
        %get3A_721 = arith.constant 416 : index
        %get3A_722 = tpu.vector_load %arg6[%get3A_719, %get3A_720, %get3A_721] {strides = array<i32>} : memref<4x16x512xf32, #tpu.memory_space<vmem>>, vector<1x1x16xf32>,
        %get3A_723 = vector.shape_cast %get3A_722 : vector<1x1x16xf32> to vector<16xf32>
        %get3A_724 = arith.constant 3 : i32
        %get3A_725 = arith.index_cast %get3A_724 : i32 to index
        %get3A_726 = arith.index_cast %add3A_326 : i32 to index
        %get3A_727 = arith.constant 416 : index
        %get3A_728 = tpu.vector_load %arg5[%get3A_725, %get3A_726, %get3A_727] {strides = array<i32>} : memref<4x16x512xf32, #tpu.memory_space<vmem>>, vector<1x1x16xf32>,
        %get3A_729 = vector.shape_cast %get3A_728 : vector<1x1x16xf32> to vector<16xf32>
        %sub3A_730 = arith.subf %get3A_729, %get3A_723 : vector<16xf32>
        %mul3A_731 = arith.mulf %sub3A_730, %sub3A_730 : vector<16xf32>
        %add3A_732 = arith.addf %add3A_717, %mul3A_731 : vector<16xf32>
        %get3A_733 = arith.constant 3 : i32
        %get3A_734 = arith.index_cast %get3A_733 : i32 to index
        %get3A_735 = arith.index_cast %add3A_326 : i32 to index
        %get3A_736 = arith.constant 432 : index
        %get3A_737 = tpu.vector_load %arg6[%get3A_734, %get3A_735, %get3A_736] {strides = array<i32>} : memref<4x16x512xf32, #tpu.memory_space<vmem>>, vector<1x1x16xf32>,
        %get3A_738 = vector.shape_cast %get3A_737 : vector<1x1x16xf32> to vector<16xf32>
        %get3A_739 = arith.constant 3 : i32
        %get3A_740 = arith.index_cast %get3A_739 : i32 to index
        %get3A_741 = arith.index_cast %add3A_326 : i32 to index
        %get3A_742 = arith.constant 432 : index
        %get3A_743 = tpu.vector_load %arg5[%get3A_740, %get3A_741, %get3A_742] {strides = array<i32>} : memref<4x16x512xf32, #tpu.memory_space<vmem>>, vector<1x1x16xf32>,
        %get3A_744 = vector.shape_cast %get3A_743 : vector<1x1x16xf32> to vector<16xf32>
        %sub3A_745 = arith.subf %get3A_744, %get3A_738 : vector<16xf32>
        %mul3A_746 = arith.mulf %sub3A_745, %sub3A_745 : vector<16xf32>
        %add3A_747 = arith.addf %add3A_732, %mul3A_746 : vector<16xf32>
        %get3A_748 = arith.constant 3 : i32
        %get3A_749 = arith.index_cast %get3A_748 : i32 to index
        %get3A_750 = arith.index_cast %add3A_326 : i32 to index
        %get3A_751 = arith.constant 448 : index
        %get3A_752 = tpu.vector_load %arg6[%get3A_749, %get3A_750, %get3A_751] {strides = array<i32>} : memref<4x16x512xf32, #tpu.memory_space<vmem>>, vector<1x1x16xf32>,
        %get3A_753 = vector.shape_cast %get3A_752 : vector<1x1x16xf32> to vector<16xf32>
        %get3A_754 = arith.constant 3 : i32
        %get3A_755 = arith.index_cast %get3A_754 : i32 to index
        %get3A_756 = arith.index_cast %add3A_326 : i32 to index
        %get3A_757 = arith.constant 448 : index
        %get3A_758 = tpu.vector_load %arg5[%get3A_755, %get3A_756, %get3A_757] {strides = array<i32>} : memref<4x16x512xf32, #tpu.memory_space<vmem>>, vector<1x1x16xf32>,
        %get3A_759 = vector.shape_cast %get3A_758 : vector<1x1x16xf32> to vector<16xf32>
        %sub3A_760 = arith.subf %get3A_759, %get3A_753 : vector<16xf32>
        %mul3A_761 = arith.mulf %sub3A_760, %sub3A_760 : vector<16xf32>
        %add3A_762 = arith.addf %add3A_747, %mul3A_761 : vector<16xf32>
        %get3A_763 = arith.constant 3 : i32
        %get3A_764 = arith.index_cast %get3A_763 : i32 to index
        %get3A_765 = arith.index_cast %add3A_326 : i32 to index
        %get3A_766 = arith.constant 464 : index
        %get3A_767 = tpu.vector_load %arg6[%get3A_764, %get3A_765, %get3A_766] {strides = array<i32>} : memref<4x16x512xf32, #tpu.memory_space<vmem>>, vector<1x1x16xf32>,
        %get3A_768 = vector.shape_cast %get3A_767 : vector<1x1x16xf32> to vector<16xf32>
        %get3A_769 = arith.constant 3 : i32
        %get3A_770 = arith.index_cast %get3A_769 : i32 to index
        %get3A_771 = arith.index_cast %add3A_326 : i32 to index
        %get3A_772 = arith.constant 464 : index
        %get3A_773 = tpu.vector_load %arg5[%get3A_770, %get3A_771, %get3A_772] {strides = array<i32>} : memref<4x16x512xf32, #tpu.memory_space<vmem>>, vector<1x1x16xf32>,
        %get3A_774 = vector.shape_cast %get3A_773 : vector<1x1x16xf32> to vector<16xf32>
        %sub3A_775 = arith.subf %get3A_774, %get3A_768 : vector<16xf32>
        %mul3A_776 = arith.mulf %sub3A_775, %sub3A_775 : vector<16xf32>
        %add3A_777 = arith.addf %add3A_762, %mul3A_776 : vector<16xf32>
        %get3A_778 = arith.constant 3 : i32
        %get3A_779 = arith.index_cast %get3A_778 : i32 to index
        %get3A_780 = arith.index_cast %add3A_326 : i32 to index
        %get3A_781 = arith.constant 480 : index
        %get3A_782 = tpu.vector_load %arg6[%get3A_779, %get3A_780, %get3A_781] {strides = array<i32>} : memref<4x16x512xf32, #tpu.memory_space<vmem>>, vector<1x1x16xf32>,
        %get3A_783 = vector.shape_cast %get3A_782 : vector<1x1x16xf32> to vector<16xf32>
        %get3A_784 = arith.constant 3 : i32
        %get3A_785 = arith.index_cast %get3A_784 : i32 to index
        %get3A_786 = arith.index_cast %add3A_326 : i32 to index
        %get3A_787 = arith.constant 480 : index
        %get3A_788 = tpu.vector_load %arg5[%get3A_785, %get3A_786, %get3A_787] {strides = array<i32>} : memref<4x16x512xf32, #tpu.memory_space<vmem>>, vector<1x1x16xf32>,
        %get3A_789 = vector.shape_cast %get3A_788 : vector<1x1x16xf32> to vector<16xf32>
        %sub3A_790 = arith.subf %get3A_789, %get3A_783 : vector<16xf32>
        %mul3A_791 = arith.mulf %sub3A_790, %sub3A_790 : vector<16xf32>
        %add3A_792 = arith.addf %add3A_777, %mul3A_791 : vector<16xf32>
        %get3A_793 = arith.constant 3 : i32
        %get3A_794 = arith.index_cast %get3A_793 : i32 to index
        %get3A_795 = arith.index_cast %add3A_326 : i32 to index
        %get3A_796 = arith.constant 496 : index
        %get3A_797 = tpu.vector_load %arg6[%get3A_794, %get3A_795, %get3A_796] {strides = array<i32>} : memref<4x16x512xf32, #tpu.memory_space<vmem>>, vector<1x1x16xf32>,
        %get3A_798 = vector.shape_cast %get3A_797 : vector<1x1x16xf32> to vector<16xf32>
        %get3A_799 = arith.constant 3 : i32
        %get3A_800 = arith.index_cast %get3A_799 : i32 to index
        %get3A_801 = arith.index_cast %add3A_326 : i32 to index
        %get3A_802 = arith.constant 496 : index
        %get3A_803 = tpu.vector_load %arg5[%get3A_800, %get3A_801, %get3A_802] {strides = array<i32>} : memref<4x16x512xf32, #tpu.memory_space<vmem>>, vector<1x1x16xf32>,
        %get3A_804 = vector.shape_cast %get3A_803 : vector<1x1x16xf32> to vector<16xf32>
        %sub3A_805 = arith.subf %get3A_804, %get3A_798 : vector<16xf32>
        %mul3A_806 = arith.mulf %sub3A_805, %sub3A_805 : vector<16xf32>
        %add3A_807 = arith.addf %add3A_792, %mul3A_806 : vector<16xf32>
        %ne3A = arith.constant -1.000000e+00 : f32
        %ne3A_808 = arith.cmpf one, %squeeze3A, %ne3A : f32
        %jit3A = arith.constant 1.000000e+00 : f32
        %jit3A_809 = arith.constant 0.000000e+00 : f32
        %select_n3A = arith.select %ne3A_808, %jit3A, %jit3A_809 : f32
        %get3A_810 = arith.constant 0 : index
        %get3A_811 = tpu.vector_load %arg7[%get3A_810] {strides = array<i32>} : memref<16xf32, #tpu.memory_space<vmem>>, vector<16xf32>,
        %get3A_812 = vector.shape_cast %get3A_811 : vector<16xf32> to vector<16xf32>
        %mul3A_813 = vector.broadcast %select_n3A : f32 to vector<16xf32>
        %mul3A_814 = arith.mulf %add3A_807, %mul3A_813 : vector<16xf32>
        %add3A_815 = arith.addf %get3A_812, %mul3A_814 : vector<16xf32>
        %swap3A_816 = arith.constant 0 : index
        %swap3A_817 = tpu.vector_load %arg7[%swap3A_816] {strides = array<i32>} : memref<16xf32, #tpu.memory_space<vmem>>, vector<16xf32>,
        %swap3A_818 = vector.shape_cast %swap3A_817 : vector<16xf32> to vector<16xf32>
        %swap3A_819 = vector.shape_cast %add3A_815 : vector<16xf32> to vector<16xf32>
        tpu.vector_store %arg7[%swap3A_816], %swap3A_819 {strides = array<i32>} : memref<16xf32, #tpu.memory_space<vmem>>, vector<16xf32>,
      }
      %scan3A_321 = arith.constant 16 : i32
    }
    %scan3A_113 = arith.constant 16 : i32
    "tpu.region"() ({
      %run_scoped3A = tpu.sem_alloc : memref<!tpu.dma_semaphore, #tpu.memory_space<semaphore_mem>>
      %dma_start3A_114 = arith.constant 0 : i32
      %dma_start3A_115 = tpu.memref_slice %arg4[%add3A, %dma_start3A_114] : memref<32x16xf32, #tpu.memory_space<hbm>> -> memref<1x16xf32, #tpu.memory_space<hbm>>
      %dma_start3A_116 = tpu.memref_squeeze %dma_start3A_115 : memref<1x16xf32, #tpu.memory_space<hbm>> -> memref<16xf32, #tpu.memory_space<hbm>>
      %dma_start3A_117 = arith.constant 0 : i32
      %dma_start3A_118 = tpu.memref_slice %arg4[%add3A, %dma_start3A_117] : memref<32x16xf32, #tpu.memory_space<hbm>> -> memref<1x16xf32, #tpu.memory_space<hbm>>
      %dma_start3A_119 = tpu.memref_squeeze %dma_start3A_118 : memref<1x16xf32, #tpu.memory_space<hbm>> -> memref<16xf32, #tpu.memory_space<hbm>>
      tpu.enqueue_dma source(%arg7 : memref<16xf32, #tpu.memory_space<vmem>>) target(%dma_start3A_119 : memref<16xf32, #tpu.memory_space<hbm>>) target_semaphore(%run_scoped3A : memref<!tpu.dma_semaphore, #tpu.memory_space<semaphore_mem>>)
      %dma_wait3A = arith.constant 0 : i32
      %dma_wait3A_120 = tpu.memref_slice %arg4[%add3A, %dma_wait3A] : memref<32x16xf32, #tpu.memory_space<hbm>> -> memref<1x16xf32, #tpu.memory_space<hbm>>
      %dma_wait3A_121 = tpu.memref_squeeze %dma_wait3A_120 : memref<1x16xf32, #tpu.memory_space<hbm>> -> memref<16xf32, #tpu.memory_space<hbm>>
      %dma_wait3A_122 = arith.constant 0 : i32
      %dma_wait3A_123 = tpu.memref_slice %arg4[%add3A, %dma_wait3A_122] : memref<32x16xf32, #tpu.memory_space<hbm>> -> memref<1x16xf32, #tpu.memory_space<hbm>>
      %dma_wait3A_124 = tpu.memref_squeeze %dma_wait3A_123 : memref<1x16xf32, #tpu.memory_space<hbm>> -> memref<16xf32, #tpu.memory_space<hbm>>
      tpu.wait_dma2 semaphore(%run_scoped3A : memref<!tpu.dma_semaphore, #tpu.memory_space<semaphore_mem>>) src(%arg7 : memref<16xf32, #tpu.memory_space<vmem>>) dst(%dma_wait3A_124 : memref<16xf32, #tpu.memory_space<hbm>>)
      tpu.yield
    }) : () -> ()
    return
  }
}

</mosaic_0001>

<sc_bundles>
// kernel: kernel.3.cloned.1.call-start
scs
__scs_entry_jumppad:
0x0: {  	(pc) =	sbr.rel $0x88, $3  }
0x1: {  	(tag) =	ssettag $0x0;
	lr =	simm.s32 $0x1  }
0x2: {  	[smem:$0x3F9F] =	sst lr;
	_ =	strace $0xD0000000  }
0x3: {  	_ = 	snop  }
0x4: {  	_ = 	snop  }
0x5: {  	_ = 	snop  }
0x6: {  	_ = 	snop  }
0x7: {  	_ = 	snop  }
__scs_overlays_trampoline_lowered:
0x8: {  	[smem:$0x3FAE] =	sst s0  }
0x9: {  	[smem:$0x3FAF] =	sst s1  }
0xa: {  	[smem:$0x3FB0] =	sst s2  }
0xb: {  	[smem:$0x3FB1] =	sst s3  }
0xc: {  	[smem:$0x3FB2] =	sst s4  }
0xd: {  	[smem:$0x3FB3] =	sst s5  }
0xe: {  	[smem:$0x3FB4] =	sst s6  }
0xf: {  	[smem:$0x3FB5] =	sst s7  }
0x10: {  	[smem:$0x3FB6] =	sst s8  }
0x11: {  	[smem:$0x3FB7] =	sst s9;
	s0 =	simm.s32 @!p0 $0x0  }
0x12: {  	s1 =	sld [smem:$0x3F9D];
	s0 =	simm.s32 @p0 $0x1  }
0x13: {  	[smem:$0x3FB8] =	sst s0;
	s0 =	simm.s32 @!p1 $0x0  }
0x14: {  	s2 =	sld [smem:$0x3F9C];
	s0 =	simm.s32 @p1 $0x1  }
0x15: {  	[smem:$0x3FB9] =	sst s0;
	s0 =	simm.s32 @!p2 $0x0  }
0x16: {  	s3 =	sld [smem:$0x3FDB];
	s0 =	simm.s32 @p2 $0x1  }
0x17: {  	s4 =	simm.s32 $0x1BF5;
	[smem:$0x3FBB] =	sst s0  }
0x18: {  	s0 =	sld [smem:$0x3F9E];
	_ =	swait.ge [sflag:s4], $0x0  }
0x19: {  	s7 =	sld [smem:$0x3F9F]  }
0x1a: {  	s8 =	sadd.s32 $0xFFFFE003, lr  }
0x1b: {  	s9 =	sadd.s32 $0xFFFFFEF7, lr;
	s5 =	simm.s32 $0xFFFFFFFF;
	p2 =	slt.u32 s8, $0xFFFFF086  }
0x1c: {  	p1 =	slt.u32 s9, $0xF7A;
	s5 =	simm.s32 @!p2 $0x0  }
0x1d: {  	s5 =	simm.s32 @p1 $0x1;
	p0 =	seq.s32 s7, s2  }
0x1e: {  	s7 =	smul.u32 @!p0 $0xF7A, s2;
	p2 =	seq.s32 @!p0 s5, $0x0  }
0x1f: {  	s9 =	smul.u32 $0xF7A, s1;
	s8 =	simm.s32 @!p0 $0x1BF5;
	p2 =	por !p2, p0  }
0x20: {  	[sflag:s8] =	ssyncset.s32 @!p0 $0xFFFFF086;
	s6 =	sadd.s32 @!p0 s3, s7;
	s7 =	simm.s32 @!p0 $0x108  }
0x21: {  	s3 =	sadd.s32 s3, s9;
	s6 =	sadd.s32 @!p0 $0x88, s6;
	s7 =	simm.s32 @p2 $0x1082  }
0x22: {  	[simem:s7], [sflag:s8] =	dma.local @!p0 [hbm:s6], $0xF7A  }
0x23: {  	s9 =	sor.u32 $0xD0000000, s2;
	s6 =	simm.s32 $0x108;
	_ =	swait.ge @!p0 [sflag:s8], $0x0  }
0x24: {  	s3 =	sadd.s32 $0x88, s3;
	s6 =	simm.s32 @!p1 $0x1082;
	[sflag:s4] =	ssyncset.s32 $0xFFFFF086  }
0x25: {  	[simem:s6], [sflag:s4] =	dma.local [hbm:s3], $0xF7A  }
0x26: {  	[smem:$0x3F9F] =	sst s1;
	(tag) =	ssettag s2;
	_ =	strace s9  }
0x27: {  	s1 =	sld [smem:$0x3FAF]  }
0x28: {  	s2 =	sld [smem:$0x3FB0]  }
0x29: {  	s4 =	sld [smem:$0x3FB2]  }
0x2a: {  	p0 =	seq.s32 s5, $0x0;
	s5 =	sld [smem:$0x3FB3]  }
0x2b: {  	s6 =	sld [smem:$0x3FB4]  }
0x2c: {  	s7 =	sld [smem:$0x3FB5]  }
0x2d: {  	s3 =	simm.s32 $0x108;
	s8 =	sld [smem:$0x3FB6]  }
0x2e: {  	s3 =	simm.s32 @!p0 $0x1082;
	s9 =	sld [smem:$0x3FB7]  }
0x2f: {  	lr =	sadd.s32 s0, s3;
	s0 =	sld [smem:$0x3FAE]  }
0x30: {  	s3 =	sld [smem:$0x3FB1]  }
0x31: {  	[smem:$0x3FBA] =	sst s10  }
0x32: {  	s10 =	sld [smem:$0x3FB8];
	_ =	sdelay $0x3  }
0x33: {  	p0 =	seq.s32 s10, $0x1;
	s10 =	sld [smem:$0x3FBA];
	_ =	sdelay $0x3  }
0x34: {  	[smem:$0x3FBA] =	sst s10  }
0x35: {  	s10 =	sld [smem:$0x3FB9];
	_ =	sdelay $0x3  }
0x36: {  	p1 =	seq.s32 s10, $0x1;
	s10 =	sld [smem:$0x3FBA];
	_ =	sdelay $0x3  }
0x37: {  	[smem:$0x3FBA] =	sst s10  }
0x38: {  	s10 =	sld [smem:$0x3FBB]  }
0x39: {  	_ = 	snop;
	(pc) =	sbr.ind lr, $3  }
0x3a: {  	_ = 	snop  }
0x3b: {  	_ = 	snop  }
0x3c: {  	p2 =	seq.s32 s10, $0x1;
	s10 =	sld [smem:$0x3FBA]  }
0x3d: {  	_ =	shalt  }
0x3e: {  	_ =	shalt  }
0x3f: {  	_ =	shalt  }
0x40: {  	_ =	shalt  }
0x41: {  	_ =	shalt  }
0x42: {  	_ =	shalt  }
0x43: {  	_ =	shalt  }
0x44: {  	_ =	shalt  }
0x45: {  	_ =	shalt  }
0x46: {  	_ =	shalt  }
0x47: {  	_ =	shalt  }
0x48: {  	_ =	shalt  }
0x49: {  	_ =	shalt  }
0x4a: {  	_ =	shalt  }
0x4b: {  	_ =	shalt  }
0x4c: {  	_ =	shalt  }
0x4d: {  	_ =	shalt  }
0x4e: {  	_ =	shalt  }
0x4f: {  	_ =	shalt  }
0x50: {  	_ =	shalt  }
0x51: {  	_ =	shalt  }
0x52: {  	_ =	shalt  }
0x53: {  	_ =	shalt  }
0x54: {  	_ =	shalt  }
0x55: {  	_ =	shalt  }
0x56: {  	_ =	shalt  }
0x57: {  	_ =	shalt  }
0x58: {  	_ =	shalt  }
0x59: {  	_ =	shalt  }
0x5a: {  	_ =	shalt  }
0x5b: {  	_ =	shalt  }
0x5c: {  	_ =	shalt  }
0x5d: {  	_ =	shalt  }
0x5e: {  	_ =	shalt  }
0x5f: {  	_ =	shalt  }
0x60: {  	_ =	shalt  }
0x61: {  	_ =	shalt  }
0x62: {  	_ =	shalt  }
0x63: {  	_ =	shalt  }
0x64: {  	_ =	shalt  }
0x65: {  	_ =	shalt  }
0x66: {  	_ =	shalt  }
0x67: {  	_ =	shalt  }
0x68: {  	_ =	shalt  }
0x69: {  	_ =	shalt  }
0x6a: {  	_ =	shalt  }
0x6b: {  	_ =	shalt  }
0x6c: {  	_ =	shalt  }
0x6d: {  	_ =	shalt  }
0x6e: {  	_ =	shalt  }
0x6f: {  	_ =	shalt  }
0x70: {  	_ =	shalt  }
0x71: {  	_ =	shalt  }
0x72: {  	_ =	shalt  }
0x73: {  	_ =	shalt  }
0x74: {  	_ =	shalt  }
0x75: {  	_ =	shalt  }
0x76: {  	_ =	shalt  }
0x77: {  	_ =	shalt  }
0x78: {  	_ =	shalt  }
0x79: {  	_ =	shalt  }
0x7a: {  	_ =	shalt  }
0x7b: {  	_ =	shalt  }
0x7c: {  	_ =	shalt  }
0x7d: {  	_ =	shalt  }
0x7e: {  	_ =	shalt  }
0x7f: {  	_ =	shalt  }
0x80: {  	_ =	shalt  }
0x81: {  	_ =	shalt  }
0x82: {  	_ =	shalt  }
0x83: {  	_ =	shalt  }
0x84: {  	_ =	shalt  }
0x85: {  	_ =	shalt  }
0x86: {  	_ =	shalt  }
0x87: {  	_ =	shalt  }
.Lfunc_end0:
.L_simem_size_0:
called_computation_lowered:
.L_overlay_start_0:
0x88: {  	s2 =	sld [smem:$0x3FD9]  }
0x89: {  	s3 =	sld [smem:$0x3FFE];
	_ =	sdelay $0x1  }
0x8a: {  	s1 =	srdreg.scid  }
0x8b: {  	s0 =	sand.u32 $0x1, s1  }
0x8c: {  	s17 =	sshll.u32 s0, $0xA;
	s2 =	sadd.s32 s3, s2  }
0x8d: {  	s2 =	sadd.s32 s2, s17  }
0x8e: {  	[smem:$0x3FC6] =	sst s2  }
0x8f: {  	_ = 	snop  }
0x90: {  	s2 =	sld [smem:$0x3FC9]  }
0x91: {  	s18 =	sld [smem:$0x3FC8];
	(tm) =	ssettm $0x1  }
0x92: {  	s4 =	sld [smem:$0x3FFB];
	_ =	sdelay $0x3  }
0x93: {  	_ =	strace s4  }
0x94: {  	s4 =	sld [smem:$0x3FFC];
	_ =	sdelay $0x3  }
0x95: {  	_ =	strace s4  }
0x96: {  	s4 =	sld [smem:$0x3FFD];
	_ =	sdelay $0x3  }
0x97: {  	_ =	strace s4  }
0x98: {  	_ =	strace $0x8FFFFFFF  }
0x99: {  	s19 =	sld [smem:$0x3FDB];
	_ =	sdelay $0x1  }
0x9a: {  	s5 =	simm.s32 $_scs_section_size  }
0x9b: {  	s6 =	simm.s32 $_size__tile_overlayer_lowered;
	s7 =	simm.s32 $_tile_overlayer_lowered  }
0x9c: {  	s22 =	simm.s32 $0x1BFF;
	s21 =	sshll.u32 s7, $0x1;
	s4 =	sadd.s32 s5, s19  }
0x9d: {  	s8 =	simm.s32 $0x0;
	s20 =	sshll.u32 s6, $0x1;
	s6 =	sadd.s32 s21, s4  }
0x9e: {  	[timem:s8], [sflag:s22] =	dma.local [hbm:s6], s20  }
0x9f: {  	_ =	swait.ge [sflag:s22], s20  }
0xa0: {  	s5 =	ssub.s32 $0x0, s20;
	[sflag:s22] =	ssyncset.done $0x0  }
0xa1: {  	[sflag:s22] =	ssyncadd.s32 s5;
	_ =	sdelay $0x1  }
0xa2: {  	s23 =	simm.s32 $0x1B8B  }
0xa3: {  	_ =	swait.ge [sflag:s23], $0x1  }
0xa4: {  	[sflag:s23] =	ssyncset.done $0x0  }
0xa5: {  	s25 =	simm.s32 $0x1B8E;
	s24 =	sld [smem:$0x3FFE];
	[sflag:s23] =	ssyncadd.s32 $0xFFFFFFFF  }
0xa6: {  	s26 =	simm.s32 $execute0_lowered;
	[smem:$0x3FD2] =	sst s25  }
0xa7: {  	s6 =	sshll.u32 s26, $0x1;
	_ =	strace $0x80000046;
	[dreg:$0x1] =	wrdreg $0xFFFFFFFF  }
0xa8: {  	s28 =	simm.s32 $_size_execute0_lowered;
	s4 =	sadd.s32 s4, s6;
	[dreg:$0x0] =	wrdreg $0x0  }
0xa9: {  	s6 =	sshll.u32 s28, $0x1;
	[dreg:$0x2] =	wrdreg s4  }
0xaa: {  	[dreg:$0x3] =	wrdreg s6  }
0xab: {  	[dreg:$0x4] =	wrdreg $0xC0  }
0xac: {  	_ =	task [dreg:s8], $0x5FFFF  }
0xad: {  	[dreg:$0x1] =	wrdreg $0xFFFFFFFF  }
0xae: {  	[dreg:$0x0] =	wrdreg $0x60  }
0xaf: {  	[dreg:$0x2] =	wrdreg s2  }
0xb0: {  	[dreg:$0x3] =	wrdreg s18  }
0xb1: {  	[dreg:$0x4] =	wrdreg s24  }
0xb2: {  	[dreg:$0x5] =	wrdreg $0x9  }
0xb3: {  	_ =	task.clear_ibuf [dreg:s8], $0x6FFFF;
	_ =	strace $0x90000046  }
0xb4: {  	s29 =	simm.s32 $0x9;
	_ =	strace $0x80000048  }
0xb5: {  	_ =	swait.ge [sflag:s29], $0x1  }
0xb6: {  	[sflag:s29] =	ssyncadd.s32 $0xFFFFFFFF  }
0xb7: {  	_ =	strace $0x90000048  }
0xb8: {  	_ =	sfence  }
0xb9: {  	s30 =	sld [smem:$0x0];
	_ =	sdelay $0x2  }
0xba: {  	s31 =	sshll.u32 s1, $0xD;
	s1 =	sshrl.u32 s1, $0x2  }
0xbb: {  	s3 =	sand.u32 $0x4000, s31;
	s1 =	sadd.s32 s1, s30  }
0xbc: {  	s0 =	sor.u32 s3, s0;
	s1 =	sshll.u32 s1, $0x11  }
0xbd: {  	s0 =	sor.u32 s1, s0  }
0xbe: {  	s0 =	sadd.s32 $0x8F2B, s0  }
0xbf: {  	[sflag:s0] =	ssyncadd.remote.s32 $0x1  }
0xc0: {  	_ =	sfence.sel $0xFFFF  }
0xc1: {  	[dreg:$0x0] =	wrdreg $0xFFFFFFFF;
	(pc) =	sbr.abs _section_cstart, $3  }
0xc2: {  	[dreg:$0x1] =	wrdreg $0xFFFFFFFF  }
0xc3: {  	_ =	task.clear_ibuf [dreg:s8], $0x2FFFF;
	_ =	strace $0x9FFFFFFF  }
0xc4: {  	(tm) =	ssettm $0x7FFFFFFF  }
0xc5: {  	_ =	shalt  }
tec
execute0_lowered:
.L_overlay_start_1:
0x0: {  	(tag) =	ssettag $0x1  }
0x1: {  	s1 =	rddreg [dreg:$0x0]  }
0x2: {  	s2 =	rddreg [dreg:$0x1]  }
0x3: {  	s0 =	rddreg [dreg:$0x2]  }
0x4: {  	s3 =	srdreg.scid;
	s4 =	simm.s32 $0x0;
	s11 =	stileid.u32  }
0x5: {  	s22 =	simm.s32 $0x1;
	s23 =	simm.s32 $0x6000;
	s24 =	simm.s32 $0xE000  }
0x6: {  	s25 =	simm.s32 $0x2;
	s26 =	simm.s32 $0x3;
	s28 =	simm.s32 $0x4  }
0x7: {  	s30 =	simm.s32 $0x5;
	s31 =	simm.s32 $0x0;
	s3 =	sand.u32 $0x1, s3  }
0x8: {  	[smem:$0x7FF] =	sst s4;
	s12 =	sshll.u32 s11, $0x4;
	s5 =	ssub.s32 $0x2, s3  }
0x9: {  	s3 =	sshll.u32 s3, $0x4;
	_ =	strace $0x80000047;
	s13 =	sand.u32 $0x70, s12  }
0xa: {  	s6 =	sshrl.u32 s5, $0x1;
	s3 =	sor.u32 s11, s3;
	s0 =	sadd.s32 s0, s13  }
0xb: {  	s15 =	ssub.s32 s5, s6;
	s16 =	sshll.u32 s3, $0x10;
	s3 =	sshll.u32 s3, $0x4  }
0xc: {  	s5 =	sadd.s32 s1, s16;
	s6 =	sadd.s32 s2, s16;
	s8 =	sor.u32 $0x400, s16  }
0xd: {  	s10 =	sor.u32 $0x800, s16;
	s11 =	sor.u32 $0x1000, s16;
	s12 =	sor.u32 $0x1400, s16  }
0xe: {  	s3 =	sand.u32 $0x180, s3;
	s13 =	sor.u32 $0x1800, s16;
	s15 =	smax.u32 s15, $0x1  }
0xf: {  	s16 =	sor.u32 $0xC00, s16;
	s7 =	sadd.s32 s1, s8;
	s8 =	sadd.s32 s2, s8  }
0x10: {  	v0 =	vimm.f32 $0.0e+00;
	s9 =	sadd.s32 s1, s10;
	s10 =	sadd.s32 s2, s10;
	s14 =	sadd.s32 s3, s0  }
.LBB2_1:
0x11: {  	[tilespmem:$0x10000] =	vst v0  }
0x12: {  	[tilespmem:s4], [sflag:$0x1] =	stream.linear.gather [hbm4b:s5+s4], $0x2000, $0x38;
	[tilespmem:$0x10080] =	vst v63  }
0x13: {  	s0 =	simm.s32 $0x8000  }
0x14: {  	[tilespmem:s0], [sflag:$0x1] =	stream.linear.gather [hbm4b:s6+s4], $0x2000, $0x38;
	[tilespmem:$0x10080] =	vst v63  }
0x15: {  	s19 =	simm.s32 $0x2000  }
0x16: {  	[tilespmem:s19], [sflag:$0x2] =	stream.linear.gather [hbm4b:s7+s4], $0x2000, $0x38;
	[tilespmem:$0x10080] =	vst v63  }
0x17: {  	s20 =	simm.s32 $0xA000  }
0x18: {  	[tilespmem:s20], [sflag:$0x2] =	stream.linear.gather [hbm4b:s8+s4], $0x2000, $0x38;
	[tilespmem:$0x10080] =	vst v63  }
0x19: {  	s21 =	simm.s32 $0x4000  }
0x1a: {  	[tilespmem:s21], [sflag:$0x3] =	stream.linear.gather [hbm4b:s9+s4], $0x2000, $0x38;
	[tilespmem:$0x10080] =	vst v63  }
0x1b: {  	s29 =	simm.s32 $0xC000;
	s0 =	simm.s32 $0x0  }
0x1c: {  	[tilespmem:s29], [sflag:$0x3] =	stream.linear.gather [hbm4b:s10+s4], $0x2000, $0x38;
	[tilespmem:$0x10080] =	vst v63  }
.LBB2_2:
0x1d: {  	_ =	swait.ge [sflag:s22], $0x2000  }
0x1e: {  	[sflag:s22] =	ssyncset.done $0x0  }
0x1f: {  	[sflag:s22] =	ssyncadd.s32 $0xFFFFE000  }
0x20: {  	s3 =	sshll.u32 s0, $0xC;
	_ =	swait.ge [sflag:s22], $0x2000  }
0x21: {  	s17 =	sor.u32 s16, s3;
	[sflag:s22] =	ssyncset.done $0x0  }
0x22: {  	s18 =	simm.s32 $0x0;
	s19 =	sadd.s32 s1, s17;
	[sflag:s22] =	ssyncadd.s32 $0xFFFFE000  }
0x23: {  	[tilespmem:s23], [sflag:$0x4] =	stream.linear.gather [hbm4b:s19+s18], $0x2000, $0x38;
	[tilespmem:$0x10080] =	vst v63  }
0x24: {  	s21 =	sand.u32 $0x1000, s18;
	s29 =	sand.u32 $0x380, s18;
	s17 =	sadd.s32 s2, s17  }
0x25: {  	[tilespmem:s24], [sflag:$0x4] =	stream.linear.gather [hbm4b:s17+s18], $0x2000, $0x38;
	[tilespmem:$0x10080] =	vst v63  }
0x26: {  	s17 =	sor.u32 s29, s21;
	v1 =	vld [tilespmem:$0x10000]  }
0x27: {  	v2 =	vld [tilespmem:s17+$0x8C00]  }
0x28: {  	v4 =	vld [tilespmem:s17+$0x0]  }
0x29: {  	s19 =	simm.s32 $0x200;
	v5 =	vld [tilespmem:s17+$0x8010]  }
.LBB2_3:
0x2a: {  	p0 =	sne.s32 s19, $0x1E00;
	v6 =	vld [tilespmem:s17+$0x10]  }
0x2b: {  	v3 =	vld [tilespmem:s17+$0x8000]  }
0x2c: {  	v7 =	vld [tilespmem:s17+$0x8020]  }
0x2d: {  	v8 =	vld [tilespmem:s17+$0x20]  }
0x2e: {  	v9 =	vld [tilespmem:s17+$0x8030]  }
0x2f: {  	v10 =	vld [tilespmem:s17+$0x30]  }
0x30: {  	v5 =	vsub.f32 v6, v5;
	v4 =	vsub.f32 v4, v3;
	v6 =	vld [tilespmem:s17+$0x8040]  }
0x31: {  	v11 =	vld [tilespmem:s17+$0x40]  }
0x32: {  	v5 =	vmul.f32 v5, v5;
	v4 =	vmul.f32 v4, v4;
	v7 =	vsub.f32 v8, v7;
	v8 =	vld [tilespmem:s17+$0x8050]  }
0x33: {  	v12 =	vld [tilespmem:s17+$0x50]  }
0x34: {  	v4 =	vadd.f32 v5, v4;
	v5 =	vmul.f32 v7, v7;
	v7 =	vsub.f32 v10, v9;
	v9 =	vld [tilespmem:s17+$0x8060]  }
0x35: {  	v10 =	vld [tilespmem:s17+$0x60]  }
0x36: {  	v4 =	vadd.f32 v5, v4;
	v5 =	vmul.f32 v7, v7;
	v6 =	vsub.f32 v11, v6;
	v7 =	vld [tilespmem:s17+$0x8070]  }
0x37: {  	v11 =	vld [tilespmem:s17+$0x70]  }
0x38: {  	v4 =	vadd.f32 v5, v4;
	v5 =	vmul.f32 v6, v6;
	v6 =	vsub.f32 v12, v8;
	v8 =	vld [tilespmem:s17+$0x8400]  }
0x39: {  	v12 =	vld [tilespmem:s17+$0x400]  }
0x3a: {  	v4 =	vadd.f32 v5, v4;
	v5 =	vmul.f32 v6, v6;
	v6 =	vsub.f32 v10, v9;
	v9 =	vld [tilespmem:s17+$0x8410]  }
0x3b: {  	v10 =	vld [tilespmem:s17+$0x410]  }
0x3c: {  	v4 =	vadd.f32 v5, v4;
	v5 =	vmul.f32 v6, v6;
	v6 =	vsub.f32 v11, v7;
	v7 =	vld [tilespmem:s17+$0x8420]  }
0x3d: {  	v11 =	vld [tilespmem:s17+$0x420]  }
0x3e: {  	v4 =	vadd.f32 v5, v4;
	v5 =	vmul.f32 v6, v6;
	v6 =	vsub.f32 v12, v8;
	v8 =	vld [tilespmem:s17+$0x8430]  }
0x3f: {  	v12 =	vld [tilespmem:s17+$0x430]  }
0x40: {  	v4 =	vadd.f32 v5, v4;
	v5 =	vmul.f32 v6, v6;
	v6 =	vsub.f32 v10, v9;
	v9 =	vld [tilespmem:s17+$0x8440]  }
0x41: {  	v10 =	vld [tilespmem:s17+$0x440]  }
0x42: {  	v4 =	vadd.f32 v5, v4;
	v5 =	vmul.f32 v6, v6;
	v6 =	vsub.f32 v11, v7;
	v7 =	vld [tilespmem:s17+$0x8450]  }
0x43: {  	v11 =	vld [tilespmem:s17+$0x450]  }
0x44: {  	v4 =	vadd.f32 v5, v4;
	v5 =	vmul.f32 v6, v6;
	v6 =	vsub.f32 v12, v8;
	v8 =	vld [tilespmem:s17+$0x8460]  }
0x45: {  	v12 =	vld [tilespmem:s17+$0x460]  }
0x46: {  	v4 =	vadd.f32 v5, v4;
	v5 =	vmul.f32 v6, v6;
	v6 =	vsub.f32 v10, v9;
	v9 =	vld [tilespmem:s17+$0x8470]  }
0x47: {  	v10 =	vld [tilespmem:s17+$0x470]  }
0x48: {  	v4 =	vadd.f32 v5, v4;
	v5 =	vmul.f32 v6, v6;
	v6 =	vsub.f32 v11, v7;
	v7 =	vld [tilespmem:s17+$0x8800]  }
0x49: {  	v11 =	vld [tilespmem:s17+$0x800]  }
0x4a: {  	v4 =	vadd.f32 v5, v4;
	v5 =	vmul.f32 v6, v6;
	v6 =	vsub.f32 v12, v8;
	v8 =	vld [tilespmem:s17+$0x8810]  }
0x4b: {  	v12 =	vld [tilespmem:s17+$0x810]  }
0x4c: {  	v4 =	vadd.f32 v5, v4;
	v5 =	vmul.f32 v6, v6;
	v6 =	vsub.f32 v10, v9;
	v9 =	vld [tilespmem:s17+$0x8820]  }
0x4d: {  	v10 =	vld [tilespmem:s17+$0x820]  }
0x4e: {  	v4 =	vadd.f32 v5, v4;
	v5 =	vmul.f32 v6, v6;
	v6 =	vsub.f32 v11, v7;
	v7 =	vld [tilespmem:s17+$0x8830]  }
0x4f: {  	v11 =	vld [tilespmem:s17+$0x830]  }
0x50: {  	v4 =	vadd.f32 v5, v4;
	v5 =	vmul.f32 v6, v6;
	v6 =	vsub.f32 v12, v8;
	v8 =	vld [tilespmem:s17+$0x8840]  }
0x51: {  	v12 =	vld [tilespmem:s17+$0x840]  }
0x52: {  	v4 =	vadd.f32 v5, v4;
	v5 =	vmul.f32 v6, v6;
	v6 =	vsub.f32 v10, v9;
	v9 =	vld [tilespmem:s17+$0x8850]  }
0x53: {  	v10 =	vld [tilespmem:s17+$0x850]  }
0x54: {  	v4 =	vadd.f32 v5, v4;
	v5 =	vmul.f32 v6, v6;
	v6 =	vsub.f32 v11, v7;
	v7 =	vld [tilespmem:s17+$0x8860]  }
0x55: {  	v11 =	vld [tilespmem:s17+$0x860]  }
0x56: {  	v4 =	vadd.f32 v5, v4;
	v5 =	vmul.f32 v6, v6;
	v6 =	vsub.f32 v12, v8;
	v8 =	vld [tilespmem:s17+$0x8870]  }
0x57: {  	v12 =	vld [tilespmem:s17+$0x870]  }
0x58: {  	v4 =	vadd.f32 v5, v4;
	v5 =	vmul.f32 v6, v6;
	v6 =	vsub.f32 v10, v9;
	v9 =	vld [tilespmem:s17+$0xC00];
	_ =	sdelay $0x1  }
0x59: {  	v4 =	vadd.f32 v5, v4;
	v5 =	vmul.f32 v6, v6;
	v6 =	vsub.f32 v11, v7;
	v7 =	vld [tilespmem:s17+$0x8C10]  }
0x5a: {  	v10 =	vld [tilespmem:s17+$0xC10]  }
0x5b: {  	v4 =	vadd.f32 v5, v4;
	v5 =	vmul.f32 v6, v6;
	v6 =	vsub.f32 v12, v8;
	v8 =	vld [tilespmem:s17+$0x8C20]  }
0x5c: {  	v2 =	vsub.f32 v9, v2;
	v9 =	vld [tilespmem:s17+$0xC20]  }
0x5d: {  	v4 =	vadd.f32 v5, v4;
	v5 =	vmul.f32 v6, v6;
	v6 =	vld [tilespmem:s17+$0x8C30];
	(v2sf) =	vpush v3, $0x0  }
0x5e: {  	v3 =	vld [tilespmem:s17+$0xC30]  }
0x5f: {  	v2 =	vmul.f32 v2, v2;
	v4 =	vadd.f32 v5, v4;
	v5 =	vsub.f32 v10, v7;
	v7 =	vld [tilespmem:s17+$0x8C40]  }
0x60: {  	v10 =	vld [tilespmem:s17+$0xC40]  }
0x61: {  	v2 =	vadd.f32 v2, v4;
	v4 =	vmul.f32 v5, v5;
	v5 =	vsub.f32 v9, v8;
	v8 =	vld [tilespmem:s17+$0x8C50]  }
0x62: {  	v9 =	vld [tilespmem:s17+$0xC50]  }
0x63: {  	v2 =	vadd.f32 v4, v2;
	v4 =	vmul.f32 v5, v5;
	v3 =	vsub.f32 v3, v6;
	v5 =	vld [tilespmem:s17+$0x8C60]  }
0x64: {  	v6 =	vld [tilespmem:s17+$0xC60]  }
0x65: {  	v2 =	vadd.f32 v4, v2;
	v3 =	vmul.f32 v3, v3;
	v4 =	vsub.f32 v10, v7;
	v7 =	vld [tilespmem:s17+$0x8C70]  }
0x66: {  	v10 =	vld [tilespmem:s17+$0xC70]  }
0x67: {  	v2 =	vadd.f32 v3, v2;
	v3 =	vmul.f32 v4, v4;
	v4 =	vsub.f32 v9, v8;
	_ =	sdelay $0x1  }
0x68: {  	v2 =	vadd.f32 v3, v2;
	v3 =	vmul.f32 v4, v4;
	v4 =	vsub.f32 v6, v5;
	_ =	sdelay $0x1  }
0x69: {  	v2 =	vadd.f32 v3, v2;
	v3 =	vmul.f32 v4, v4;
	v4 =	vsub.f32 v10, v7  }
0x6a: {  	s17 =	spop (v2sf)  }
0x6b: {  	v2 =	vadd.f32 v3, v2;
	v3 =	vmul.f32 v4, v4;
	p1 =	slt.f32 s17, $-1.000000000e+00  }
0x6c: {  	p2 =	sgt.f32 s17, $-1.000000000e+00;
	s17 =	simm.f32 $1.000000000e+00  }
0x6d: {  	v2 =	vadd.f32 v3, v2;
	s17 =	simm.s32 @!p1 $0x0  }
0x6e: {  	s17 =	simm.s32 @p2 $0x3F800000  }
0x6f: {  	v2 =	vmul.f32 s17, v2;
	_ =	sdelay $0x1  }
0x70: {  	s18 =	sadd.s32 $0x80, s18;
	v1 =	vadd.f32 v2, v1  }
.Ltmp0:
0x71: {  	s20 =	sand.u32 $0x380, s18;
	s17 =	sand.u32 $0x1000, s19;
	(pc) =	sbr.rel @p0 .LBB2_3-.Ltmp0, $4  }
0x72: {  	s17 =	sor.u32 s20, s17;
	[tilespmem:$0x10000] =	vst v1  }
0x73: {  	v2 =	vld [tilespmem:s17+$0x8C00]  }
0x74: {  	v4 =	vld [tilespmem:s17+$0x0]  }
0x75: {  	s19 =	sadd.s32 $0x200, s19;
	v5 =	vld [tilespmem:s17+$0x8010]  }
0x76: {  	v3 =	vld [tilespmem:s17+$0x10]  }
0x77: {  	v6 =	vld [tilespmem:s17+$0x8000]  }
0x78: {  	v7 =	vld [tilespmem:s17+$0x8020]  }
0x79: {  	v8 =	vld [tilespmem:s17+$0x20]  }
0x7a: {  	v9 =	vld [tilespmem:s17+$0x8030]  }
0x7b: {  	v10 =	vld [tilespmem:s17+$0x30]  }
0x7c: {  	v11 =	vld [tilespmem:s17+$0x40];
	v4 =	vsub.f32 v4, v6;
	v3 =	vsub.f32 v3, v5  }
0x7d: {  	v5 =	vld [tilespmem:s17+$0x8040]  }
0x7e: {  	v25 =	vld [tilespmem:s17+$0x8050];
	v7 =	vsub.f32 v8, v7;
	v4 =	vmul.f32 v4, v4;
	v3 =	vmul.f32 v3, v3  }
0x7f: {  	v12 =	vld [tilespmem:s17+$0x50]  }
0x80: {  	v26 =	vld [tilespmem:s17+$0x8060];
	v3 =	vadd.f32 v3, v4;
	v4 =	vmul.f32 v7, v7;
	v7 =	vsub.f32 v10, v9  }
0x81: {  	v27 =	vld [tilespmem:s17+$0x60]  }
0x82: {  	v28 =	vld [tilespmem:s17+$0x70];
	v5 =	vsub.f32 v11, v5;
	v3 =	vadd.f32 v4, v3;
	v4 =	vmul.f32 v7, v7  }
0x83: {  	v7 =	vld [tilespmem:s17+$0x8070]  }
0x84: {  	v29 =	vld [tilespmem:s17+$0x8400];
	v3 =	vadd.f32 v4, v3;
	v4 =	vmul.f32 v5, v5;
	v5 =	vsub.f32 v12, v25  }
0x85: {  	v30 =	vld [tilespmem:s17+$0x400]  }
0x86: {  	v31 =	vld [tilespmem:s17+$0x8410];
	v3 =	vadd.f32 v4, v3;
	v4 =	vmul.f32 v5, v5;
	v5 =	vsub.f32 v27, v26  }
0x87: {  	v32 =	vld [tilespmem:s17+$0x410]  }
0x88: {  	v33 =	vld [tilespmem:s17+$0x420];
	v3 =	vadd.f32 v4, v3;
	v4 =	vmul.f32 v5, v5;
	v5 =	vsub.f32 v28, v7  }
0x89: {  	v7 =	vld [tilespmem:s17+$0x8420]  }
0x8a: {  	v34 =	vld [tilespmem:s17+$0x8430];
	v3 =	vadd.f32 v4, v3;
	v4 =	vmul.f32 v5, v5;
	v5 =	vsub.f32 v30, v29  }
0x8b: {  	v35 =	vld [tilespmem:s17+$0x430]  }
0x8c: {  	v36 =	vld [tilespmem:s17+$0x8440];
	v3 =	vadd.f32 v4, v3;
	v4 =	vmul.f32 v5, v5;
	v5 =	vsub.f32 v32, v31  }
0x8d: {  	v37 =	vld [tilespmem:s17+$0x440]  }
0x8e: {  	v38 =	vld [tilespmem:s17+$0x450];
	v3 =	vadd.f32 v4, v3;
	v4 =	vmul.f32 v5, v5;
	v5 =	vsub.f32 v33, v7  }
0x8f: {  	v7 =	vld [tilespmem:s17+$0x8450]  }
0x90: {  	v39 =	vld [tilespmem:s17+$0x8460];
	v3 =	vadd.f32 v4, v3;
	v4 =	vmul.f32 v5, v5;
	v5 =	vsub.f32 v35, v34  }
0x91: {  	v40 =	vld [tilespmem:s17+$0x460]  }
0x92: {  	v41 =	vld [tilespmem:s17+$0x8470];
	v3 =	vadd.f32 v4, v3;
	v4 =	vmul.f32 v5, v5;
	v5 =	vsub.f32 v37, v36  }
0x93: {  	v42 =	vld [tilespmem:s17+$0x470]  }
0x94: {  	v43 =	vld [tilespmem:s17+$0x800];
	v3 =	vadd.f32 v4, v3;
	v4 =	vmul.f32 v5, v5;
	v5 =	vsub.f32 v38, v7  }
0x95: {  	v7 =	vld [tilespmem:s17+$0x8800]  }
0x96: {  	v44 =	vld [tilespmem:s17+$0x8810];
	v3 =	vadd.f32 v4, v3;
	v4 =	vmul.f32 v5, v5;
	v5 =	vsub.f32 v40, v39  }
0x97: {  	v45 =	vld [tilespmem:s17+$0x810]  }
0x98: {  	v46 =	vld [tilespmem:s17+$0x8820];
	v3 =	vadd.f32 v4, v3;
	v4 =	vmul.f32 v5, v5;
	v5 =	vsub.f32 v42, v41  }
0x99: {  	v47 =	vld [tilespmem:s17+$0x820]  }
0x9a: {  	v48 =	vld [tilespmem:s17+$0x830];
	v3 =	vadd.f32 v4, v3;
	v4 =	vmul.f32 v5, v5;
	v5 =	vsub.f32 v43, v7  }
0x9b: {  	v7 =	vld [tilespmem:s17+$0x8830]  }
0x9c: {  	v49 =	vld [tilespmem:s17+$0x8840];
	v3 =	vadd.f32 v4, v3;
	v4 =	vmul.f32 v5, v5;
	v5 =	vsub.f32 v45, v44  }
0x9d: {  	v50 =	vld [tilespmem:s17+$0x840]  }
0x9e: {  	v51 =	vld [tilespmem:s17+$0x8850];
	v3 =	vadd.f32 v4, v3;
	v4 =	vmul.f32 v5, v5;
	v5 =	vsub.f32 v47, v46  }
0x9f: {  	v52 =	vld [tilespmem:s17+$0x850]  }
0xa0: {  	v53 =	vld [tilespmem:s17+$0x860];
	v3 =	vadd.f32 v4, v3;
	v4 =	vmul.f32 v5, v5;
	v5 =	vsub.f32 v48, v7  }
0xa1: {  	v7 =	vld [tilespmem:s17+$0x8860]  }
0xa2: {  	v54 =	vld [tilespmem:s17+$0x8870];
	v3 =	vadd.f32 v4, v3;
	v4 =	vmul.f32 v5, v5;
	v5 =	vsub.f32 v50, v49  }
0xa3: {  	v55 =	vld [tilespmem:s17+$0x870]  }
0xa4: {  	v56 =	vld [tilespmem:s17+$0xC00];
	v3 =	vadd.f32 v4, v3;
	v4 =	vmul.f32 v5, v5;
	v5 =	vsub.f32 v52, v51;
	_ =	sdelay $0x1  }
0xa5: {  	v57 =	vld [tilespmem:s17+$0xC10];
	v3 =	vadd.f32 v4, v3;
	v4 =	vmul.f32 v5, v5;
	v5 =	vsub.f32 v53, v7  }
0xa6: {  	v7 =	vld [tilespmem:s17+$0x8C10]  }
0xa7: {  	v58 =	vld [tilespmem:s17+$0x8C20];
	v3 =	vadd.f32 v4, v3;
	v4 =	vmul.f32 v5, v5;
	v5 =	vsub.f32 v55, v54  }
0xa8: {  	v59 =	vld [tilespmem:s17+$0xC20];
	v2 =	vsub.f32 v56, v2  }
0xa9: {  	(v2sf) =	vpush v6, $0x0;
	v6 =	vld [tilespmem:s17+$0xC30];
	v3 =	vadd.f32 v4, v3;
	v4 =	vmul.f32 v5, v5  }
0xaa: {  	v5 =	vld [tilespmem:s17+$0x8C30]  }
0xab: {  	v60 =	vld [tilespmem:s17+$0xC40];
	v2 =	vmul.f32 v2, v2;
	v3 =	vadd.f32 v4, v3;
	v4 =	vsub.f32 v57, v7  }
0xac: {  	v7 =	vld [tilespmem:s17+$0x8C40]  }
0xad: {  	v61 =	vld [tilespmem:s17+$0x8C50];
	v2 =	vadd.f32 v2, v3;
	v3 =	vmul.f32 v4, v4;
	v4 =	vsub.f32 v59, v58  }
0xae: {  	v62 =	vld [tilespmem:s17+$0xC50]  }
0xaf: {  	v2 =	vadd.f32 v3, v2;
	v3 =	vmul.f32 v4, v4;
	v4 =	vsub.f32 v6, v5;
	v5 =	vld [tilespmem:s17+$0x8C60]  }
0xb0: {  	v6 =	vld [tilespmem:s17+$0xC60]  }
0xb1: {  	v63 =	vld [tilespmem:s17+$0xC70];
	v2 =	vadd.f32 v3, v2;
	v3 =	vmul.f32 v4, v4;
	v4 =	vsub.f32 v60, v7  }
0xb2: {  	v7 =	vld [tilespmem:s17+$0x8C70]  }
0xb3: {  	v2 =	vadd.f32 v3, v2;
	v3 =	vmul.f32 v4, v4;
	v4 =	vsub.f32 v62, v61;
	_ =	sdelay $0x1  }
0xb4: {  	v2 =	vadd.f32 v3, v2;
	v3 =	vmul.f32 v4, v4;
	v4 =	vsub.f32 v6, v5;
	_ =	sdelay $0x1  }
0xb5: {  	v2 =	vadd.f32 v3, v2;
	v3 =	vmul.f32 v4, v4;
	v4 =	vsub.f32 v63, v7  }
0xb6: {  	s21 =	spop (v2sf)  }
0xb7: {  	p0 =	slt.f32 s21, $-1.000000000e+00;
	v2 =	vadd.f32 v3, v2;
	v3 =	vmul.f32 v4, v4  }
0xb8: {  	p1 =	sgt.f32 s21, $-1.000000000e+00;
	s17 =	simm.f32 $1.000000000e+00  }
0xb9: {  	s17 =	simm.s32 @!p0 $0x0;
	v2 =	vadd.f32 v3, v2  }
0xba: {  	s17 =	simm.s32 @p1 $0x3F800000  }
0xbb: {  	v2 =	vmul.f32 s17, v2;
	_ =	sdelay $0x1  }
0xbc: {  	v1 =	vadd.f32 v2, v1;
	_ =	sdelay $0x1  }
0xbd: {  	[tilespmem:$0x10000] =	vst v1  }
0xbe: {  	_ =	swait.ge [sflag:s25], $0x2000  }
0xbf: {  	[sflag:s25] =	ssyncset.done $0x0  }
0xc0: {  	[sflag:s25] =	ssyncadd.s32 $0xFFFFE000  }
0xc1: {  	p0 =	seq.s32 s0, $0xF;
	_ =	swait.ge [sflag:s25], $0x2000  }
0xc2: {  	s17 =	sadd.s32 @!p0 s3, s11;
	[sflag:s25] =	ssyncset.done $0x0  }
0xc3: {  	s19 =	simm.s32 @!p0 $0x0;
	s18 =	sadd.s32 @!p0 s1, s17;
	[sflag:s25] =	ssyncadd.s32 $0xFFFFE000  }
0xc4: {  	[tilespmem:s19], [sflag:$0x1] =	stream.linear.gather @!p0 [hbm4b:s18+s19], $0x2000, $0x38;
	[tilespmem:$0x10080] =	vst v63  }
0xc5: {  	s17 =	sadd.s32 @!p0 s2, s17;
	s18 =	simm.s32 @!p0 $0x8000  }
0xc6: {  	[tilespmem:s18], [sflag:$0x1] =	stream.linear.gather @!p0 [hbm4b:s17+s19], $0x2000, $0x38;
	[tilespmem:$0x10080] =	vst v63  }
0xc7: {  	s19 =	simm.s32 $0x0  }
0xc8: {  	s20 =	sand.u32 $0x1000, s19;
	s21 =	sand.u32 $0x380, s19  }
0xc9: {  	s29 =	sand.u32 $0xFFFFF000, s19;
	v1 =	vld [tilespmem:$0x10000];
	s20 =	sor.u32 s21, s20  }
0xca: {  	s17 =	sadd.s32 $0x0, s29;
	v4 =	vld [tilespmem:s20+$0x2000]  }
0xcb: {  	s18 =	sor.u32 $0x2C00, s17;
	v5 =	vld [tilespmem:s20+$0xA010]  }
0xcc: {  	s21 =	simm.s32 $0x200;
	v2 =	vld [tilespmem:s18+$0x8000]  }
.LBB2_5:
0xcd: {  	p1 =	sne.s32 s21, $0x1E00;
	v6 =	vld [tilespmem:s20+$0x2010]  }
0xce: {  	v3 =	vld [tilespmem:s20+$0xA000]  }
0xcf: {  	v7 =	vld [tilespmem:s20+$0xA020]  }
0xd0: {  	v8 =	vld [tilespmem:s20+$0x2020]  }
0xd1: {  	v9 =	vld [tilespmem:s20+$0xA030]  }
0xd2: {  	v10 =	vld [tilespmem:s20+$0x2030]  }
0xd3: {  	v5 =	vsub.f32 v6, v5;
	v4 =	vsub.f32 v4, v3;
	v6 =	vld [tilespmem:s20+$0xA040]  }
0xd4: {  	v11 =	vld [tilespmem:s20+$0x2040]  }
0xd5: {  	v5 =	vmul.f32 v5, v5;
	v4 =	vmul.f32 v4, v4;
	v7 =	vsub.f32 v8, v7;
	v8 =	vld [tilespmem:s20+$0xA050]  }
0xd6: {  	v12 =	vld [tilespmem:s20+$0x2050]  }
0xd7: {  	v4 =	vadd.f32 v5, v4;
	v5 =	vmul.f32 v7, v7;
	v7 =	vsub.f32 v10, v9;
	v9 =	vld [tilespmem:s20+$0xA060]  }
0xd8: {  	v10 =	vld [tilespmem:s20+$0x2060]  }
0xd9: {  	v4 =	vadd.f32 v5, v4;
	v5 =	vmul.f32 v7, v7;
	v6 =	vsub.f32 v11, v6;
	v7 =	vld [tilespmem:s20+$0xA070]  }
0xda: {  	s29 =	sor.u32 $0x2400, s17;
	v11 =	vld [tilespmem:s20+$0x2070]  }
0xdb: {  	v4 =	vadd.f32 v5, v4;
	v5 =	vmul.f32 v6, v6;
	v6 =	vsub.f32 v12, v8;
	v8 =	vld [tilespmem:s29+$0x8000]  }
0xdc: {  	v12 =	vld [tilespmem:s29+$0x0];
	s29 =	sor.u32 $0x2410, s17  }
0xdd: {  	v4 =	vadd.f32 v5, v4;
	v5 =	vmul.f32 v6, v6;
	v6 =	vsub.f32 v10, v9;
	v9 =	vld [tilespmem:s29+$0x8000]  }
0xde: {  	v10 =	vld [tilespmem:s29+$0x0];
	s29 =	sor.u32 $0x2420, s17  }
0xdf: {  	v4 =	vadd.f32 v5, v4;
	v5 =	vmul.f32 v6, v6;
	v6 =	vsub.f32 v11, v7;
	v7 =	vld [tilespmem:s29+$0x8000]  }
0xe0: {  	v11 =	vld [tilespmem:s29+$0x0];
	s29 =	sor.u32 $0x2430, s17  }
0xe1: {  	v4 =	vadd.f32 v5, v4;
	v5 =	vmul.f32 v6, v6;
	v6 =	vsub.f32 v12, v8;
	v8 =	vld [tilespmem:s29+$0x8000]  }
0xe2: {  	v12 =	vld [tilespmem:s29+$0x0];
	s29 =	sor.u32 $0x2440, s17  }
0xe3: {  	v4 =	vadd.f32 v5, v4;
	v5 =	vmul.f32 v6, v6;
	v6 =	vsub.f32 v10, v9;
	v9 =	vld [tilespmem:s29+$0x8000]  }
0xe4: {  	v10 =	vld [tilespmem:s29+$0x0];
	s29 =	sor.u32 $0x2450, s17  }
0xe5: {  	v4 =	vadd.f32 v5, v4;
	v5 =	vmul.f32 v6, v6;
	v6 =	vsub.f32 v11, v7;
	v7 =	vld [tilespmem:s29+$0x8000]  }
0xe6: {  	v11 =	vld [tilespmem:s29+$0x0];
	s29 =	sor.u32 $0x2460, s17  }
0xe7: {  	v4 =	vadd.f32 v5, v4;
	v5 =	vmul.f32 v6, v6;
	v6 =	vsub.f32 v12, v8;
	v8 =	vld [tilespmem:s29+$0x8000]  }
0xe8: {  	v12 =	vld [tilespmem:s29+$0x0];
	s29 =	sor.u32 $0x2470, s17  }
0xe9: {  	v4 =	vadd.f32 v5, v4;
	v5 =	vmul.f32 v6, v6;
	v6 =	vsub.f32 v10, v9;
	v9 =	vld [tilespmem:s29+$0x8000]  }
0xea: {  	v10 =	vld [tilespmem:s29+$0x0]  }
0xeb: {  	v4 =	vadd.f32 v5, v4;
	v5 =	vmul.f32 v6, v6;
	v6 =	vsub.f32 v11, v7;
	v7 =	vld [tilespmem:s20+$0xA800]  }
0xec: {  	v11 =	vld [tilespmem:s20+$0x2800]  }
0xed: {  	v4 =	vadd.f32 v5, v4;
	v5 =	vmul.f32 v6, v6;
	v6 =	vsub.f32 v12, v8;
	v8 =	vld [tilespmem:s20+$0xA810]  }
0xee: {  	v12 =	vld [tilespmem:s20+$0x2810]  }
0xef: {  	v4 =	vadd.f32 v5, v4;
	v5 =	vmul.f32 v6, v6;
	v6 =	vsub.f32 v10, v9;
	v9 =	vld [tilespmem:s20+$0xA820]  }
0xf0: {  	v10 =	vld [tilespmem:s20+$0x2820]  }
0xf1: {  	v4 =	vadd.f32 v5, v4;
	v5 =	vmul.f32 v6, v6;
	v6 =	vsub.f32 v11, v7;
	v7 =	vld [tilespmem:s20+$0xA830]  }
0xf2: {  	v11 =	vld [tilespmem:s20+$0x2830]  }
0xf3: {  	v4 =	vadd.f32 v5, v4;
	v5 =	vmul.f32 v6, v6;
	v6 =	vsub.f32 v12, v8;
	v8 =	vld [tilespmem:s20+$0xA840]  }
0xf4: {  	v12 =	vld [tilespmem:s20+$0x2840]  }
0xf5: {  	v4 =	vadd.f32 v5, v4;
	v5 =	vmul.f32 v6, v6;
	v6 =	vsub.f32 v10, v9;
	v9 =	vld [tilespmem:s20+$0xA850]  }
0xf6: {  	v10 =	vld [tilespmem:s20+$0x2850]  }
0xf7: {  	v4 =	vadd.f32 v5, v4;
	v5 =	vmul.f32 v6, v6;
	v6 =	vsub.f32 v11, v7;
	v7 =	vld [tilespmem:s20+$0xA860]  }
0xf8: {  	v11 =	vld [tilespmem:s20+$0x2860]  }
0xf9: {  	v4 =	vadd.f32 v5, v4;
	v5 =	vmul.f32 v6, v6;
	v6 =	vsub.f32 v12, v8;
	v8 =	vld [tilespmem:s20+$0xA870]  }
0xfa: {  	v12 =	vld [tilespmem:s20+$0x2870]  }
0xfb: {  	v4 =	vadd.f32 v5, v4;
	v5 =	vmul.f32 v6, v6;
	v6 =	vsub.f32 v10, v9;
	v9 =	vld [tilespmem:s18+$0x0]  }
0xfc: {  	s18 =	sor.u32 $0x2C10, s17  }
0xfd: {  	v4 =	vadd.f32 v5, v4;
	v5 =	vmul.f32 v6, v6;
	v6 =	vsub.f32 v11, v7;
	v7 =	vld [tilespmem:s18+$0x8000]  }
0xfe: {  	v10 =	vld [tilespmem:s18+$0x0];
	s18 =	sor.u32 $0x2C20, s17  }
0xff: {  	v4 =	vadd.f32 v5, v4;
	v5 =	vmul.f32 v6, v6;
	v6 =	vsub.f32 v12, v8;
	v8 =	vld [tilespmem:s18+$0x8000]  }
0x100: {  	v2 =	vsub.f32 v9, v2;
	v9 =	vld [tilespmem:s18+$0x0];
	s18 =	sor.u32 $0x2C30, s17  }
0x101: {  	v4 =	vadd.f32 v5, v4;
	v5 =	vmul.f32 v6, v6;
	v6 =	vld [tilespmem:s18+$0x8000];
	(v2sf) =	vpush v3, $0x0  }
0x102: {  	v3 =	vld [tilespmem:s18+$0x0];
	s18 =	sor.u32 $0x2C40, s17  }
0x103: {  	v2 =	vmul.f32 v2, v2;
	v4 =	vadd.f32 v5, v4;
	v5 =	vsub.f32 v10, v7;
	v7 =	vld [tilespmem:s18+$0x8000]  }
0x104: {  	v10 =	vld [tilespmem:s18+$0x0];
	s18 =	sor.u32 $0x2C50, s17  }
0x105: {  	v2 =	vadd.f32 v2, v4;
	v4 =	vmul.f32 v5, v5;
	v5 =	vsub.f32 v9, v8;
	v8 =	vld [tilespmem:s18+$0x8000]  }
0x106: {  	v9 =	vld [tilespmem:s18+$0x0];
	s18 =	sor.u32 $0x2C60, s17  }
0x107: {  	v2 =	vadd.f32 v4, v2;
	v4 =	vmul.f32 v5, v5;
	v3 =	vsub.f32 v3, v6;
	v5 =	vld [tilespmem:s18+$0x8000]  }
0x108: {  	s17 =	sor.u32 $0x2C70, s17;
	v6 =	vld [tilespmem:s18+$0x0]  }
0x109: {  	v2 =	vadd.f32 v4, v2;
	v3 =	vmul.f32 v3, v3;
	v4 =	vsub.f32 v10, v7;
	v7 =	vld [tilespmem:s17+$0x8000]  }
0x10a: {  	v10 =	vld [tilespmem:s17+$0x0]  }
0x10b: {  	v2 =	vadd.f32 v3, v2;
	v3 =	vmul.f32 v4, v4;
	v4 =	vsub.f32 v9, v8;
	_ =	sdelay $0x1  }
0x10c: {  	v2 =	vadd.f32 v3, v2;
	v3 =	vmul.f32 v4, v4;
	v4 =	vsub.f32 v6, v5;
	_ =	sdelay $0x1  }
0x10d: {  	v2 =	vadd.f32 v3, v2;
	v3 =	vmul.f32 v4, v4;
	v4 =	vsub.f32 v10, v7  }
0x10e: {  	s17 =	spop (v2sf)  }
0x10f: {  	v2 =	vadd.f32 v3, v2;
	v3 =	vmul.f32 v4, v4;
	p2 =	slt.f32 s17, $-1.000000000e+00  }
0x110: {  	p3 =	sgt.f32 s17, $-1.000000000e+00;
	s17 =	simm.f32 $1.000000000e+00  }
0x111: {  	v2 =	vadd.f32 v3, v2;
	s17 =	simm.s32 @!p2 $0x0  }
0x112: {  	s17 =	simm.s32 @p3 $0x3F800000  }
0x113: {  	v2 =	vmul.f32 s17, v2;
	_ =	sdelay $0x1  }
0x114: {  	s19 =	sadd.s32 $0x80, s19;
	s17 =	sand.u32 $0xFFFFF000, s21;
	v1 =	vadd.f32 v2, v1  }
.Ltmp1:
0x115: {  	s17 =	sadd.s32 s17, s19;
	(pc) =	sbr.rel @p1 .LBB2_5-.Ltmp1, $4  }
0x116: {  	s29 =	sand.u32 $0x380, s19;
	s20 =	sand.u32 $0x1000, s21;
	s18 =	sor.u32 $0x2C00, s17;
	[tilespmem:$0x10000] =	vst v1  }
0x117: {  	s20 =	sor.u32 s29, s20;
	v2 =	vld [tilespmem:s18+$0x8000]  }
0x118: {  	v4 =	vld [tilespmem:s20+$0x2000]  }
0x119: {  	s21 =	sadd.s32 $0x200, s21;
	v5 =	vld [tilespmem:s20+$0xA010]  }
0x11a: {  	v6 =	vld [tilespmem:s20+$0x2010]  }
0x11b: {  	v3 =	vld [tilespmem:s20+$0xA000]  }
0x11c: {  	v7 =	vld [tilespmem:s20+$0xA020]  }
0x11d: {  	v8 =	vld [tilespmem:s20+$0x2020]  }
0x11e: {  	v9 =	vld [tilespmem:s20+$0xA030]  }
0x11f: {  	v10 =	vld [tilespmem:s20+$0x2030]  }
0x120: {  	v11 =	vld [tilespmem:s20+$0x2040];
	v4 =	vsub.f32 v4, v3;
	v5 =	vsub.f32 v6, v5  }
0x121: {  	v6 =	vld [tilespmem:s20+$0xA040]  }
0x122: {  	v25 =	vld [tilespmem:s20+$0xA050];
	v7 =	vsub.f32 v8, v7;
	v4 =	vmul.f32 v4, v4;
	v5 =	vmul.f32 v5, v5  }
0x123: {  	v12 =	vld [tilespmem:s20+$0x2050]  }
0x124: {  	v26 =	vld [tilespmem:s20+$0xA060];
	v4 =	vadd.f32 v5, v4;
	v5 =	vmul.f32 v7, v7;
	v7 =	vsub.f32 v10, v9  }
0x125: {  	v27 =	vld [tilespmem:s20+$0x2060]  }
0x126: {  	v28 =	vld [tilespmem:s20+$0x2070];
	v6 =	vsub.f32 v11, v6;
	v4 =	vadd.f32 v5, v4;
	v5 =	vmul.f32 v7, v7  }
0x127: {  	s19 =	sor.u32 $0x2400, s17;
	v7 =	vld [tilespmem:s20+$0xA070]  }
0x128: {  	v29 =	vld [tilespmem:s19+$0x8000];
	v4 =	vadd.f32 v5, v4;
	v5 =	vmul.f32 v6, v6;
	v6 =	vsub.f32 v12, v25  }
0x129: {  	s29 =	sor.u32 $0x2410, s17;
	v30 =	vld [tilespmem:s19+$0x0]  }
0x12a: {  	v31 =	vld [tilespmem:s29+$0x8000];
	v4 =	vadd.f32 v5, v4;
	v5 =	vmul.f32 v6, v6;
	v6 =	vsub.f32 v27, v26  }
0x12b: {  	s21 =	sor.u32 $0x2420, s17;
	v32 =	vld [tilespmem:s29+$0x0]  }
0x12c: {  	v33 =	vld [tilespmem:s21+$0x0];
	v4 =	vadd.f32 v5, v4;
	v5 =	vmul.f32 v6, v6;
	v6 =	vsub.f32 v28, v7  }
0x12d: {  	s29 =	sor.u32 $0x2430, s17;
	v7 =	vld [tilespmem:s21+$0x8000]  }
0x12e: {  	v34 =	vld [tilespmem:s29+$0x8000];
	v4 =	vadd.f32 v5, v4;
	v5 =	vmul.f32 v6, v6;
	v6 =	vsub.f32 v30, v29  }
0x12f: {  	v35 =	vld [tilespmem:s29+$0x0];
	s21 =	sor.u32 $0x2440, s17  }
0x130: {  	v36 =	vld [tilespmem:s21+$0x8000];
	v4 =	vadd.f32 v5, v4;
	v5 =	vmul.f32 v6, v6;
	v6 =	vsub.f32 v32, v31  }
0x131: {  	s29 =	sor.u32 $0x2450, s17;
	v37 =	vld [tilespmem:s21+$0x0]  }
0x132: {  	v38 =	vld [tilespmem:s29+$0x0];
	v4 =	vadd.f32 v5, v4;
	v5 =	vmul.f32 v6, v6;
	v6 =	vsub.f32 v33, v7  }
0x133: {  	s21 =	sor.u32 $0x2460, s17;
	v7 =	vld [tilespmem:s29+$0x8000]  }
0x134: {  	v39 =	vld [tilespmem:s21+$0x8000];
	v4 =	vadd.f32 v5, v4;
	v5 =	vmul.f32 v6, v6;
	v6 =	vsub.f32 v35, v34  }
0x135: {  	v40 =	vld [tilespmem:s21+$0x0];
	s29 =	sor.u32 $0x2470, s17  }
0x136: {  	v41 =	vld [tilespmem:s29+$0x8000];
	v4 =	vadd.f32 v5, v4;
	v5 =	vmul.f32 v6, v6;
	v6 =	vsub.f32 v37, v36  }
0x137: {  	v42 =	vld [tilespmem:s29+$0x0]  }
0x138: {  	v43 =	vld [tilespmem:s20+$0x2800];
	v4 =	vadd.f32 v5, v4;
	v5 =	vmul.f32 v6, v6;
	v6 =	vsub.f32 v38, v7  }
0x139: {  	v7 =	vld [tilespmem:s20+$0xA800]  }
0x13a: {  	v44 =	vld [tilespmem:s20+$0xA810];
	v4 =	vadd.f32 v5, v4;
	v5 =	vmul.f32 v6, v6;
	v6 =	vsub.f32 v40, v39  }
0x13b: {  	v45 =	vld [tilespmem:s20+$0x2810]  }
0x13c: {  	v46 =	vld [tilespmem:s20+$0xA820];
	v4 =	vadd.f32 v5, v4;
	v5 =	vmul.f32 v6, v6;
	v6 =	vsub.f32 v42, v41  }
0x13d: {  	v47 =	vld [tilespmem:s20+$0x2820]  }
0x13e: {  	v48 =	vld [tilespmem:s20+$0x2830];
	v4 =	vadd.f32 v5, v4;
	v5 =	vmul.f32 v6, v6;
	v6 =	vsub.f32 v43, v7  }
0x13f: {  	v7 =	vld [tilespmem:s20+$0xA830]  }
0x140: {  	v49 =	vld [tilespmem:s20+$0xA840];
	v4 =	vadd.f32 v5, v4;
	v5 =	vmul.f32 v6, v6;
	v6 =	vsub.f32 v45, v44  }
0x141: {  	v50 =	vld [tilespmem:s20+$0x2840]  }
0x142: {  	v51 =	vld [tilespmem:s20+$0xA850];
	v4 =	vadd.f32 v5, v4;
	v5 =	vmul.f32 v6, v6;
	v6 =	vsub.f32 v47, v46  }
0x143: {  	v52 =	vld [tilespmem:s20+$0x2850]  }
0x144: {  	v53 =	vld [tilespmem:s20+$0x2860];
	v4 =	vadd.f32 v5, v4;
	v5 =	vmul.f32 v6, v6;
	v6 =	vsub.f32 v48, v7  }
0x145: {  	v7 =	vld [tilespmem:s20+$0xA860]  }
0x146: {  	v54 =	vld [tilespmem:s20+$0xA870];
	v4 =	vadd.f32 v5, v4;
	v5 =	vmul.f32 v6, v6;
	v6 =	vsub.f32 v50, v49  }
0x147: {  	v55 =	vld [tilespmem:s20+$0x2870]  }
0x148: {  	v56 =	vld [tilespmem:s18+$0x0];
	v4 =	vadd.f32 v5, v4;
	v5 =	vmul.f32 v6, v6;
	v6 =	vsub.f32 v52, v51  }
0x149: {  	s21 =	sor.u32 $0x2C10, s17  }
0x14a: {  	v57 =	vld [tilespmem:s21+$0x0];
	v4 =	vadd.f32 v5, v4;
	v5 =	vmul.f32 v6, v6;
	v6 =	vsub.f32 v53, v7  }
0x14b: {  	s29 =	sor.u32 $0x2C20, s17;
	v7 =	vld [tilespmem:s21+$0x8000]  }
0x14c: {  	v58 =	vld [tilespmem:s29+$0x8000];
	v4 =	vadd.f32 v5, v4;
	v5 =	vmul.f32 v6, v6;
	v6 =	vsub.f32 v55, v54  }
0x14d: {  	s19 =	sor.u32 $0x2C30, s17;
	v2 =	vsub.f32 v56, v2;
	v59 =	vld [tilespmem:s29+$0x0]  }
0x14e: {  	(v2sf) =	vpush v3, $0x0;
	v3 =	vld [tilespmem:s19+$0x0];
	v4 =	vadd.f32 v5, v4;
	v5 =	vmul.f32 v6, v6  }
0x14f: {  	s20 =	sor.u32 $0x2C40, s17;
	v6 =	vld [tilespmem:s19+$0x8000]  }
0x150: {  	v2 =	vmul.f32 v2, v2;
	v60 =	vld [tilespmem:s20+$0x0];
	v4 =	vadd.f32 v5, v4;
	v5 =	vsub.f32 v57, v7  }
0x151: {  	s21 =	sor.u32 $0x2C50, s17;
	v7 =	vld [tilespmem:s20+$0x8000]  }
0x152: {  	v61 =	vld [tilespmem:s21+$0x8000];
	v2 =	vadd.f32 v2, v4;
	v4 =	vmul.f32 v5, v5;
	v5 =	vsub.f32 v59, v58  }
0x153: {  	s29 =	sor.u32 $0x2C60, s17;
	v62 =	vld [tilespmem:s21+$0x0]  }
0x154: {  	v3 =	vsub.f32 v3, v6;
	v6 =	vld [tilespmem:s29+$0x0];
	v2 =	vadd.f32 v4, v2;
	v4 =	vmul.f32 v5, v5  }
0x155: {  	s19 =	sor.u32 $0x2C70, s17;
	v5 =	vld [tilespmem:s29+$0x8000]  }
0x156: {  	v63 =	vld [tilespmem:s19+$0x0];
	v3 =	vmul.f32 v3, v3;
	v2 =	vadd.f32 v4, v2;
	v4 =	vsub.f32 v60, v7  }
0x157: {  	v7 =	vld [tilespmem:s19+$0x8000]  }
0x158: {  	v2 =	vadd.f32 v3, v2;
	v3 =	vmul.f32 v4, v4;
	v4 =	vsub.f32 v62, v61;
	_ =	sdelay $0x1  }
0x159: {  	v2 =	vadd.f32 v3, v2;
	v3 =	vmul.f32 v4, v4;
	v4 =	vsub.f32 v6, v5;
	_ =	sdelay $0x1  }
0x15a: {  	v2 =	vadd.f32 v3, v2;
	v3 =	vmul.f32 v4, v4;
	v4 =	vsub.f32 v63, v7  }
0x15b: {  	s20 =	spop (v2sf)  }
0x15c: {  	p1 =	slt.f32 s20, $-1.000000000e+00;
	v2 =	vadd.f32 v3, v2;
	v3 =	vmul.f32 v4, v4  }
0x15d: {  	s17 =	simm.f32 $1.000000000e+00;
	p2 =	sgt.f32 s20, $-1.000000000e+00  }
0x15e: {  	s17 =	simm.s32 @!p1 $0x0;
	v2 =	vadd.f32 v3, v2  }
0x15f: {  	s17 =	simm.s32 @p2 $0x3F800000  }
0x160: {  	v2 =	vmul.f32 s17, v2;
	_ =	sdelay $0x1  }
0x161: {  	v1 =	vadd.f32 v2, v1;
	_ =	sdelay $0x1  }
0x162: {  	[tilespmem:$0x10000] =	vst v1  }
0x163: {  	_ =	swait.ge [sflag:s26], $0x2000  }
0x164: {  	[sflag:s26] =	ssyncset.done $0x0  }
0x165: {  	[sflag:s26] =	ssyncadd.s32 $0xFFFFE000  }
0x166: {  	_ =	swait.ge [sflag:s26], $0x2000  }
0x167: {  	s20 =	simm.s32 @!p0 $0x2000;
	s17 =	sadd.s32 @!p0 s3, s12;
	[sflag:s26] =	ssyncset.done $0x0  }
0x168: {  	s19 =	simm.s32 @!p0 $0x0;
	s18 =	sadd.s32 @!p0 s1, s17;
	[sflag:s26] =	ssyncadd.s32 $0xFFFFE000  }
0x169: {  	[tilespmem:s20], [sflag:$0x2] =	stream.linear.gather @!p0 [hbm4b:s18+s19], $0x2000, $0x38;
	[tilespmem:$0x10080] =	vst v63  }
0x16a: {  	s17 =	sadd.s32 @!p0 s2, s17;
	s18 =	simm.s32 @!p0 $0xA000  }
0x16b: {  	[tilespmem:s18], [sflag:$0x2] =	stream.linear.gather @!p0 [hbm4b:s17+s19], $0x2000, $0x38;
	[tilespmem:$0x10080] =	vst v63  }
0x16c: {  	s19 =	simm.s32 $0x0  }
0x16d: {  	s21 =	sand.u32 $0xFFFFF000, s19  }
0x16e: {  	s17 =	sadd.s32 $0x0, s21  }
0x16f: {  	v1 =	vld [tilespmem:$0x10000];
	s29 =	sand.u32 $0x1000, s19;
	s21 =	sand.u32 $0x380, s19;
	s18 =	sor.u32 $0x4C00, s17  }
0x170: {  	s20 =	sor.u32 s21, s29;
	v2 =	vld [tilespmem:s18+$0x8000]  }
0x171: {  	v4 =	vld [tilespmem:s20+$0x4000]  }
0x172: {  	s21 =	simm.s32 $0x200;
	v5 =	vld [tilespmem:s20+$0xC010]  }
.LBB2_7:
0x173: {  	p1 =	sne.s32 s21, $0x1E00;
	v6 =	vld [tilespmem:s20+$0x4010]  }
0x174: {  	v3 =	vld [tilespmem:s20+$0xC000]  }
0x175: {  	v7 =	vld [tilespmem:s20+$0xC020]  }
0x176: {  	v8 =	vld [tilespmem:s20+$0x4020]  }
0x177: {  	v9 =	vld [tilespmem:s20+$0xC030]  }
0x178: {  	v10 =	vld [tilespmem:s20+$0x4030]  }
0x179: {  	v5 =	vsub.f32 v6, v5;
	v4 =	vsub.f32 v4, v3;
	v6 =	vld [tilespmem:s20+$0xC040]  }
0x17a: {  	v11 =	vld [tilespmem:s20+$0x4040]  }
0x17b: {  	v5 =	vmul.f32 v5, v5;
	v4 =	vmul.f32 v4, v4;
	v7 =	vsub.f32 v8, v7;
	v8 =	vld [tilespmem:s20+$0xC050]  }
0x17c: {  	v12 =	vld [tilespmem:s20+$0x4050]  }
0x17d: {  	v4 =	vadd.f32 v5, v4;
	v5 =	vmul.f32 v7, v7;
	v7 =	vsub.f32 v10, v9;
	v9 =	vld [tilespmem:s20+$0xC060]  }
0x17e: {  	v10 =	vld [tilespmem:s20+$0x4060]  }
0x17f: {  	v4 =	vadd.f32 v5, v4;
	v5 =	vmul.f32 v7, v7;
	v6 =	vsub.f32 v11, v6;
	v7 =	vld [tilespmem:s20+$0xC070]  }
0x180: {  	s29 =	sor.u32 $0x4400, s17;
	v11 =	vld [tilespmem:s20+$0x4070]  }
0x181: {  	v4 =	vadd.f32 v5, v4;
	v5 =	vmul.f32 v6, v6;
	v6 =	vsub.f32 v12, v8;
	v8 =	vld [tilespmem:s29+$0x8000]  }
0x182: {  	v12 =	vld [tilespmem:s29+$0x0];
	s29 =	sor.u32 $0x4410, s17  }
0x183: {  	v4 =	vadd.f32 v5, v4;
	v5 =	vmul.f32 v6, v6;
	v6 =	vsub.f32 v10, v9;
	v9 =	vld [tilespmem:s29+$0x8000]  }
0x184: {  	v10 =	vld [tilespmem:s29+$0x0];
	s29 =	sor.u32 $0x4420, s17  }
0x185: {  	v4 =	vadd.f32 v5, v4;
	v5 =	vmul.f32 v6, v6;
	v6 =	vsub.f32 v11, v7;
	v7 =	vld [tilespmem:s29+$0x8000]  }
0x186: {  	v11 =	vld [tilespmem:s29+$0x0];
	s29 =	sor.u32 $0x4430, s17  }
0x187: {  	v4 =	vadd.f32 v5, v4;
	v5 =	vmul.f32 v6, v6;
	v6 =	vsub.f32 v12, v8;
	v8 =	vld [tilespmem:s29+$0x8000]  }
0x188: {  	v12 =	vld [tilespmem:s29+$0x0];
	s29 =	sor.u32 $0x4440, s17  }
0x189: {  	v4 =	vadd.f32 v5, v4;
	v5 =	vmul.f32 v6, v6;
	v6 =	vsub.f32 v10, v9;
	v9 =	vld [tilespmem:s29+$0x8000]  }
0x18a: {  	v10 =	vld [tilespmem:s29+$0x0];
	s29 =	sor.u32 $0x4450, s17  }
0x18b: {  	v4 =	vadd.f32 v5, v4;
	v5 =	vmul.f32 v6, v6;
	v6 =	vsub.f32 v11, v7;
	v7 =	vld [tilespmem:s29+$0x8000]  }
0x18c: {  	v11 =	vld [tilespmem:s29+$0x0];
	s29 =	sor.u32 $0x4460, s17  }
0x18d: {  	v4 =	vadd.f32 v5, v4;
	v5 =	vmul.f32 v6, v6;
	v6 =	vsub.f32 v12, v8;
	v8 =	vld [tilespmem:s29+$0x8000]  }
0x18e: {  	v12 =	vld [tilespmem:s29+$0x0];
	s29 =	sor.u32 $0x4470, s17  }
0x18f: {  	v4 =	vadd.f32 v5, v4;
	v5 =	vmul.f32 v6, v6;
	v6 =	vsub.f32 v10, v9;
	v9 =	vld [tilespmem:s29+$0x8000]  }
0x190: {  	v10 =	vld [tilespmem:s29+$0x0]  }
0x191: {  	v4 =	vadd.f32 v5, v4;
	v5 =	vmul.f32 v6, v6;
	v6 =	vsub.f32 v11, v7;
	v7 =	vld [tilespmem:s20+$0xC800]  }
0x192: {  	v11 =	vld [tilespmem:s20+$0x4800]  }
0x193: {  	v4 =	vadd.f32 v5, v4;
	v5 =	vmul.f32 v6, v6;
	v6 =	vsub.f32 v12, v8;
	v8 =	vld [tilespmem:s20+$0xC810]  }
0x194: {  	v12 =	vld [tilespmem:s20+$0x4810]  }
0x195: {  	v4 =	vadd.f32 v5, v4;
	v5 =	vmul.f32 v6, v6;
	v6 =	vsub.f32 v10, v9;
	v9 =	vld [tilespmem:s20+$0xC820]  }
0x196: {  	v10 =	vld [tilespmem:s20+$0x4820]  }
0x197: {  	v4 =	vadd.f32 v5, v4;
	v5 =	vmul.f32 v6, v6;
	v6 =	vsub.f32 v11, v7;
	v7 =	vld [tilespmem:s20+$0xC830]  }
0x198: {  	v11 =	vld [tilespmem:s20+$0x4830]  }
0x199: {  	v4 =	vadd.f32 v5, v4;
	v5 =	vmul.f32 v6, v6;
	v6 =	vsub.f32 v12, v8;
	v8 =	vld [tilespmem:s20+$0xC840]  }
0x19a: {  	v12 =	vld [tilespmem:s20+$0x4840]  }
0x19b: {  	v4 =	vadd.f32 v5, v4;
	v5 =	vmul.f32 v6, v6;
	v6 =	vsub.f32 v10, v9;
	v9 =	vld [tilespmem:s20+$0xC850]  }
0x19c: {  	v10 =	vld [tilespmem:s20+$0x4850]  }
0x19d: {  	v4 =	vadd.f32 v5, v4;
	v5 =	vmul.f32 v6, v6;
	v6 =	vsub.f32 v11, v7;
	v7 =	vld [tilespmem:s20+$0xC860]  }
0x19e: {  	v11 =	vld [tilespmem:s20+$0x4860]  }
0x19f: {  	v4 =	vadd.f32 v5, v4;
	v5 =	vmul.f32 v6, v6;
	v6 =	vsub.f32 v12, v8;
	v8 =	vld [tilespmem:s20+$0xC870]  }
0x1a0: {  	v12 =	vld [tilespmem:s20+$0x4870]  }
0x1a1: {  	v4 =	vadd.f32 v5, v4;
	v5 =	vmul.f32 v6, v6;
	v6 =	vsub.f32 v10, v9;
	v9 =	vld [tilespmem:s18+$0x0]  }
0x1a2: {  	s18 =	sor.u32 $0x4C10, s17  }
0x1a3: {  	v4 =	vadd.f32 v5, v4;
	v5 =	vmul.f32 v6, v6;
	v6 =	vsub.f32 v11, v7;
	v7 =	vld [tilespmem:s18+$0x8000]  }
0x1a4: {  	v10 =	vld [tilespmem:s18+$0x0];
	s18 =	sor.u32 $0x4C20, s17  }
0x1a5: {  	v4 =	vadd.f32 v5, v4;
	v5 =	vmul.f32 v6, v6;
	v6 =	vsub.f32 v12, v8;
	v8 =	vld [tilespmem:s18+$0x8000]  }
0x1a6: {  	v2 =	vsub.f32 v9, v2;
	v9 =	vld [tilespmem:s18+$0x0];
	s18 =	sor.u32 $0x4C30, s17  }
0x1a7: {  	v4 =	vadd.f32 v5, v4;
	v5 =	vmul.f32 v6, v6;
	v6 =	vld [tilespmem:s18+$0x8000];
	(v2sf) =	vpush v3, $0x0  }
0x1a8: {  	v3 =	vld [tilespmem:s18+$0x0];
	s18 =	sor.u32 $0x4C40, s17  }
0x1a9: {  	v2 =	vmul.f32 v2, v2;
	v4 =	vadd.f32 v5, v4;
	v5 =	vsub.f32 v10, v7;
	v7 =	vld [tilespmem:s18+$0x8000]  }
0x1aa: {  	v10 =	vld [tilespmem:s18+$0x0];
	s18 =	sor.u32 $0x4C50, s17  }
0x1ab: {  	v2 =	vadd.f32 v2, v4;
	v4 =	vmul.f32 v5, v5;
	v5 =	vsub.f32 v9, v8;
	v8 =	vld [tilespmem:s18+$0x8000]  }
0x1ac: {  	v9 =	vld [tilespmem:s18+$0x0];
	s18 =	sor.u32 $0x4C60, s17  }
0x1ad: {  	v2 =	vadd.f32 v4, v2;
	v4 =	vmul.f32 v5, v5;
	v3 =	vsub.f32 v3, v6;
	v5 =	vld [tilespmem:s18+$0x8000]  }
0x1ae: {  	s17 =	sor.u32 $0x4C70, s17;
	v6 =	vld [tilespmem:s18+$0x0]  }
0x1af: {  	v2 =	vadd.f32 v4, v2;
	v3 =	vmul.f32 v3, v3;
	v4 =	vsub.f32 v10, v7;
	v7 =	vld [tilespmem:s17+$0x8000]  }
0x1b0: {  	v10 =	vld [tilespmem:s17+$0x0]  }
0x1b1: {  	v2 =	vadd.f32 v3, v2;
	v3 =	vmul.f32 v4, v4;
	v4 =	vsub.f32 v9, v8;
	_ =	sdelay $0x1  }
0x1b2: {  	v2 =	vadd.f32 v3, v2;
	v3 =	vmul.f32 v4, v4;
	v4 =	vsub.f32 v6, v5;
	_ =	sdelay $0x1  }
0x1b3: {  	v2 =	vadd.f32 v3, v2;
	v3 =	vmul.f32 v4, v4;
	v4 =	vsub.f32 v10, v7  }
0x1b4: {  	s17 =	spop (v2sf)  }
0x1b5: {  	v2 =	vadd.f32 v3, v2;
	v3 =	vmul.f32 v4, v4;
	p2 =	slt.f32 s17, $-1.000000000e+00  }
0x1b6: {  	p3 =	sgt.f32 s17, $-1.000000000e+00;
	s17 =	simm.f32 $1.000000000e+00  }
0x1b7: {  	v2 =	vadd.f32 v3, v2;
	s17 =	simm.s32 @!p2 $0x0  }
0x1b8: {  	s17 =	simm.s32 @p3 $0x3F800000  }
0x1b9: {  	v2 =	vmul.f32 s17, v2;
	_ =	sdelay $0x1  }
0x1ba: {  	s19 =	sadd.s32 $0x80, s19;
	s17 =	sand.u32 $0xFFFFF000, s21;
	v1 =	vadd.f32 v2, v1  }
.Ltmp2:
0x1bb: {  	s17 =	sadd.s32 s17, s19;
	(pc) =	sbr.rel @p1 .LBB2_7-.Ltmp2, $4  }
0x1bc: {  	s29 =	sand.u32 $0x380, s19;
	s20 =	sand.u32 $0x1000, s21;
	s18 =	sor.u32 $0x4C00, s17;
	[tilespmem:$0x10000] =	vst v1  }
0x1bd: {  	s20 =	sor.u32 s29, s20;
	v2 =	vld [tilespmem:s18+$0x8000]  }
0x1be: {  	v4 =	vld [tilespmem:s20+$0x4000]  }
0x1bf: {  	s21 =	sadd.s32 $0x200, s21;
	v5 =	vld [tilespmem:s20+$0xC010]  }
0x1c0: {  	v6 =	vld [tilespmem:s20+$0x4010]  }
0x1c1: {  	v3 =	vld [tilespmem:s20+$0xC000]  }
0x1c2: {  	v7 =	vld [tilespmem:s20+$0xC020]  }
0x1c3: {  	v8 =	vld [tilespmem:s20+$0x4020]  }
0x1c4: {  	v9 =	vld [tilespmem:s20+$0xC030]  }
0x1c5: {  	v10 =	vld [tilespmem:s20+$0x4030]  }
0x1c6: {  	v11 =	vld [tilespmem:s20+$0x4040];
	v4 =	vsub.f32 v4, v3;
	v5 =	vsub.f32 v6, v5  }
0x1c7: {  	v6 =	vld [tilespmem:s20+$0xC040]  }
0x1c8: {  	v25 =	vld [tilespmem:s20+$0xC050];
	v7 =	vsub.f32 v8, v7;
	v4 =	vmul.f32 v4, v4;
	v5 =	vmul.f32 v5, v5  }
0x1c9: {  	v12 =	vld [tilespmem:s20+$0x4050]  }
0x1ca: {  	v26 =	vld [tilespmem:s20+$0xC060];
	v4 =	vadd.f32 v5, v4;
	v5 =	vmul.f32 v7, v7;
	v7 =	vsub.f32 v10, v9  }
0x1cb: {  	v27 =	vld [tilespmem:s20+$0x4060]  }
0x1cc: {  	v28 =	vld [tilespmem:s20+$0x4070];
	v6 =	vsub.f32 v11, v6;
	v4 =	vadd.f32 v5, v4;
	v5 =	vmul.f32 v7, v7  }
0x1cd: {  	s19 =	sor.u32 $0x4400, s17;
	v7 =	vld [tilespmem:s20+$0xC070]  }
0x1ce: {  	v29 =	vld [tilespmem:s19+$0x8000];
	v4 =	vadd.f32 v5, v4;
	v5 =	vmul.f32 v6, v6;
	v6 =	vsub.f32 v12, v25  }
0x1cf: {  	s29 =	sor.u32 $0x4410, s17;
	v30 =	vld [tilespmem:s19+$0x0]  }
0x1d0: {  	v31 =	vld [tilespmem:s29+$0x8000];
	v4 =	vadd.f32 v5, v4;
	v5 =	vmul.f32 v6, v6;
	v6 =	vsub.f32 v27, v26  }
0x1d1: {  	s21 =	sor.u32 $0x4420, s17;
	v32 =	vld [tilespmem:s29+$0x0]  }
0x1d2: {  	v33 =	vld [tilespmem:s21+$0x0];
	v4 =	vadd.f32 v5, v4;
	v5 =	vmul.f32 v6, v6;
	v6 =	vsub.f32 v28, v7  }
0x1d3: {  	s29 =	sor.u32 $0x4430, s17;
	v7 =	vld [tilespmem:s21+$0x8000]  }
0x1d4: {  	v34 =	vld [tilespmem:s29+$0x8000];
	v4 =	vadd.f32 v5, v4;
	v5 =	vmul.f32 v6, v6;
	v6 =	vsub.f32 v30, v29  }
0x1d5: {  	v35 =	vld [tilespmem:s29+$0x0];
	s21 =	sor.u32 $0x4440, s17  }
0x1d6: {  	v36 =	vld [tilespmem:s21+$0x8000];
	v4 =	vadd.f32 v5, v4;
	v5 =	vmul.f32 v6, v6;
	v6 =	vsub.f32 v32, v31  }
0x1d7: {  	s29 =	sor.u32 $0x4450, s17;
	v37 =	vld [tilespmem:s21+$0x0]  }
0x1d8: {  	v38 =	vld [tilespmem:s29+$0x0];
	v4 =	vadd.f32 v5, v4;
	v5 =	vmul.f32 v6, v6;
	v6 =	vsub.f32 v33, v7  }
0x1d9: {  	s21 =	sor.u32 $0x4460, s17;
	v7 =	vld [tilespmem:s29+$0x8000]  }
0x1da: {  	v39 =	vld [tilespmem:s21+$0x8000];
	v4 =	vadd.f32 v5, v4;
	v5 =	vmul.f32 v6, v6;
	v6 =	vsub.f32 v35, v34  }
0x1db: {  	v40 =	vld [tilespmem:s21+$0x0];
	s29 =	sor.u32 $0x4470, s17  }
0x1dc: {  	v41 =	vld [tilespmem:s29+$0x8000];
	v4 =	vadd.f32 v5, v4;
	v5 =	vmul.f32 v6, v6;
	v6 =	vsub.f32 v37, v36  }
0x1dd: {  	v42 =	vld [tilespmem:s29+$0x0]  }
0x1de: {  	v43 =	vld [tilespmem:s20+$0x4800];
	v4 =	vadd.f32 v5, v4;
	v5 =	vmul.f32 v6, v6;
	v6 =	vsub.f32 v38, v7  }
0x1df: {  	v7 =	vld [tilespmem:s20+$0xC800]  }
0x1e0: {  	v44 =	vld [tilespmem:s20+$0xC810];
	v4 =	vadd.f32 v5, v4;
	v5 =	vmul.f32 v6, v6;
	v6 =	vsub.f32 v40, v39  }
0x1e1: {  	v45 =	vld [tilespmem:s20+$0x4810]  }
0x1e2: {  	v46 =	vld [tilespmem:s20+$0xC820];
	v4 =	vadd.f32 v5, v4;
	v5 =	vmul.f32 v6, v6;
	v6 =	vsub.f32 v42, v41  }
0x1e3: {  	v47 =	vld [tilespmem:s20+$0x4820]  }
0x1e4: {  	v48 =	vld [tilespmem:s20+$0x4830];
	v4 =	vadd.f32 v5, v4;
	v5 =	vmul.f32 v6, v6;
	v6 =	vsub.f32 v43, v7  }
0x1e5: {  	v7 =	vld [tilespmem:s20+$0xC830]  }
0x1e6: {  	v49 =	vld [tilespmem:s20+$0xC840];
	v4 =	vadd.f32 v5, v4;
	v5 =	vmul.f32 v6, v6;
	v6 =	vsub.f32 v45, v44  }
0x1e7: {  	v50 =	vld [tilespmem:s20+$0x4840]  }
0x1e8: {  	v51 =	vld [tilespmem:s20+$0xC850];
	v4 =	vadd.f32 v5, v4;
	v5 =	vmul.f32 v6, v6;
	v6 =	vsub.f32 v47, v46  }
0x1e9: {  	v52 =	vld [tilespmem:s20+$0x4850]  }
0x1ea: {  	v53 =	vld [tilespmem:s20+$0x4860];
	v4 =	vadd.f32 v5, v4;
	v5 =	vmul.f32 v6, v6;
	v6 =	vsub.f32 v48, v7  }
0x1eb: {  	v7 =	vld [tilespmem:s20+$0xC860]  }
0x1ec: {  	v54 =	vld [tilespmem:s20+$0xC870];
	v4 =	vadd.f32 v5, v4;
	v5 =	vmul.f32 v6, v6;
	v6 =	vsub.f32 v50, v49  }
0x1ed: {  	v55 =	vld [tilespmem:s20+$0x4870]  }
0x1ee: {  	v56 =	vld [tilespmem:s18+$0x0];
	v4 =	vadd.f32 v5, v4;
	v5 =	vmul.f32 v6, v6;
	v6 =	vsub.f32 v52, v51  }
0x1ef: {  	s21 =	sor.u32 $0x4C10, s17  }
0x1f0: {  	v57 =	vld [tilespmem:s21+$0x0];
	v4 =	vadd.f32 v5, v4;
	v5 =	vmul.f32 v6, v6;
	v6 =	vsub.f32 v53, v7  }
0x1f1: {  	s29 =	sor.u32 $0x4C20, s17;
	v7 =	vld [tilespmem:s21+$0x8000]  }
0x1f2: {  	v58 =	vld [tilespmem:s29+$0x8000];
	v4 =	vadd.f32 v5, v4;
	v5 =	vmul.f32 v6, v6;
	v6 =	vsub.f32 v55, v54  }
0x1f3: {  	s19 =	sor.u32 $0x4C30, s17;
	v2 =	vsub.f32 v56, v2;
	v59 =	vld [tilespmem:s29+$0x0]  }
0x1f4: {  	(v2sf) =	vpush v3, $0x0;
	v3 =	vld [tilespmem:s19+$0x0];
	v4 =	vadd.f32 v5, v4;
	v5 =	vmul.f32 v6, v6  }
0x1f5: {  	s20 =	sor.u32 $0x4C40, s17;
	v6 =	vld [tilespmem:s19+$0x8000]  }
0x1f6: {  	v2 =	vmul.f32 v2, v2;
	v60 =	vld [tilespmem:s20+$0x0];
	v4 =	vadd.f32 v5, v4;
	v5 =	vsub.f32 v57, v7  }
0x1f7: {  	s21 =	sor.u32 $0x4C50, s17;
	v7 =	vld [tilespmem:s20+$0x8000]  }
0x1f8: {  	v61 =	vld [tilespmem:s21+$0x8000];
	v2 =	vadd.f32 v2, v4;
	v4 =	vmul.f32 v5, v5;
	v5 =	vsub.f32 v59, v58  }
0x1f9: {  	s29 =	sor.u32 $0x4C60, s17;
	v62 =	vld [tilespmem:s21+$0x0]  }
0x1fa: {  	v3 =	vsub.f32 v3, v6;
	v6 =	vld [tilespmem:s29+$0x0];
	v2 =	vadd.f32 v4, v2;
	v4 =	vmul.f32 v5, v5  }
0x1fb: {  	s18 =	sor.u32 $0x4C70, s17;
	v5 =	vld [tilespmem:s29+$0x8000]  }
0x1fc: {  	v63 =	vld [tilespmem:s18+$0x0];
	v3 =	vmul.f32 v3, v3;
	v2 =	vadd.f32 v4, v2;
	v4 =	vsub.f32 v60, v7  }
0x1fd: {  	v7 =	vld [tilespmem:s18+$0x8000]  }
0x1fe: {  	v2 =	vadd.f32 v3, v2;
	v3 =	vmul.f32 v4, v4;
	v4 =	vsub.f32 v62, v61;
	_ =	sdelay $0x1  }
0x1ff: {  	v2 =	vadd.f32 v3, v2;
	v3 =	vmul.f32 v4, v4;
	v4 =	vsub.f32 v6, v5;
	_ =	sdelay $0x1  }
0x200: {  	v2 =	vadd.f32 v3, v2;
	v3 =	vmul.f32 v4, v4;
	v4 =	vsub.f32 v63, v7  }
0x201: {  	s19 =	spop (v2sf)  }
0x202: {  	p1 =	slt.f32 s19, $-1.000000000e+00;
	v2 =	vadd.f32 v3, v2;
	v3 =	vmul.f32 v4, v4  }
0x203: {  	s17 =	simm.f32 $1.000000000e+00;
	p2 =	sgt.f32 s19, $-1.000000000e+00  }
0x204: {  	s17 =	simm.s32 @!p1 $0x0;
	v2 =	vadd.f32 v3, v2  }
0x205: {  	s17 =	simm.s32 @p2 $0x3F800000  }
0x206: {  	v2 =	vmul.f32 s17, v2;
	_ =	sdelay $0x1  }
0x207: {  	v1 =	vadd.f32 v2, v1;
	_ =	sdelay $0x1  }
0x208: {  	[tilespmem:$0x10000] =	vst v1  }
0x209: {  	_ =	swait.ge [sflag:s28], $0x2000  }
0x20a: {  	[sflag:s28] =	ssyncset.done $0x0  }
0x20b: {  	[sflag:s28] =	ssyncadd.s32 $0xFFFFE000  }
0x20c: {  	_ =	swait.ge [sflag:s28], $0x2000  }
0x20d: {  	s3 =	sadd.s32 @!p0 s3, s13;
	s19 =	simm.s32 @!p0 $0x4000;
	[sflag:s28] =	ssyncset.done $0x0  }
0x20e: {  	s18 =	simm.s32 @!p0 $0x0;
	s17 =	sadd.s32 @!p0 s1, s3;
	[sflag:s28] =	ssyncadd.s32 $0xFFFFE000  }
0x20f: {  	[tilespmem:s19], [sflag:$0x3] =	stream.linear.gather @!p0 [hbm4b:s17+s18], $0x2000, $0x38;
	[tilespmem:$0x10080] =	vst v63  }
0x210: {  	s3 =	sadd.s32 @!p0 s2, s3;
	s17 =	simm.s32 @!p0 $0xC000  }
0x211: {  	[tilespmem:s17], [sflag:$0x3] =	stream.linear.gather @!p0 [hbm4b:s3+s18], $0x2000, $0x38;
	[tilespmem:$0x10080] =	vst v63  }
0x212: {  	s18 =	simm.s32 $0x0  }
0x213: {  	s21 =	sand.u32 $0x1000, s18;
	s29 =	sand.u32 $0x380, s18  }
0x214: {  	s20 =	sand.u32 $0xFFFFF000, s18;
	v1 =	vld [tilespmem:$0x10000];
	s19 =	sor.u32 s29, s21  }
0x215: {  	s3 =	sadd.s32 $0x0, s20;
	v4 =	vld [tilespmem:s19+$0x6000]  }
0x216: {  	s17 =	sor.u32 $0x6C00, s3;
	v5 =	vld [tilespmem:s19+$0xE010]  }
0x217: {  	s20 =	simm.s32 $0x200;
	v2 =	vld [tilespmem:s17+$0x8000]  }
.LBB2_9:
0x218: {  	p0 =	sne.s32 s20, $0x1E00;
	v6 =	vld [tilespmem:s19+$0x6010]  }
0x219: {  	v3 =	vld [tilespmem:s19+$0xE000]  }
0x21a: {  	v7 =	vld [tilespmem:s19+$0xE020]  }
0x21b: {  	v8 =	vld [tilespmem:s19+$0x6020]  }
0x21c: {  	v9 =	vld [tilespmem:s19+$0xE030]  }
0x21d: {  	v10 =	vld [tilespmem:s19+$0x6030]  }
0x21e: {  	v5 =	vsub.f32 v6, v5;
	v4 =	vsub.f32 v4, v3;
	v6 =	vld [tilespmem:s19+$0xE040]  }
0x21f: {  	v11 =	vld [tilespmem:s19+$0x6040]  }
0x220: {  	v5 =	vmul.f32 v5, v5;
	v4 =	vmul.f32 v4, v4;
	v7 =	vsub.f32 v8, v7;
	v8 =	vld [tilespmem:s19+$0xE050]  }
0x221: {  	v12 =	vld [tilespmem:s19+$0x6050]  }
0x222: {  	v4 =	vadd.f32 v5, v4;
	v5 =	vmul.f32 v7, v7;
	v7 =	vsub.f32 v10, v9;
	v9 =	vld [tilespmem:s19+$0xE060]  }
0x223: {  	v10 =	vld [tilespmem:s19+$0x6060]  }
0x224: {  	v4 =	vadd.f32 v5, v4;
	v5 =	vmul.f32 v7, v7;
	v6 =	vsub.f32 v11, v6;
	v7 =	vld [tilespmem:s19+$0xE070]  }
0x225: {  	s21 =	sor.u32 $0x6400, s3;
	v11 =	vld [tilespmem:s19+$0x6070]  }
0x226: {  	v4 =	vadd.f32 v5, v4;
	v5 =	vmul.f32 v6, v6;
	v6 =	vsub.f32 v12, v8;
	v8 =	vld [tilespmem:s21+$0x8000]  }
0x227: {  	v12 =	vld [tilespmem:s21+$0x0];
	s21 =	sor.u32 $0x6410, s3  }
0x228: {  	v4 =	vadd.f32 v5, v4;
	v5 =	vmul.f32 v6, v6;
	v6 =	vsub.f32 v10, v9;
	v9 =	vld [tilespmem:s21+$0x8000]  }
0x229: {  	v10 =	vld [tilespmem:s21+$0x0];
	s21 =	sor.u32 $0x6420, s3  }
0x22a: {  	v4 =	vadd.f32 v5, v4;
	v5 =	vmul.f32 v6, v6;
	v6 =	vsub.f32 v11, v7;
	v7 =	vld [tilespmem:s21+$0x8000]  }
0x22b: {  	v11 =	vld [tilespmem:s21+$0x0];
	s21 =	sor.u32 $0x6430, s3  }
0x22c: {  	v4 =	vadd.f32 v5, v4;
	v5 =	vmul.f32 v6, v6;
	v6 =	vsub.f32 v12, v8;
	v8 =	vld [tilespmem:s21+$0x8000]  }
0x22d: {  	v12 =	vld [tilespmem:s21+$0x0];
	s21 =	sor.u32 $0x6440, s3  }
0x22e: {  	v4 =	vadd.f32 v5, v4;
	v5 =	vmul.f32 v6, v6;
	v6 =	vsub.f32 v10, v9;
	v9 =	vld [tilespmem:s21+$0x8000]  }
0x22f: {  	v10 =	vld [tilespmem:s21+$0x0];
	s21 =	sor.u32 $0x6450, s3  }
0x230: {  	v4 =	vadd.f32 v5, v4;
	v5 =	vmul.f32 v6, v6;
	v6 =	vsub.f32 v11, v7;
	v7 =	vld [tilespmem:s21+$0x8000]  }
0x231: {  	v11 =	vld [tilespmem:s21+$0x0];
	s21 =	sor.u32 $0x6460, s3  }
0x232: {  	v4 =	vadd.f32 v5, v4;
	v5 =	vmul.f32 v6, v6;
	v6 =	vsub.f32 v12, v8;
	v8 =	vld [tilespmem:s21+$0x8000]  }
0x233: {  	v12 =	vld [tilespmem:s21+$0x0];
	s21 =	sor.u32 $0x6470, s3  }
0x234: {  	v4 =	vadd.f32 v5, v4;
	v5 =	vmul.f32 v6, v6;
	v6 =	vsub.f32 v10, v9;
	v9 =	vld [tilespmem:s21+$0x8000]  }
0x235: {  	v10 =	vld [tilespmem:s21+$0x0]  }
0x236: {  	v4 =	vadd.f32 v5, v4;
	v5 =	vmul.f32 v6, v6;
	v6 =	vsub.f32 v11, v7;
	v7 =	vld [tilespmem:s19+$0xE800]  }
0x237: {  	v11 =	vld [tilespmem:s19+$0x6800]  }
0x238: {  	v4 =	vadd.f32 v5, v4;
	v5 =	vmul.f32 v6, v6;
	v6 =	vsub.f32 v12, v8;
	v8 =	vld [tilespmem:s19+$0xE810]  }
0x239: {  	v12 =	vld [tilespmem:s19+$0x6810]  }
0x23a: {  	v4 =	vadd.f32 v5, v4;
	v5 =	vmul.f32 v6, v6;
	v6 =	vsub.f32 v10, v9;
	v9 =	vld [tilespmem:s19+$0xE820]  }
0x23b: {  	v10 =	vld [tilespmem:s19+$0x6820]  }
0x23c: {  	v4 =	vadd.f32 v5, v4;
	v5 =	vmul.f32 v6, v6;
	v6 =	vsub.f32 v11, v7;
	v7 =	vld [tilespmem:s19+$0xE830]  }
0x23d: {  	v11 =	vld [tilespmem:s19+$0x6830]  }
0x23e: {  	v4 =	vadd.f32 v5, v4;
	v5 =	vmul.f32 v6, v6;
	v6 =	vsub.f32 v12, v8;
	v8 =	vld [tilespmem:s19+$0xE840]  }
0x23f: {  	v12 =	vld [tilespmem:s19+$0x6840]  }
0x240: {  	v4 =	vadd.f32 v5, v4;
	v5 =	vmul.f32 v6, v6;
	v6 =	vsub.f32 v10, v9;
	v9 =	vld [tilespmem:s19+$0xE850]  }
0x241: {  	v10 =	vld [tilespmem:s19+$0x6850]  }
0x242: {  	v4 =	vadd.f32 v5, v4;
	v5 =	vmul.f32 v6, v6;
	v6 =	vsub.f32 v11, v7;
	v7 =	vld [tilespmem:s19+$0xE860]  }
0x243: {  	v11 =	vld [tilespmem:s19+$0x6860]  }
0x244: {  	v4 =	vadd.f32 v5, v4;
	v5 =	vmul.f32 v6, v6;
	v6 =	vsub.f32 v12, v8;
	v8 =	vld [tilespmem:s19+$0xE870]  }
0x245: {  	v12 =	vld [tilespmem:s19+$0x6870]  }
0x246: {  	v4 =	vadd.f32 v5, v4;
	v5 =	vmul.f32 v6, v6;
	v6 =	vsub.f32 v10, v9;
	v9 =	vld [tilespmem:s17+$0x0]  }
0x247: {  	s17 =	sor.u32 $0x6C10, s3  }
0x248: {  	v4 =	vadd.f32 v5, v4;
	v5 =	vmul.f32 v6, v6;
	v6 =	vsub.f32 v11, v7;
	v7 =	vld [tilespmem:s17+$0x8000]  }
0x249: {  	v10 =	vld [tilespmem:s17+$0x0];
	s17 =	sor.u32 $0x6C20, s3  }
0x24a: {  	v4 =	vadd.f32 v5, v4;
	v5 =	vmul.f32 v6, v6;
	v6 =	vsub.f32 v12, v8;
	v8 =	vld [tilespmem:s17+$0x8000]  }
0x24b: {  	v2 =	vsub.f32 v9, v2;
	v9 =	vld [tilespmem:s17+$0x0];
	s17 =	sor.u32 $0x6C30, s3  }
0x24c: {  	v4 =	vadd.f32 v5, v4;
	v5 =	vmul.f32 v6, v6;
	v6 =	vld [tilespmem:s17+$0x8000];
	(v2sf) =	vpush v3, $0x0  }
0x24d: {  	v3 =	vld [tilespmem:s17+$0x0];
	s17 =	sor.u32 $0x6C40, s3  }
0x24e: {  	v2 =	vmul.f32 v2, v2;
	v4 =	vadd.f32 v5, v4;
	v5 =	vsub.f32 v10, v7;
	v7 =	vld [tilespmem:s17+$0x8000]  }
0x24f: {  	v10 =	vld [tilespmem:s17+$0x0];
	s17 =	sor.u32 $0x6C50, s3  }
0x250: {  	v2 =	vadd.f32 v2, v4;
	v4 =	vmul.f32 v5, v5;
	v5 =	vsub.f32 v9, v8;
	v8 =	vld [tilespmem:s17+$0x8000]  }
0x251: {  	v9 =	vld [tilespmem:s17+$0x0];
	s17 =	sor.u32 $0x6C60, s3  }
0x252: {  	v2 =	vadd.f32 v4, v2;
	v4 =	vmul.f32 v5, v5;
	v3 =	vsub.f32 v3, v6;
	v5 =	vld [tilespmem:s17+$0x8000]  }
0x253: {  	s3 =	sor.u32 $0x6C70, s3;
	v6 =	vld [tilespmem:s17+$0x0]  }
0x254: {  	v2 =	vadd.f32 v4, v2;
	v3 =	vmul.f32 v3, v3;
	v4 =	vsub.f32 v10, v7;
	v7 =	vld [tilespmem:s3+$0x8000]  }
0x255: {  	v10 =	vld [tilespmem:s3+$0x0]  }
0x256: {  	v2 =	vadd.f32 v3, v2;
	v3 =	vmul.f32 v4, v4;
	v4 =	vsub.f32 v9, v8;
	_ =	sdelay $0x1  }
0x257: {  	v2 =	vadd.f32 v3, v2;
	v3 =	vmul.f32 v4, v4;
	v4 =	vsub.f32 v6, v5;
	_ =	sdelay $0x1  }
0x258: {  	v2 =	vadd.f32 v3, v2;
	v3 =	vmul.f32 v4, v4;
	v4 =	vsub.f32 v10, v7  }
0x259: {  	s3 =	spop (v2sf)  }
0x25a: {  	v2 =	vadd.f32 v3, v2;
	v3 =	vmul.f32 v4, v4;
	p1 =	slt.f32 s3, $-1.000000000e+00  }
0x25b: {  	p2 =	sgt.f32 s3, $-1.000000000e+00;
	s3 =	simm.f32 $1.000000000e+00  }
0x25c: {  	v2 =	vadd.f32 v3, v2;
	s3 =	simm.s32 @!p1 $0x0  }
0x25d: {  	s3 =	simm.s32 @p2 $0x3F800000  }
0x25e: {  	v2 =	vmul.f32 s3, v2;
	_ =	sdelay $0x1  }
0x25f: {  	s18 =	sadd.s32 $0x80, s18;
	s3 =	sand.u32 $0xFFFFF000, s20;
	v1 =	vadd.f32 v2, v1  }
.Ltmp3:
0x260: {  	s3 =	sadd.s32 s3, s18;
	(pc) =	sbr.rel @p0 .LBB2_9-.Ltmp3, $4  }
0x261: {  	s21 =	sand.u32 $0x380, s18;
	s19 =	sand.u32 $0x1000, s20;
	s17 =	sor.u32 $0x6C00, s3;
	[tilespmem:$0x10000] =	vst v1  }
0x262: {  	s19 =	sor.u32 s21, s19;
	v2 =	vld [tilespmem:s17+$0x8000]  }
0x263: {  	v4 =	vld [tilespmem:s19+$0x6000]  }
0x264: {  	s20 =	sadd.s32 $0x200, s20;
	v5 =	vld [tilespmem:s19+$0xE010]  }
0x265: {  	v6 =	vld [tilespmem:s19+$0x6010]  }
0x266: {  	v3 =	vld [tilespmem:s19+$0xE000]  }
0x267: {  	v7 =	vld [tilespmem:s19+$0xE020]  }
0x268: {  	v8 =	vld [tilespmem:s19+$0x6020]  }
0x269: {  	v9 =	vld [tilespmem:s19+$0xE030]  }
0x26a: {  	v10 =	vld [tilespmem:s19+$0x6030]  }
0x26b: {  	v59 =	vld [tilespmem:s19+$0xE040];
	v4 =	vsub.f32 v4, v3;
	v5 =	vsub.f32 v6, v5  }
0x26c: {  	v11 =	vld [tilespmem:s19+$0x6040]  }
0x26d: {  	v60 =	vld [tilespmem:s19+$0xE050];
	v7 =	vsub.f32 v8, v7;
	v4 =	vmul.f32 v4, v4;
	v5 =	vmul.f32 v5, v5  }
0x26e: {  	v12 =	vld [tilespmem:s19+$0x6050]  }
0x26f: {  	v63 =	vld [tilespmem:s19+$0xE060];
	v62 =	vsub.f32 v10, v9;
	v61 =	vmul.f32 v7, v7;
	v4 =	vadd.f32 v5, v4  }
0x270: {  	v16 =	vld [tilespmem:s19+$0x6060]  }
0x271: {  	v18 =	vld [tilespmem:s19+$0xE070];
	v6 =	vsub.f32 v11, v59;
	v17 =	vmul.f32 v62, v62;
	v4 =	vadd.f32 v61, v4  }
0x272: {  	v19 =	vld [tilespmem:s19+$0x6070];
	s18 =	sor.u32 $0x6400, s3  }
0x273: {  	v22 =	vld [tilespmem:s18+$0x8000];
	v21 =	vsub.f32 v12, v60;
	v20 =	vmul.f32 v6, v6;
	v4 =	vadd.f32 v17, v4  }
0x274: {  	s29 =	sor.u32 $0x6410, s3;
	v23 =	vld [tilespmem:s18+$0x0]  }
0x275: {  	v26 =	vld [tilespmem:s29+$0x8000];
	v25 =	vsub.f32 v16, v63;
	v24 =	vmul.f32 v21, v21;
	v4 =	vadd.f32 v20, v4  }
0x276: {  	s20 =	sor.u32 $0x6420, s3;
	v27 =	vld [tilespmem:s29+$0x0]  }
0x277: {  	v30 =	vld [tilespmem:s20+$0x8000];
	v29 =	vsub.f32 v19, v18;
	v28 =	vmul.f32 v25, v25;
	v4 =	vadd.f32 v24, v4  }
0x278: {  	s21 =	sor.u32 $0x6430, s3;
	v31 =	vld [tilespmem:s20+$0x0]  }
0x279: {  	v34 =	vld [tilespmem:s21+$0x8000];
	v33 =	vsub.f32 v23, v22;
	v32 =	vmul.f32 v29, v29;
	v4 =	vadd.f32 v28, v4  }
0x27a: {  	v35 =	vld [tilespmem:s21+$0x0];
	s29 =	sor.u32 $0x6440, s3  }
0x27b: {  	v38 =	vld [tilespmem:s29+$0x8000];
	v37 =	vsub.f32 v27, v26;
	v36 =	vmul.f32 v33, v33;
	v4 =	vadd.f32 v32, v4  }
0x27c: {  	s20 =	sor.u32 $0x6450, s3;
	v39 =	vld [tilespmem:s29+$0x0]  }
0x27d: {  	v42 =	vld [tilespmem:s20+$0x8000];
	v41 =	vsub.f32 v31, v30;
	v40 =	vmul.f32 v37, v37;
	v4 =	vadd.f32 v36, v4  }
0x27e: {  	s21 =	sor.u32 $0x6460, s3;
	v43 =	vld [tilespmem:s20+$0x0]  }
0x27f: {  	v46 =	vld [tilespmem:s21+$0x8000];
	v45 =	vsub.f32 v35, v34;
	v44 =	vmul.f32 v41, v41;
	v4 =	vadd.f32 v40, v4  }
0x280: {  	v47 =	vld [tilespmem:s21+$0x0];
	s29 =	sor.u32 $0x6470, s3  }
0x281: {  	v50 =	vld [tilespmem:s29+$0x8000];
	v49 =	vsub.f32 v39, v38;
	v48 =	vmul.f32 v45, v45;
	v4 =	vadd.f32 v44, v4  }
0x282: {  	v51 =	vld [tilespmem:s29+$0x0]  }
0x283: {  	v54 =	vld [tilespmem:s19+$0xE800];
	v53 =	vsub.f32 v43, v42;
	v52 =	vmul.f32 v49, v49;
	v4 =	vadd.f32 v48, v4  }
0x284: {  	v55 =	vld [tilespmem:s19+$0x6800]  }
0x285: {  	v58 =	vld [tilespmem:s19+$0xE810];
	v57 =	vsub.f32 v47, v46;
	v56 =	vmul.f32 v53, v53;
	v4 =	vadd.f32 v52, v4  }
0x286: {  	v59 =	vld [tilespmem:s19+$0x6810]  }
0x287: {  	v63 =	vld [tilespmem:s19+$0x6820];
	v60 =	vmul.f32 v57, v57;
	v61 =	vsub.f32 v51, v50;
	v4 =	vadd.f32 v56, v4  }
0x288: {  	v62 =	vld [tilespmem:s19+$0xE820]  }
0x289: {  	v16 =	vsub.f32 v55, v54;
	v18 =	vld [tilespmem:s19+$0x6830];
	v15 =	vmul.f32 v61, v61;
	v4 =	vadd.f32 v60, v4  }
0x28a: {  	v17 =	vld [tilespmem:s19+$0xE830]  }
0x28b: {  	v22 =	vld [tilespmem:s19+$0x6840];
	v19 =	vmul.f32 v16, v16;
	v20 =	vsub.f32 v59, v58;
	v4 =	vadd.f32 v15, v4  }
0x28c: {  	v21 =	vld [tilespmem:s19+$0xE840]  }
0x28d: {  	v26 =	vld [tilespmem:s19+$0x6850];
	v23 =	vmul.f32 v20, v20;
	v24 =	vsub.f32 v63, v62;
	v4 =	vadd.f32 v19, v4  }
0x28e: {  	v25 =	vld [tilespmem:s19+$0xE850]  }
0x28f: {  	v30 =	vld [tilespmem:s19+$0x6860];
	v27 =	vmul.f32 v24, v24;
	v28 =	vsub.f32 v18, v17;
	v4 =	vadd.f32 v23, v4  }
0x290: {  	v29 =	vld [tilespmem:s19+$0xE860]  }
0x291: {  	v34 =	vld [tilespmem:s19+$0x6870];
	v31 =	vmul.f32 v28, v28;
	v32 =	vsub.f32 v22, v21;
	v4 =	vadd.f32 v27, v4  }
0x292: {  	v33 =	vld [tilespmem:s19+$0xE870]  }
0x293: {  	v35 =	vmul.f32 v32, v32;
	v36 =	vsub.f32 v26, v25;
	v4 =	vadd.f32 v31, v4  }
0x294: {  	s20 =	sor.u32 $0x6C10, s3;
	v37 =	vld [tilespmem:s17+$0x0]  }
0x295: {  	v41 =	vld [tilespmem:s20+$0x0];
	v39 =	vsub.f32 v30, v29;
	v38 =	vmul.f32 v36, v36;
	v4 =	vadd.f32 v35, v4  }
0x296: {  	s21 =	sor.u32 $0x6C20, s3;
	v40 =	vld [tilespmem:s20+$0x8000]  }
0x297: {  	v45 =	vld [tilespmem:s21+$0x0];
	v43 =	vsub.f32 v34, v33;
	v42 =	vmul.f32 v39, v39;
	v4 =	vadd.f32 v38, v4  }
0x298: {  	s29 =	sor.u32 $0x6C30, s3;
	(v2sf) =	vpush v3, $0x0;
	v44 =	vld [tilespmem:s21+$0x8000]  }
0x299: {  	v3 =	vld [tilespmem:s29+$0x0];
	v2 =	vsub.f32 v37, v2;
	v46 =	vmul.f32 v43, v43;
	v4 =	vadd.f32 v42, v4  }
0x29a: {  	s18 =	sor.u32 $0x6C40, s3;
	v47 =	vld [tilespmem:s29+$0x8000]  }
0x29b: {  	v49 =	vld [tilespmem:s18+$0x8000];
	v2 =	vmul.f32 v2, v2;
	v48 =	vsub.f32 v41, v40;
	v4 =	vadd.f32 v46, v4  }
0x29c: {  	v50 =	vld [tilespmem:s18+$0x0];
	s19 =	sor.u32 $0x6C50, s3  }
0x29d: {  	v53 =	vld [tilespmem:s19+$0x8000];
	v51 =	vmul.f32 v48, v48;
	v52 =	vsub.f32 v45, v44;
	v2 =	vadd.f32 v2, v4  }
0x29e: {  	v54 =	vld [tilespmem:s19+$0x0];
	s20 =	sor.u32 $0x6C60, s3  }
0x29f: {  	v3 =	vsub.f32 v3, v47;
	v57 =	vld [tilespmem:s20+$0x0];
	v55 =	vmul.f32 v52, v52;
	v2 =	vadd.f32 v51, v2  }
0x2a0: {  	s21 =	sor.u32 $0x6C70, s3;
	v56 =	vld [tilespmem:s20+$0x8000]  }
0x2a1: {  	v3 =	vmul.f32 v3, v3;
	v58 =	vsub.f32 v50, v49;
	v59 =	vld [tilespmem:s21+$0x8000];
	v2 =	vadd.f32 v55, v2  }
0x2a2: {  	v60 =	vld [tilespmem:s21+$0x0]  }
0x2a3: {  	v61 =	vsub.f32 v54, v53;
	v2 =	vadd.f32 v3, v2;
	v3 =	vmul.f32 v58, v58;
	_ =	sdelay $0x1  }
0x2a4: {  	v62 =	vsub.f32 v57, v56;
	v2 =	vadd.f32 v3, v2;
	v3 =	vmul.f32 v61, v61;
	_ =	sdelay $0x1  }
0x2a5: {  	v63 =	vsub.f32 v60, v59;
	v2 =	vadd.f32 v3, v2;
	v3 =	vmul.f32 v62, v62  }
0x2a6: {  	s29 =	spop (v2sf)  }
0x2a7: {  	p0 =	slt.f32 s29, $-1.000000000e+00;
	v2 =	vadd.f32 v3, v2;
	v3 =	vmul.f32 v63, v63  }
0x2a8: {  	p1 =	sgt.f32 s29, $-1.000000000e+00;
	s3 =	simm.f32 $1.000000000e+00  }
0x2a9: {  	s0 =	sadd.s32 $0x1, s0;
	s3 =	simm.s32 @!p0 $0x0;
	v2 =	vadd.f32 v3, v2  }
0x2aa: {  	p0 =	sne.s32 s0, $0x10;
	s3 =	simm.s32 @p1 $0x3F800000  }
.Ltmp4:
0x2ab: {  	v2 =	vmul.f32 s3, v2;
	(pc) =	sbr.rel @p0 .LBB2_2-.Ltmp4, $3  }
0x2ac: {  	_ = 	snop  }
0x2ad: {  	v1 =	vadd.f32 v2, v1;
	_ =	sdelay $0x1  }
0x2ae: {  	[tilespmem:$0x10000] =	vst v1  }
0x2af: {  	s31 =	sadd.s32 $0x1, s31  }
0x2b0: {  	p0 =	sne.s32 s31, s15  }
.Ltmp5:
0x2b1: {  	s0 =	simm.s32 $0x10000;
	(pc) =	sbr.rel @p0 .LBB2_1-.Ltmp5, $4  }
0x2b2: {  	[hbm4b:s14+s4] =	stream.linear.scatter [tilespmem:s0], [sflag:$0x5], $0x80, $0x38;
	[tilespmem:$0x10080] =	vst v63  }
0x2b3: {  	_ =	swait.ge [sflag:s30], $0x80  }
0x2b4: {  	[sflag:s30] =	ssyncset.done $0x0  }
0x2b5: {  	[sflag:s30] =	ssyncadd.s32 $0xFFFFFF80  }
0x2b6: {  	_ =	sfence.sel $0x180000  }
0x2b7: {  	[bflag:$0x0] =	sbarrier.arrive $0xFFFF  }
0x2b8: {  	_ =	strace $0x90000047  }
0x2b9: {  	s0 =	stileid.u32;
	[bflag:$0x2] =	sbarrier.arrive $0xFFFF  }
0x2ba: {  	p0 =	sne.s32 s0, $0x0;
	s0 =	rddreg [dreg:$0x3]  }
0x2bb: {  	s0 =	sadd.s32 @!p0 $0x100000, s0  }
0x2bc: {  	[sflag:s0] =	ssyncadd.tile.s32 @!p0 $0x1;
	_ =	shalt  }
.Lfunc_end2:
_tile_overlayer_lowered:
.L_overlay_start_2:
0x2bd: {  	(tag) =	ssettag $0x2  }
0x2be: {  	s0 =	rddreg [dreg:$0x0];
	s2 =	stileid.u32  }
0x2bf: {  	s1 =	rddreg [dreg:$0x1];
	p0 =	sne.s32 s2, $0x0  }
0x2c0: {  	s3 =	rddreg [dreg:$0x2];
	[bflag:$0x3] =	sbarrier.arrive $0xFFFF;
	s2 =	simm.s32 @!p0 $0x1C05  }
0x2c1: {  	[timem:s3], [sflag:s2] =	dma.local @!p0 [hbm:s0], s1  }
0x2c2: {  	s0 =	simm.s32 @!p0 $0x5  }
0x2c3: {  	_ =	swait.ge @!p0 [sflag:s0], s1  }
0x2c4: {  	s1 =	ssub.s32 @!p0 $0x0, s1;
	[sflag:s0] =	ssyncset.done @!p0 $0x0  }
0x2c5: {  	[sflag:s0] =	ssyncadd.s32 @!p0 s1  }
0x2c6: {  	[bflag:$0x3] =	sbarrier.arrive $0xFFFF  }
0x2c7: {  	_ =	shalt  }

</sc_bundles>
